<compile_context>
chip_gen: v7x
topology: tpu7x:2x2x1
jax: 0.10.2.dev20260603
libtpu: 0.0.44.dev20260713+nightly
codegen_flags: <defaults>
</compile_context>

<pallas_src>
import jax
import jax.numpy as jnp
from jax import lax
from jax.experimental import pallas as pl
from jax.experimental.pallas import tpu as pltpu
from jax.experimental.pallas import tpu_sc as plsc

D = 64
LN_EPS = 1e-5
NC = 2
NS = 16
NW = NC * NS
TPAD = 273

_GATHER_DNUMS = lax.GatherDimensionNumbers(
    offset_dims=(), collapsed_slice_dims=(0,), start_index_map=(0,))


def _lane_sum(x):
    lane = lax.iota(jnp.int32, 16)
    for s in (1, 2, 4, 8):
        p = (lane ^ s).reshape(16, 1)
        x = x + lax.gather(x, p, _GATHER_DNUMS, (1,),
                           mode=lax.GatherScatterMode.PROMISE_IN_BOUNDS)
    return x


def _ln_row_t(gbuf, tbuf, r, g_regs, b_regs, kbase):
    v = [gbuf[r, pl.ds(16 * k, 16)] for k in range(4)]
    s = _lane_sum(v[0] + v[1] + v[2] + v[3])
    ss = _lane_sum(v[0] * v[0] + (v[1] * v[1] + (v[2] * v[2] + v[3] * v[3])))
    mean = s * (1.0 / 64.0)
    var = ss * (1.0 / 64.0) - mean * mean
    x = var + LN_EPS
    i = lax.bitcast_convert_type(x, jnp.int32)
    i = jnp.int32(0x5F3759DF) - lax.shift_right_logical(i, 1)
    y = lax.bitcast_convert_type(i, jnp.float32)
    xh = 0.5 * x
    y = y * (1.5 - xh * y * y)
    y = y * (1.5 - xh * y * y)
    nb = -mean * y
    rv = jnp.full((16,), r, jnp.int32)
    for k in range(4):
        o = (v[k] * y + nb) * g_regs[k] + b_regs[k]
        plsc.store_scatter(tbuf, [kbase[k], rv], o)


def _make_sc_call(batch, n_l, chunk):
    stripe = batch // NW
    halves = stripe // chunk
    n_chunks = n_l * halves
    n_cols = batch // chunk
    mesh = plsc.VectorSubcoreMesh(core_axis_name="c", subcore_axis_name="s")

    def body(x_hbm, tab_hbm, g_hbm, b_hbm, out_hbm,
             idx_all, g0, g1, t0, t1, g_v, b_v,
             sg0, sg1, so0, so1):
        wid = lax.axis_index("s") * NC + lax.axis_index("c")
        pltpu.sync_copy(x_hbm.at[wid], idx_all)
        pltpu.sync_copy(g_hbm, g_v)
        pltpu.sync_copy(b_hbm, b_v)
        g_regs = [g_v[pl.ds(16 * k, 16)] for k in range(4)]
        b_regs = [b_v[pl.ds(16 * k, 16)] for k in range(4)]
        lane = lax.iota(jnp.int32, 16)
        kbase = [lane + (16 * k) for k in range(4)]
        bufs = ((g0, t0, sg0, so0), (g1, t1, sg1, so1))

        def fire_gather(c, g, sg):
            pltpu.async_copy(
                tab_hbm.at[idx_all.at[c >> 1, c & (halves - 1)]], g, sg)

        def wait_gather(c, g, sg):
            pltpu.make_async_copy(
                tab_hbm.at[idx_all.at[c >> 1, c & (halves - 1)]], g, sg
            ).wait()

        def out_slice(c):
            col = wid * halves + (c & (halves - 1))
            return out_hbm.at[c >> 1, :, col, :]

        def fire_out(c, t, so):
            pltpu.async_copy(t.at[:, pl.ds(0, chunk)], out_slice(c), so)

        def wait_out(c, t, so):
            pltpu.make_async_copy(
                t.at[:, pl.ds(0, chunk)], out_slice(c), so).wait()

        def compute(g, t):
            @plsc.parallel_loop(0, chunk, unroll=4)
            def _row(r):
                _ln_row_t(g, t, r, g_regs, b_regs, kbase)

        def step(c, p, first):
            g_m, t_m, sg_m, so_m = bufs[p]
            g_o, t_o, sg_o, so_o = bufs[1 - p]
            if not first:
                wait_out(c - 1, t_o, so_o)

            @pl.when(c + 1 < n_chunks)
            def _():
                fire_gather(c + 1, g_o, sg_o)

            wait_gather(c, g_m, sg_m)
            compute(g_m, t_m)
            fire_out(c, t_m, so_m)

        fire_gather(0, g0, sg0)
        step(0, 0, first=True)

        @pl.loop(1, n_chunks)
        def _chunk(c):
            @pl.when((c & 1) == 1)
            def _():
                step(c, 1, first=False)

            @pl.when((c & 1) == 0)
            def _():
                step(c, 0, first=False)

        last = (n_chunks - 1) & 1
        wait_out(n_chunks - 1, bufs[last][1], bufs[last][3])

    return pl.kernel(
        body,
        out_type=jax.ShapeDtypeStruct((n_l, D, n_cols, chunk), jnp.float32),
        mesh=mesh,
        scratch_types=[
            pltpu.VMEM((n_l, halves, chunk), jnp.int32),
            pltpu.VMEM((chunk, D), jnp.float32),
            pltpu.VMEM((chunk, D), jnp.float32),
            pltpu.VMEM((D, TPAD), jnp.float32),
            pltpu.VMEM((D, TPAD), jnp.float32),
            pltpu.VMEM((D,), jnp.float32),
            pltpu.VMEM((D,), jnp.float32),
            pltpu.SemaphoreType.DMA,
            pltpu.SemaphoreType.DMA,
            pltpu.SemaphoreType.DMA,
            pltpu.SemaphoreType.DMA,
        ],
        compiler_params=pltpu.CompilerParams(
            use_tc_tiling_on_sc=False, needs_layout_passes=False),
    )


def kernel(x, table, gamma, beta):
    b, l = x.shape
    chunk = 256
    xt = x.T.reshape(l, NW, b // (NW * chunk), chunk).transpose(1, 0, 2, 3)
    out = _make_sc_call(b, l, chunk)(xt, table, gamma, beta)
    return out.reshape(l, D, b).transpose(2, 0, 1)

# --- scband reference (transcript-rebuilt; emitter-appended) ---
"""Pipeline reference for scband-batch2-label-encoder-20564303413377 (READ-ONLY COPY).

The authoritative reference and input builder live on the scoring server;
editing this copy changes nothing except your own understanding.
"""

import jax, jax.numpy as jnp
import numpy as np

NUM_EMBEDDINGS = 1000000
EMBEDDING_DIM = 64
LN_EPS = 1e-5


def setup_inputs(seed: int = 0) -> dict:
    key = jax.random.key(seed)
    k_idx, k_tab = jax.random.split(key)
    x = jax.random.randint(k_idx, (16384, 50), 0, NUM_EMBEDDINGS, dtype=jnp.int32)
    table = jax.random.normal(k_tab, (NUM_EMBEDDINGS, EMBEDDING_DIM), dtype=jnp.float32)
    gamma = jnp.ones((EMBEDDING_DIM,), dtype=jnp.float32)
    beta = jnp.zeros((EMBEDDING_DIM,), dtype=jnp.float32)
    return {"x": x, "table": table, "gamma": gamma, "beta": beta}


def reference(x, table, gamma, beta):
    # Embedding lookup (gather)
    emb = jnp.take(table, x, axis=0)  # [B, L, D]
    # LayerNorm over last dim
    mean = jnp.mean(emb, axis=-1, keepdims=True)
    var = jnp.mean(jnp.square(emb - mean), axis=-1, keepdims=True)
    normed = (emb - mean) / jnp.sqrt(var + LN_EPS)
    out = normed * gamma + beta
    return out

if __name__ == "__main__":
    import jax
    _d = setup_inputs()
    print(jax.jit(kernel)(*tuple(_d.values())))

</pallas_src>

<mosaic_0001>
#map = affine_map<(d0, d1) -> (0, 0, 0, 0)>
#map1 = affine_map<(d0, d1) -> (0, 0)>
#map2 = affine_map<(d0, d1) -> (0)>
module attributes {stable_mosaic.version = 14 : i64} {
  func.func @body(%arg0: i32, %arg1: i32, %arg2: memref<32x50x2x256xi32, #tpu.memory_space<hbm>>, %arg3: memref<1000000x64xf32, #tpu.memory_space<hbm>>, %arg4: memref<64xf32, #tpu.memory_space<hbm>>, %arg5: memref<64xf32, #tpu.memory_space<hbm>>, %arg6: memref<50x64x64x256xf32, #tpu.memory_space<hbm>>, %arg7: memref<50x2x256xi32, #tpu.memory_space<vmem>>, %arg8: memref<256x64xf32, #tpu.memory_space<vmem>>, %arg9: memref<256x64xf32, #tpu.memory_space<vmem>>, %arg10: memref<64x273xf32, #tpu.memory_space<vmem>>, %arg11: memref<64x273xf32, #tpu.memory_space<vmem>>, %arg12: memref<64xf32, #tpu.memory_space<vmem>>, %arg13: memref<64xf32, #tpu.memory_space<vmem>>, %arg14: memref<!tpu.dma_semaphore, #tpu.memory_space<semaphore_mem>>, %arg15: memref<!tpu.dma_semaphore, #tpu.memory_space<semaphore_mem>>, %arg16: memref<!tpu.dma_semaphore, #tpu.memory_space<semaphore_mem>>, %arg17: memref<!tpu.dma_semaphore, #tpu.memory_space<semaphore_mem>>) attributes {dimension_semantics = [#tpu.dimension_semantics<core_parallel>, #tpu.dimension_semantics<subcore_parallel>], iteration_bounds = array<i64: 2, 16>, scalar_prefetch = 0 : i64, scratch_operands = 11 : i64, tpu.core_type = #tpu.core_type<sc_vector_subcore>, window_params = [{transform_indices = #map}, {transform_indices = #map1}, {transform_indices = #map2}, {transform_indices = #map2}, {transform_indices = #map}]} {
    %mul3A = arith.constant 2 : i32
    %mul3A_0 = arith.muli %arg1, %mul3A : i32
    %add3A = arith.addi %mul3A_0, %arg0 : i32
    "tpu.region"() ({
      %run_scoped3A = tpu.sem_alloc : memref<!tpu.dma_semaphore, #tpu.memory_space<semaphore_mem>>
      %dma_start3A_94 = arith.constant 0 : i32
      %dma_start3A_95 = arith.constant 0 : i32
      %dma_start3A_96 = arith.constant 0 : i32
      %dma_start3A_97 = tpu.memref_slice %arg2[%add3A, %dma_start3A_94, %dma_start3A_95, %dma_start3A_96] : memref<32x50x2x256xi32, #tpu.memory_space<hbm>> -> memref<1x50x2x256xi32, #tpu.memory_space<hbm>>
      %dma_start3A_98 = tpu.memref_squeeze %dma_start3A_97 : memref<1x50x2x256xi32, #tpu.memory_space<hbm>> -> memref<50x2x256xi32, #tpu.memory_space<hbm>>
      %dma_start3A_99 = arith.constant 0 : i32
      %dma_start3A_100 = arith.constant 0 : i32
      %dma_start3A_101 = arith.constant 0 : i32
      %dma_start3A_102 = tpu.memref_slice %arg2[%add3A, %dma_start3A_99, %dma_start3A_100, %dma_start3A_101] : memref<32x50x2x256xi32, #tpu.memory_space<hbm>> -> memref<1x50x2x256xi32, #tpu.memory_space<hbm>>
      %dma_start3A_103 = tpu.memref_squeeze %dma_start3A_102 : memref<1x50x2x256xi32, #tpu.memory_space<hbm>> -> memref<50x2x256xi32, #tpu.memory_space<hbm>>
      tpu.enqueue_dma source(%dma_start3A_103 : memref<50x2x256xi32, #tpu.memory_space<hbm>>) target(%arg7 : memref<50x2x256xi32, #tpu.memory_space<vmem>>) target_semaphore(%run_scoped3A : memref<!tpu.dma_semaphore, #tpu.memory_space<semaphore_mem>>)
      %dma_wait3A_104 = arith.constant 0 : i32
      %dma_wait3A_105 = arith.constant 0 : i32
      %dma_wait3A_106 = arith.constant 0 : i32
      %dma_wait3A_107 = tpu.memref_slice %arg2[%add3A, %dma_wait3A_104, %dma_wait3A_105, %dma_wait3A_106] : memref<32x50x2x256xi32, #tpu.memory_space<hbm>> -> memref<1x50x2x256xi32, #tpu.memory_space<hbm>>
      %dma_wait3A_108 = tpu.memref_squeeze %dma_wait3A_107 : memref<1x50x2x256xi32, #tpu.memory_space<hbm>> -> memref<50x2x256xi32, #tpu.memory_space<hbm>>
      %dma_wait3A_109 = arith.constant 0 : i32
      %dma_wait3A_110 = arith.constant 0 : i32
      %dma_wait3A_111 = arith.constant 0 : i32
      %dma_wait3A_112 = tpu.memref_slice %arg2[%add3A, %dma_wait3A_109, %dma_wait3A_110, %dma_wait3A_111] : memref<32x50x2x256xi32, #tpu.memory_space<hbm>> -> memref<1x50x2x256xi32, #tpu.memory_space<hbm>>
      %dma_wait3A_113 = tpu.memref_squeeze %dma_wait3A_112 : memref<1x50x2x256xi32, #tpu.memory_space<hbm>> -> memref<50x2x256xi32, #tpu.memory_space<hbm>>
      tpu.wait_dma2 semaphore(%run_scoped3A : memref<!tpu.dma_semaphore, #tpu.memory_space<semaphore_mem>>) src(%dma_wait3A_113 : memref<50x2x256xi32, #tpu.memory_space<hbm>>) dst(%arg7 : memref<50x2x256xi32, #tpu.memory_space<vmem>>)
      tpu.yield
    }) : () -> ()
    "tpu.region"() ({
      %run_scoped3A = tpu.sem_alloc : memref<!tpu.dma_semaphore, #tpu.memory_space<semaphore_mem>>
      tpu.enqueue_dma source(%arg4 : memref<64xf32, #tpu.memory_space<hbm>>) target(%arg12 : memref<64xf32, #tpu.memory_space<vmem>>) target_semaphore(%run_scoped3A : memref<!tpu.dma_semaphore, #tpu.memory_space<semaphore_mem>>)
      tpu.wait_dma2 semaphore(%run_scoped3A : memref<!tpu.dma_semaphore, #tpu.memory_space<semaphore_mem>>) src(%arg4 : memref<64xf32, #tpu.memory_space<hbm>>) dst(%arg12 : memref<64xf32, #tpu.memory_space<vmem>>)
      tpu.yield
    }) : () -> ()
    "tpu.region"() ({
      %run_scoped3A = tpu.sem_alloc : memref<!tpu.dma_semaphore, #tpu.memory_space<semaphore_mem>>
      tpu.enqueue_dma source(%arg5 : memref<64xf32, #tpu.memory_space<hbm>>) target(%arg13 : memref<64xf32, #tpu.memory_space<vmem>>) target_semaphore(%run_scoped3A : memref<!tpu.dma_semaphore, #tpu.memory_space<semaphore_mem>>)
      tpu.wait_dma2 semaphore(%run_scoped3A : memref<!tpu.dma_semaphore, #tpu.memory_space<semaphore_mem>>) src(%arg5 : memref<64xf32, #tpu.memory_space<hbm>>) dst(%arg13 : memref<64xf32, #tpu.memory_space<vmem>>)
      tpu.yield
    }) : () -> ()
    %get3A = arith.constant 0 : index
    %get3A_1 = tpu.vector_load %arg12[%get3A] {strides = array<i32>} : memref<64xf32, #tpu.memory_space<vmem>>, vector<16xf32>,
    %get3A_2 = arith.constant 16 : index
    %get3A_3 = tpu.vector_load %arg12[%get3A_2] {strides = array<i32>} : memref<64xf32, #tpu.memory_space<vmem>>, vector<16xf32>,
    %get3A_4 = arith.constant 32 : index
    %get3A_5 = tpu.vector_load %arg12[%get3A_4] {strides = array<i32>} : memref<64xf32, #tpu.memory_space<vmem>>, vector<16xf32>,
    %get3A_6 = arith.constant 48 : index
    %get3A_7 = tpu.vector_load %arg12[%get3A_6] {strides = array<i32>} : memref<64xf32, #tpu.memory_space<vmem>>, vector<16xf32>,
    %get3A_8 = arith.constant 0 : index
    %get3A_9 = tpu.vector_load %arg13[%get3A_8] {strides = array<i32>} : memref<64xf32, #tpu.memory_space<vmem>>, vector<16xf32>,
    %get3A_10 = arith.constant 16 : index
    %get3A_11 = tpu.vector_load %arg13[%get3A_10] {strides = array<i32>} : memref<64xf32, #tpu.memory_space<vmem>>, vector<16xf32>,
    %get3A_12 = arith.constant 32 : index
    %get3A_13 = tpu.vector_load %arg13[%get3A_12] {strides = array<i32>} : memref<64xf32, #tpu.memory_space<vmem>>, vector<16xf32>,
    %get3A_14 = arith.constant 48 : index
    %get3A_15 = tpu.vector_load %arg13[%get3A_14] {strides = array<i32>} : memref<64xf32, #tpu.memory_space<vmem>>, vector<16xf32>,
    %iota3A = tpu.iota {dimensions = array<i32: 0>} : vector<16xi32>
    %add3A_16 = arith.constant 0 : i32
    %add3A_17 = vector.broadcast %add3A_16 : i32 to vector<16xi32>
    %add3A_18 = arith.addi %iota3A, %add3A_17 : vector<16xi32>
    %add3A_19 = arith.constant 16 : i32
    %add3A_20 = vector.broadcast %add3A_19 : i32 to vector<16xi32>
    %add3A_21 = arith.addi %iota3A, %add3A_20 : vector<16xi32>
    %add3A_22 = arith.constant 32 : i32
    %add3A_23 = vector.broadcast %add3A_22 : i32 to vector<16xi32>
    %add3A_24 = arith.addi %iota3A, %add3A_23 : vector<16xi32>
    %add3A_25 = arith.constant 48 : i32
    %add3A_26 = vector.broadcast %add3A_25 : i32 to vector<16xi32>
    %add3A_27 = arith.addi %iota3A, %add3A_26 : vector<16xi32>
    %dma_start3A = arith.constant 0 : i32
    %dma_start3A_28 = arith.constant 0 : i32
    %dma_start3A_29 = arith.constant 0 : i32
    %dma_start3A_30 = tpu.memref_slice %arg7[%dma_start3A, %dma_start3A_28, %dma_start3A_29] : memref<50x2x256xi32, #tpu.memory_space<vmem>> -> memref<1x1x256xi32, #tpu.memory_space<vmem>>
    %dma_start3A_31 = tpu.memref_squeeze %dma_start3A_30 : memref<1x1x256xi32, #tpu.memory_space<vmem>> -> memref<256xi32, #tpu.memory_space<vmem>>
    %dma_start3A_32 = arith.constant 0 : i32
    %dma_start3A_33 = arith.constant 0 : i32
    %dma_start3A_34 = tpu.memref_slice %arg3[%dma_start3A_32, %dma_start3A_33] : memref<1000000x64xf32, #tpu.memory_space<hbm>> -> memref<1000000x64xf32, #tpu.memory_space<hbm>>
    tpu.enqueue_indirect_dma source(%dma_start3A_34 : memref<1000000x64xf32, #tpu.memory_space<hbm>>) target(%arg8 : memref<256x64xf32, #tpu.memory_space<vmem>>) offsets(%dma_start3A_31 : memref<256xi32, #tpu.memory_space<vmem>>) semaphore(%arg14 : memref<!tpu.dma_semaphore, #tpu.memory_space<semaphore_mem>>)
    %dma_start3A_35 = arith.constant 0 : i32
    %dma_start3A_36 = arith.constant 1 : i32
    %dma_start3A_37 = arith.constant 0 : i32
    %dma_start3A_38 = tpu.memref_slice %arg7[%dma_start3A_35, %dma_start3A_36, %dma_start3A_37] : memref<50x2x256xi32, #tpu.memory_space<vmem>> -> memref<1x1x256xi32, #tpu.memory_space<vmem>>
    %dma_start3A_39 = tpu.memref_squeeze %dma_start3A_38 : memref<1x1x256xi32, #tpu.memory_space<vmem>> -> memref<256xi32, #tpu.memory_space<vmem>>
    %dma_start3A_40 = arith.constant 0 : i32
    %dma_start3A_41 = arith.constant 0 : i32
    %dma_start3A_42 = tpu.memref_slice %arg3[%dma_start3A_40, %dma_start3A_41] : memref<1000000x64xf32, #tpu.memory_space<hbm>> -> memref<1000000x64xf32, #tpu.memory_space<hbm>>
    tpu.enqueue_indirect_dma source(%dma_start3A_42 : memref<1000000x64xf32, #tpu.memory_space<hbm>>) target(%arg9 : memref<256x64xf32, #tpu.memory_space<vmem>>) offsets(%dma_start3A_39 : memref<256xi32, #tpu.memory_space<vmem>>) semaphore(%arg15 : memref<!tpu.dma_semaphore, #tpu.memory_space<semaphore_mem>>)
    %dma_wait3A = arith.constant 0 : i32
    %dma_wait3A_43 = arith.constant 0 : i32
    %dma_wait3A_44 = arith.constant 0 : i32
    %dma_wait3A_45 = tpu.memref_slice %arg7[%dma_wait3A, %dma_wait3A_43, %dma_wait3A_44] : memref<50x2x256xi32, #tpu.memory_space<vmem>> -> memref<1x1x256xi32, #tpu.memory_space<vmem>>
    %dma_wait3A_46 = tpu.memref_squeeze %dma_wait3A_45 : memref<1x1x256xi32, #tpu.memory_space<vmem>> -> memref<256xi32, #tpu.memory_space<vmem>>
    %dma_wait3A_47 = arith.constant 0 : i32
    %dma_wait3A_48 = arith.constant 0 : i32
    %dma_wait3A_49 = tpu.memref_slice %arg3[%dma_wait3A_47, %dma_wait3A_48] : memref<1000000x64xf32, #tpu.memory_space<hbm>> -> memref<1000000x64xf32, #tpu.memory_space<hbm>>
    tpu.wait_indirect_dma semaphore(%arg14 : memref<!tpu.dma_semaphore, #tpu.memory_space<semaphore_mem>>) src(%dma_wait3A_49 : memref<1000000x64xf32, #tpu.memory_space<hbm>>) dst(%arg8 : memref<256x64xf32, #tpu.memory_space<vmem>>)
    %parallel_loop3A = arith.constant 0 : i32
    %parallel_loop3A_50 = arith.constant 256 : i32
    %parallel_loop3A_51 = arith.constant 1 : i32
    scf.for %parallel_loop3A_94 = %parallel_loop3A to %parallel_loop3A_50 step %parallel_loop3A_51  : i32 {
      %parallel_loop3A_95 = arith.index_cast %parallel_loop3A_94 : i32 to index
      %parallel_loop3A_96 = arith.constant 0 : index
      %parallel_loop3A_97 = tpu.vector_load %arg8[%parallel_loop3A_95, %parallel_loop3A_96] {strides = array<i32>} : memref<256x64xf32, #tpu.memory_space<vmem>>, vector<16xf32>,
      %parallel_loop3A_98 = arith.index_cast %parallel_loop3A_94 : i32 to index
      %parallel_loop3A_99 = arith.constant 16 : index
      %parallel_loop3A_100 = tpu.vector_load %arg8[%parallel_loop3A_98, %parallel_loop3A_99] {strides = array<i32>} : memref<256x64xf32, #tpu.memory_space<vmem>>, vector<16xf32>,
      %parallel_loop3A_101 = arith.index_cast %parallel_loop3A_94 : i32 to index
      %parallel_loop3A_102 = arith.constant 32 : index
      %parallel_loop3A_103 = tpu.vector_load %arg8[%parallel_loop3A_101, %parallel_loop3A_102] {strides = array<i32>} : memref<256x64xf32, #tpu.memory_space<vmem>>, vector<16xf32>,
      %parallel_loop3A_104 = arith.index_cast %parallel_loop3A_94 : i32 to index
      %parallel_loop3A_105 = arith.constant 48 : index
      %parallel_loop3A_106 = tpu.vector_load %arg8[%parallel_loop3A_104, %parallel_loop3A_105] {strides = array<i32>} : memref<256x64xf32, #tpu.memory_space<vmem>>, vector<16xf32>,
      %parallel_loop3A_107 = arith.addf %parallel_loop3A_97, %parallel_loop3A_100 : vector<16xf32>
      %parallel_loop3A_108 = arith.addf %parallel_loop3A_107, %parallel_loop3A_103 : vector<16xf32>
      %parallel_loop3A_109 = arith.addf %parallel_loop3A_108, %parallel_loop3A_106 : vector<16xf32>
      %parallel_loop3A_110 = tpu.iota {dimensions = array<i32: 0>} : vector<16xi32>
      %parallel_loop3A_111 = arith.constant 1 : i32
      %parallel_loop3A_112 = vector.broadcast %parallel_loop3A_111 : i32 to vector<16xi32>
      %parallel_loop3A_113 = arith.xori %parallel_loop3A_110, %parallel_loop3A_112 : vector<16xi32>
      %parallel_loop3A_114 = vector.shape_cast %parallel_loop3A_113 : vector<16xi32> to vector<16x1xi32>
      %parallel_loop3A_115 = vector.shape_cast %parallel_loop3A_114 : vector<16x1xi32> to vector<16xi32>
      %parallel_loop3A_116 = tpu.dynamic_gather %parallel_loop3A_109[%parallel_loop3A_115] in [0] : vector<16xf32>, vector<16xi32> -> vector<16xf32>
      %parallel_loop3A_117 = arith.addf %parallel_loop3A_109, %parallel_loop3A_116 : vector<16xf32>
      %parallel_loop3A_118 = arith.constant 2 : i32
      %parallel_loop3A_119 = vector.broadcast %parallel_loop3A_118 : i32 to vector<16xi32>
      %parallel_loop3A_120 = arith.xori %parallel_loop3A_110, %parallel_loop3A_119 : vector<16xi32>
      %parallel_loop3A_121 = vector.shape_cast %parallel_loop3A_120 : vector<16xi32> to vector<16x1xi32>
      %parallel_loop3A_122 = vector.shape_cast %parallel_loop3A_121 : vector<16x1xi32> to vector<16xi32>
      %parallel_loop3A_123 = tpu.dynamic_gather %parallel_loop3A_117[%parallel_loop3A_122] in [0] : vector<16xf32>, vector<16xi32> -> vector<16xf32>
      %parallel_loop3A_124 = arith.addf %parallel_loop3A_117, %parallel_loop3A_123 : vector<16xf32>
      %parallel_loop3A_125 = arith.constant 4 : i32
      %parallel_loop3A_126 = vector.broadcast %parallel_loop3A_125 : i32 to vector<16xi32>
      %parallel_loop3A_127 = arith.xori %parallel_loop3A_110, %parallel_loop3A_126 : vector<16xi32>
      %parallel_loop3A_128 = vector.shape_cast %parallel_loop3A_127 : vector<16xi32> to vector<16x1xi32>
      %parallel_loop3A_129 = vector.shape_cast %parallel_loop3A_128 : vector<16x1xi32> to vector<16xi32>
      %parallel_loop3A_130 = tpu.dynamic_gather %parallel_loop3A_124[%parallel_loop3A_129] in [0] : vector<16xf32>, vector<16xi32> -> vector<16xf32>
      %parallel_loop3A_131 = arith.addf %parallel_loop3A_124, %parallel_loop3A_130 : vector<16xf32>
      %parallel_loop3A_132 = arith.constant 8 : i32
      %parallel_loop3A_133 = vector.broadcast %parallel_loop3A_132 : i32 to vector<16xi32>
      %parallel_loop3A_134 = arith.xori %parallel_loop3A_110, %parallel_loop3A_133 : vector<16xi32>
      %parallel_loop3A_135 = vector.shape_cast %parallel_loop3A_134 : vector<16xi32> to vector<16x1xi32>
      %parallel_loop3A_136 = vector.shape_cast %parallel_loop3A_135 : vector<16x1xi32> to vector<16xi32>
      %parallel_loop3A_137 = tpu.dynamic_gather %parallel_loop3A_131[%parallel_loop3A_136] in [0] : vector<16xf32>, vector<16xi32> -> vector<16xf32>
      %parallel_loop3A_138 = arith.addf %parallel_loop3A_131, %parallel_loop3A_137 : vector<16xf32>
      %parallel_loop3A_139 = arith.mulf %parallel_loop3A_97, %parallel_loop3A_97 : vector<16xf32>
      %parallel_loop3A_140 = arith.mulf %parallel_loop3A_100, %parallel_loop3A_100 : vector<16xf32>
      %parallel_loop3A_141 = arith.mulf %parallel_loop3A_103, %parallel_loop3A_103 : vector<16xf32>
      %parallel_loop3A_142 = arith.mulf %parallel_loop3A_106, %parallel_loop3A_106 : vector<16xf32>
      %parallel_loop3A_143 = arith.addf %parallel_loop3A_141, %parallel_loop3A_142 : vector<16xf32>
      %parallel_loop3A_144 = arith.addf %parallel_loop3A_140, %parallel_loop3A_143 : vector<16xf32>
      %parallel_loop3A_145 = arith.addf %parallel_loop3A_139, %parallel_loop3A_144 : vector<16xf32>
      %parallel_loop3A_146 = tpu.iota {dimensions = array<i32: 0>} : vector<16xi32>
      %parallel_loop3A_147 = arith.constant 1 : i32
      %parallel_loop3A_148 = vector.broadcast %parallel_loop3A_147 : i32 to vector<16xi32>
      %parallel_loop3A_149 = arith.xori %parallel_loop3A_146, %parallel_loop3A_148 : vector<16xi32>
      %parallel_loop3A_150 = vector.shape_cast %parallel_loop3A_149 : vector<16xi32> to vector<16x1xi32>
      %parallel_loop3A_151 = vector.shape_cast %parallel_loop3A_150 : vector<16x1xi32> to vector<16xi32>
      %parallel_loop3A_152 = tpu.dynamic_gather %parallel_loop3A_145[%parallel_loop3A_151] in [0] : vector<16xf32>, vector<16xi32> -> vector<16xf32>
      %parallel_loop3A_153 = arith.addf %parallel_loop3A_145, %parallel_loop3A_152 : vector<16xf32>
      %parallel_loop3A_154 = arith.constant 2 : i32
      %parallel_loop3A_155 = vector.broadcast %parallel_loop3A_154 : i32 to vector<16xi32>
      %parallel_loop3A_156 = arith.xori %parallel_loop3A_146, %parallel_loop3A_155 : vector<16xi32>
      %parallel_loop3A_157 = vector.shape_cast %parallel_loop3A_156 : vector<16xi32> to vector<16x1xi32>
      %parallel_loop3A_158 = vector.shape_cast %parallel_loop3A_157 : vector<16x1xi32> to vector<16xi32>
      %parallel_loop3A_159 = tpu.dynamic_gather %parallel_loop3A_153[%parallel_loop3A_158] in [0] : vector<16xf32>, vector<16xi32> -> vector<16xf32>
      %parallel_loop3A_160 = arith.addf %parallel_loop3A_153, %parallel_loop3A_159 : vector<16xf32>
      %parallel_loop3A_161 = arith.constant 4 : i32
      %parallel_loop3A_162 = vector.broadcast %parallel_loop3A_161 : i32 to vector<16xi32>
      %parallel_loop3A_163 = arith.xori %parallel_loop3A_146, %parallel_loop3A_162 : vector<16xi32>
      %parallel_loop3A_164 = vector.shape_cast %parallel_loop3A_163 : vector<16xi32> to vector<16x1xi32>
      %parallel_loop3A_165 = vector.shape_cast %parallel_loop3A_164 : vector<16x1xi32> to vector<16xi32>
      %parallel_loop3A_166 = tpu.dynamic_gather %parallel_loop3A_160[%parallel_loop3A_165] in [0] : vector<16xf32>, vector<16xi32> -> vector<16xf32>
      %parallel_loop3A_167 = arith.addf %parallel_loop3A_160, %parallel_loop3A_166 : vector<16xf32>
      %parallel_loop3A_168 = arith.constant 8 : i32
      %parallel_loop3A_169 = vector.broadcast %parallel_loop3A_168 : i32 to vector<16xi32>
      %parallel_loop3A_170 = arith.xori %parallel_loop3A_146, %parallel_loop3A_169 : vector<16xi32>
      %parallel_loop3A_171 = vector.shape_cast %parallel_loop3A_170 : vector<16xi32> to vector<16x1xi32>
      %parallel_loop3A_172 = vector.shape_cast %parallel_loop3A_171 : vector<16x1xi32> to vector<16xi32>
      %parallel_loop3A_173 = tpu.dynamic_gather %parallel_loop3A_167[%parallel_loop3A_172] in [0] : vector<16xf32>, vector<16xi32> -> vector<16xf32>
      %parallel_loop3A_174 = arith.addf %parallel_loop3A_167, %parallel_loop3A_173 : vector<16xf32>
      %parallel_loop3A_175 = arith.constant 1.562500e-02 : f32
      %parallel_loop3A_176 = vector.broadcast %parallel_loop3A_175 : f32 to vector<16xf32>
      %parallel_loop3A_177 = arith.mulf %parallel_loop3A_138, %parallel_loop3A_176 : vector<16xf32>
      %parallel_loop3A_178 = arith.constant 1.562500e-02 : f32
      %parallel_loop3A_179 = vector.broadcast %parallel_loop3A_178 : f32 to vector<16xf32>
      %parallel_loop3A_180 = arith.mulf %parallel_loop3A_174, %parallel_loop3A_179 : vector<16xf32>
      %parallel_loop3A_181 = arith.mulf %parallel_loop3A_177, %parallel_loop3A_177 : vector<16xf32>
      %parallel_loop3A_182 = arith.subf %parallel_loop3A_180, %parallel_loop3A_181 : vector<16xf32>
      %parallel_loop3A_183 = arith.constant 9.99999974E-6 : f32
      %parallel_loop3A_184 = vector.broadcast %parallel_loop3A_183 : f32 to vector<16xf32>
      %parallel_loop3A_185 = arith.addf %parallel_loop3A_182, %parallel_loop3A_184 : vector<16xf32>
      %parallel_loop3A_186 = tpu.bitcast %parallel_loop3A_185 : vector<16xf32> -> vector<16xi32>
      %parallel_loop3A_187 = arith.constant 1 : i32
      %parallel_loop3A_188 = vector.broadcast %parallel_loop3A_187 : i32 to vector<16xi32>
      %parallel_loop3A_189 = arith.shrui %parallel_loop3A_186, %parallel_loop3A_188 : vector<16xi32>
      %parallel_loop3A_190 = arith.constant 1597463007 : i32
      %parallel_loop3A_191 = vector.broadcast %parallel_loop3A_190 : i32 to vector<16xi32>
      %parallel_loop3A_192 = arith.subi %parallel_loop3A_191, %parallel_loop3A_189 : vector<16xi32>
      %parallel_loop3A_193 = tpu.bitcast %parallel_loop3A_192 : vector<16xi32> -> vector<16xf32>
      %parallel_loop3A_194 = arith.constant 5.000000e-01 : f32
      %parallel_loop3A_195 = vector.broadcast %parallel_loop3A_194 : f32 to vector<16xf32>
      %parallel_loop3A_196 = arith.mulf %parallel_loop3A_195, %parallel_loop3A_185 : vector<16xf32>
      %parallel_loop3A_197 = arith.mulf %parallel_loop3A_196, %parallel_loop3A_193 : vector<16xf32>
      %parallel_loop3A_198 = arith.mulf %parallel_loop3A_197, %parallel_loop3A_193 : vector<16xf32>
      %parallel_loop3A_199 = arith.constant 1.500000e+00 : f32
      %parallel_loop3A_200 = vector.broadcast %parallel_loop3A_199 : f32 to vector<16xf32>
      %parallel_loop3A_201 = arith.subf %parallel_loop3A_200, %parallel_loop3A_198 : vector<16xf32>
      %parallel_loop3A_202 = arith.mulf %parallel_loop3A_193, %parallel_loop3A_201 : vector<16xf32>
      %parallel_loop3A_203 = arith.mulf %parallel_loop3A_196, %parallel_loop3A_202 : vector<16xf32>
      %parallel_loop3A_204 = arith.mulf %parallel_loop3A_203, %parallel_loop3A_202 : vector<16xf32>
      %parallel_loop3A_205 = arith.constant 1.500000e+00 : f32
      %parallel_loop3A_206 = vector.broadcast %parallel_loop3A_205 : f32 to vector<16xf32>
      %parallel_loop3A_207 = arith.subf %parallel_loop3A_206, %parallel_loop3A_204 : vector<16xf32>
      %parallel_loop3A_208 = arith.mulf %parallel_loop3A_202, %parallel_loop3A_207 : vector<16xf32>
      %parallel_loop3A_209 = arith.constant 0.000000e+00 : f32
      %parallel_loop3A_210 = vector.broadcast %parallel_loop3A_209 : f32 to vector<16xf32>
      %parallel_loop3A_211 = arith.subf %parallel_loop3A_210, %parallel_loop3A_177 : vector<16xf32>
      %parallel_loop3A_212 = arith.mulf %parallel_loop3A_211, %parallel_loop3A_208 : vector<16xf32>
      %parallel_loop3A_213 = vector.broadcast %parallel_loop3A_94 : i32 to vector<16xi32>
      %parallel_loop3A_214 = arith.mulf %parallel_loop3A_97, %parallel_loop3A_208 : vector<16xf32>
      %parallel_loop3A_215 = arith.addf %parallel_loop3A_214, %parallel_loop3A_212 : vector<16xf32>
      %parallel_loop3A_216 = arith.mulf %parallel_loop3A_215, %get3A_1 : vector<16xf32>
      %parallel_loop3A_217 = arith.addf %parallel_loop3A_216, %get3A_9 : vector<16xf32>
      tpu.vector_store_idx %arg10[%add3A_18, %parallel_loop3A_213], %parallel_loop3A_217 : memref<64x273xf32, #tpu.memory_space<vmem>>[vector<16xi32>, vector<16xi32>], vector<16xf32>,
      %parallel_loop3A_218 = arith.mulf %parallel_loop3A_100, %parallel_loop3A_208 : vector<16xf32>
      %parallel_loop3A_219 = arith.addf %parallel_loop3A_218, %parallel_loop3A_212 : vector<16xf32>
      %parallel_loop3A_220 = arith.mulf %parallel_loop3A_219, %get3A_3 : vector<16xf32>
      %parallel_loop3A_221 = arith.addf %parallel_loop3A_220, %get3A_11 : vector<16xf32>
      tpu.vector_store_idx %arg10[%add3A_21, %parallel_loop3A_213], %parallel_loop3A_221 : memref<64x273xf32, #tpu.memory_space<vmem>>[vector<16xi32>, vector<16xi32>], vector<16xf32>,
      %parallel_loop3A_222 = arith.mulf %parallel_loop3A_103, %parallel_loop3A_208 : vector<16xf32>
      %parallel_loop3A_223 = arith.addf %parallel_loop3A_222, %parallel_loop3A_212 : vector<16xf32>
      %parallel_loop3A_224 = arith.mulf %parallel_loop3A_223, %get3A_5 : vector<16xf32>
      %parallel_loop3A_225 = arith.addf %parallel_loop3A_224, %get3A_13 : vector<16xf32>
      tpu.vector_store_idx %arg10[%add3A_24, %parallel_loop3A_213], %parallel_loop3A_225 : memref<64x273xf32, #tpu.memory_space<vmem>>[vector<16xi32>, vector<16xi32>], vector<16xf32>,
      %parallel_loop3A_226 = arith.mulf %parallel_loop3A_106, %parallel_loop3A_208 : vector<16xf32>
      %parallel_loop3A_227 = arith.addf %parallel_loop3A_226, %parallel_loop3A_212 : vector<16xf32>
      %parallel_loop3A_228 = arith.mulf %parallel_loop3A_227, %get3A_7 : vector<16xf32>
      %parallel_loop3A_229 = arith.addf %parallel_loop3A_228, %get3A_15 : vector<16xf32>
      tpu.vector_store_idx %arg10[%add3A_27, %parallel_loop3A_213], %parallel_loop3A_229 : memref<64x273xf32, #tpu.memory_space<vmem>>[vector<16xi32>, vector<16xi32>], vector<16xf32>,
    } {sc.loop_unroll_factor = 4 : i64, sc.parallel_access}
    %mul3A_52 = arith.constant 2 : i32
    %mul3A_53 = arith.muli %add3A, %mul3A_52 : i32
    %add3A_54 = arith.constant 0 : i32
    %add3A_55 = arith.addi %mul3A_53, %add3A_54 : i32
    %dma_start3A_56 = arith.constant 0 : i32
    %dma_start3A_57 = arith.constant 0 : i32
    %dma_start3A_58 = arith.constant 0 : i32
    %dma_start3A_59 = tpu.memref_slice %arg10[%dma_start3A_57, %dma_start3A_58] : memref<64x273xf32, #tpu.memory_space<vmem>> -> memref<64x256xf32, #tpu.memory_space<vmem>>
    %dma_start3A_60 = arith.constant 0 : i32
    %dma_start3A_61 = arith.constant 0 : i32
    %dma_start3A_62 = tpu.memref_slice %arg6[%dma_start3A_56, %dma_start3A_60, %add3A_55, %dma_start3A_61] : memref<50x64x64x256xf32, #tpu.memory_space<hbm>> -> memref<1x64x1x256xf32, #tpu.memory_space<hbm>>
    %dma_start3A_63 = tpu.memref_squeeze %dma_start3A_62 : memref<1x64x1x256xf32, #tpu.memory_space<hbm>> -> memref<64x256xf32, #tpu.memory_space<hbm>>
    %dma_start3A_64 = arith.constant 0 : i32
    %dma_start3A_65 = arith.constant 0 : i32
    %dma_start3A_66 = tpu.memref_slice %arg6[%dma_start3A_56, %dma_start3A_64, %add3A_55, %dma_start3A_65] : memref<50x64x64x256xf32, #tpu.memory_space<hbm>> -> memref<1x64x1x256xf32, #tpu.memory_space<hbm>>
    %dma_start3A_67 = tpu.memref_squeeze %dma_start3A_66 : memref<1x64x1x256xf32, #tpu.memory_space<hbm>> -> memref<64x256xf32, #tpu.memory_space<hbm>>
    %dma_start3A_68 = arith.constant 0 : i32
    %dma_start3A_69 = arith.constant 0 : i32
    %dma_start3A_70 = tpu.memref_slice %arg10[%dma_start3A_68, %dma_start3A_69] : memref<64x273xf32, #tpu.memory_space<vmem>> -> memref<64x256xf32, #tpu.memory_space<vmem>>
    tpu.enqueue_dma source(%dma_start3A_70 : memref<64x256xf32, #tpu.memory_space<vmem>>) target(%dma_start3A_67 : memref<64x256xf32, #tpu.memory_space<hbm>>) target_semaphore(%arg16 : memref<!tpu.dma_semaphore, #tpu.memory_space<semaphore_mem>>)
    %scan3A = arith.constant 0 : i32
    %scan3A_71 = arith.constant 99 : i32
    %scan3A_72 = arith.addi %scan3A, %scan3A_71 : i32
    %scan3A_73 = arith.constant 1 : i32
    scf.for %scan3A_94 = %scan3A to %scan3A_72 step %scan3A_73  : i32 {
      %mul3A_95 = arith.constant 1 : i32
      %mul3A_96 = arith.muli %scan3A_94, %mul3A_95 : i32
      %add3A_97 = arith.constant 1 : i32
      %add3A_98 = arith.addi %add3A_97, %mul3A_96 : i32
      %and3A = arith.constant 1 : i32
      %and3A_99 = arith.andi %add3A_98, %and3A : i32
      %eq3A = arith.constant 1 : i32
      %eq3A_100 = arith.cmpi eq, %and3A_99, %eq3A : i32
      %convert_element_type3A = arith.extui %eq3A_100 : i1 to i32
      %cond3A = arith.constant 0 : i32
      %cond3A_101 = arith.cmpi ne, %convert_element_type3A, %cond3A : i32
      scf.if %cond3A_101 {
        %sub3A = arith.constant 1 : i32
        %sub3A_109 = arith.subi %add3A_98, %sub3A : i32
        %mul3A_110 = arith.constant 2 : i32
        %mul3A_111 = arith.muli %add3A, %mul3A_110 : i32
        %and3A_112 = arith.constant 1 : i32
        %and3A_113 = arith.andi %sub3A_109, %and3A_112 : i32
        %add3A_114 = arith.addi %mul3A_111, %and3A_113 : i32
        %shift_right_arithmetic3A = arith.constant 1 : i32
        %shift_right_arithmetic3A_115 = arith.shrsi %sub3A_109, %shift_right_arithmetic3A : i32
        %dma_wait3A_116 = arith.constant 0 : i32
        %dma_wait3A_117 = arith.constant 0 : i32
        %dma_wait3A_118 = tpu.memref_slice %arg10[%dma_wait3A_116, %dma_wait3A_117] : memref<64x273xf32, #tpu.memory_space<vmem>> -> memref<64x256xf32, #tpu.memory_space<vmem>>
        %dma_wait3A_119 = arith.constant 0 : i32
        %dma_wait3A_120 = arith.constant 0 : i32
        %dma_wait3A_121 = tpu.memref_slice %arg6[%shift_right_arithmetic3A_115, %dma_wait3A_119, %add3A_114, %dma_wait3A_120] : memref<50x64x64x256xf32, #tpu.memory_space<hbm>> -> memref<1x64x1x256xf32, #tpu.memory_space<hbm>>
        %dma_wait3A_122 = tpu.memref_squeeze %dma_wait3A_121 : memref<1x64x1x256xf32, #tpu.memory_space<hbm>> -> memref<64x256xf32, #tpu.memory_space<hbm>>
        %dma_wait3A_123 = arith.constant 0 : i32
        %dma_wait3A_124 = arith.constant 0 : i32
        %dma_wait3A_125 = tpu.memref_slice %arg6[%shift_right_arithmetic3A_115, %dma_wait3A_123, %add3A_114, %dma_wait3A_124] : memref<50x64x64x256xf32, #tpu.memory_space<hbm>> -> memref<1x64x1x256xf32, #tpu.memory_space<hbm>>
        %dma_wait3A_126 = tpu.memref_squeeze %dma_wait3A_125 : memref<1x64x1x256xf32, #tpu.memory_space<hbm>> -> memref<64x256xf32, #tpu.memory_space<hbm>>
        %dma_wait3A_127 = arith.constant 0 : i32
        %dma_wait3A_128 = arith.constant 0 : i32
        %dma_wait3A_129 = tpu.memref_slice %arg10[%dma_wait3A_127, %dma_wait3A_128] : memref<64x273xf32, #tpu.memory_space<vmem>> -> memref<64x256xf32, #tpu.memory_space<vmem>>
        tpu.wait_dma2 semaphore(%arg16 : memref<!tpu.dma_semaphore, #tpu.memory_space<semaphore_mem>>) src(%dma_wait3A_129 : memref<64x256xf32, #tpu.memory_space<vmem>>) dst(%dma_wait3A_126 : memref<64x256xf32, #tpu.memory_space<hbm>>)
        %add3A_130 = arith.constant 1 : i32
        %add3A_131 = arith.addi %add3A_98, %add3A_130 : i32
        %lt3A = arith.constant 100 : i32
        %lt3A_132 = arith.cmpi slt, %add3A_131, %lt3A : i32
        %convert_element_type3A_133 = arith.extui %lt3A_132 : i1 to i32
        %cond3A_134 = arith.constant 0 : i32
        %cond3A_135 = arith.cmpi ne, %convert_element_type3A_133, %cond3A_134 : i32
        scf.if %cond3A_135 {
          %add3A_170 = arith.constant 1 : i32
          %add3A_171 = arith.addi %add3A_98, %add3A_170 : i32
          %shift_right_arithmetic3A_172 = arith.constant 1 : i32
          %shift_right_arithmetic3A_173 = arith.shrsi %add3A_171, %shift_right_arithmetic3A_172 : i32
          %and3A_174 = arith.constant 1 : i32
          %and3A_175 = arith.andi %add3A_171, %and3A_174 : i32
          %dma_start3A_176 = arith.constant 0 : i32
          %dma_start3A_177 = tpu.memref_slice %arg7[%shift_right_arithmetic3A_173, %and3A_175, %dma_start3A_176] : memref<50x2x256xi32, #tpu.memory_space<vmem>> -> memref<1x1x256xi32, #tpu.memory_space<vmem>>
          %dma_start3A_178 = tpu.memref_squeeze %dma_start3A_177 : memref<1x1x256xi32, #tpu.memory_space<vmem>> -> memref<256xi32, #tpu.memory_space<vmem>>
          %dma_start3A_179 = arith.constant 0 : i32
          %dma_start3A_180 = arith.constant 0 : i32
          %dma_start3A_181 = tpu.memref_slice %arg3[%dma_start3A_179, %dma_start3A_180] : memref<1000000x64xf32, #tpu.memory_space<hbm>> -> memref<1000000x64xf32, #tpu.memory_space<hbm>>
          tpu.enqueue_indirect_dma source(%dma_start3A_181 : memref<1000000x64xf32, #tpu.memory_space<hbm>>) target(%arg8 : memref<256x64xf32, #tpu.memory_space<vmem>>) offsets(%dma_start3A_178 : memref<256xi32, #tpu.memory_space<vmem>>) semaphore(%arg14 : memref<!tpu.dma_semaphore, #tpu.memory_space<semaphore_mem>>)
        } else {
        }
        %shift_right_arithmetic3A_136 = arith.constant 1 : i32
        %shift_right_arithmetic3A_137 = arith.shrsi %add3A_98, %shift_right_arithmetic3A_136 : i32
        %and3A_138 = arith.constant 1 : i32
        %and3A_139 = arith.andi %add3A_98, %and3A_138 : i32
        %dma_wait3A_140 = arith.constant 0 : i32
        %dma_wait3A_141 = tpu.memref_slice %arg7[%shift_right_arithmetic3A_137, %and3A_139, %dma_wait3A_140] : memref<50x2x256xi32, #tpu.memory_space<vmem>> -> memref<1x1x256xi32, #tpu.memory_space<vmem>>
        %dma_wait3A_142 = tpu.memref_squeeze %dma_wait3A_141 : memref<1x1x256xi32, #tpu.memory_space<vmem>> -> memref<256xi32, #tpu.memory_space<vmem>>
        %dma_wait3A_143 = arith.constant 0 : i32
        %dma_wait3A_144 = arith.constant 0 : i32
        %dma_wait3A_145 = tpu.memref_slice %arg3[%dma_wait3A_143, %dma_wait3A_144] : memref<1000000x64xf32, #tpu.memory_space<hbm>> -> memref<1000000x64xf32, #tpu.memory_space<hbm>>
        tpu.wait_indirect_dma semaphore(%arg15 : memref<!tpu.dma_semaphore, #tpu.memory_space<semaphore_mem>>) src(%dma_wait3A_145 : memref<1000000x64xf32, #tpu.memory_space<hbm>>) dst(%arg9 : memref<256x64xf32, #tpu.memory_space<vmem>>)
        %parallel_loop3A_146 = arith.constant 0 : i32
        %parallel_loop3A_147 = arith.constant 256 : i32
        %parallel_loop3A_148 = arith.constant 1 : i32
        scf.for %parallel_loop3A_170 = %parallel_loop3A_146 to %parallel_loop3A_147 step %parallel_loop3A_148  : i32 {
          %parallel_loop3A_171 = arith.index_cast %parallel_loop3A_170 : i32 to index
          %parallel_loop3A_172 = arith.constant 0 : index
          %parallel_loop3A_173 = tpu.vector_load %arg9[%parallel_loop3A_171, %parallel_loop3A_172] {strides = array<i32>} : memref<256x64xf32, #tpu.memory_space<vmem>>, vector<16xf32>,
          %parallel_loop3A_174 = arith.index_cast %parallel_loop3A_170 : i32 to index
          %parallel_loop3A_175 = arith.constant 16 : index
          %parallel_loop3A_176 = tpu.vector_load %arg9[%parallel_loop3A_174, %parallel_loop3A_175] {strides = array<i32>} : memref<256x64xf32, #tpu.memory_space<vmem>>, vector<16xf32>,
          %parallel_loop3A_177 = arith.index_cast %parallel_loop3A_170 : i32 to index
          %parallel_loop3A_178 = arith.constant 32 : index
          %parallel_loop3A_179 = tpu.vector_load %arg9[%parallel_loop3A_177, %parallel_loop3A_178] {strides = array<i32>} : memref<256x64xf32, #tpu.memory_space<vmem>>, vector<16xf32>,
          %parallel_loop3A_180 = arith.index_cast %parallel_loop3A_170 : i32 to index
          %parallel_loop3A_181 = arith.constant 48 : index
          %parallel_loop3A_182 = tpu.vector_load %arg9[%parallel_loop3A_180, %parallel_loop3A_181] {strides = array<i32>} : memref<256x64xf32, #tpu.memory_space<vmem>>, vector<16xf32>,
          %parallel_loop3A_183 = arith.addf %parallel_loop3A_173, %parallel_loop3A_176 : vector<16xf32>
          %parallel_loop3A_184 = arith.addf %parallel_loop3A_183, %parallel_loop3A_179 : vector<16xf32>
          %parallel_loop3A_185 = arith.addf %parallel_loop3A_184, %parallel_loop3A_182 : vector<16xf32>
          %parallel_loop3A_186 = tpu.iota {dimensions = array<i32: 0>} : vector<16xi32>
          %parallel_loop3A_187 = arith.constant 1 : i32
          %parallel_loop3A_188 = vector.broadcast %parallel_loop3A_187 : i32 to vector<16xi32>
          %parallel_loop3A_189 = arith.xori %parallel_loop3A_186, %parallel_loop3A_188 : vector<16xi32>
          %parallel_loop3A_190 = vector.shape_cast %parallel_loop3A_189 : vector<16xi32> to vector<16x1xi32>
          %parallel_loop3A_191 = vector.shape_cast %parallel_loop3A_190 : vector<16x1xi32> to vector<16xi32>
          %parallel_loop3A_192 = tpu.dynamic_gather %parallel_loop3A_185[%parallel_loop3A_191] in [0] : vector<16xf32>, vector<16xi32> -> vector<16xf32>
          %parallel_loop3A_193 = arith.addf %parallel_loop3A_185, %parallel_loop3A_192 : vector<16xf32>
          %parallel_loop3A_194 = arith.constant 2 : i32
          %parallel_loop3A_195 = vector.broadcast %parallel_loop3A_194 : i32 to vector<16xi32>
          %parallel_loop3A_196 = arith.xori %parallel_loop3A_186, %parallel_loop3A_195 : vector<16xi32>
          %parallel_loop3A_197 = vector.shape_cast %parallel_loop3A_196 : vector<16xi32> to vector<16x1xi32>
          %parallel_loop3A_198 = vector.shape_cast %parallel_loop3A_197 : vector<16x1xi32> to vector<16xi32>
          %parallel_loop3A_199 = tpu.dynamic_gather %parallel_loop3A_193[%parallel_loop3A_198] in [0] : vector<16xf32>, vector<16xi32> -> vector<16xf32>
          %parallel_loop3A_200 = arith.addf %parallel_loop3A_193, %parallel_loop3A_199 : vector<16xf32>
          %parallel_loop3A_201 = arith.constant 4 : i32
          %parallel_loop3A_202 = vector.broadcast %parallel_loop3A_201 : i32 to vector<16xi32>
          %parallel_loop3A_203 = arith.xori %parallel_loop3A_186, %parallel_loop3A_202 : vector<16xi32>
          %parallel_loop3A_204 = vector.shape_cast %parallel_loop3A_203 : vector<16xi32> to vector<16x1xi32>
          %parallel_loop3A_205 = vector.shape_cast %parallel_loop3A_204 : vector<16x1xi32> to vector<16xi32>
          %parallel_loop3A_206 = tpu.dynamic_gather %parallel_loop3A_200[%parallel_loop3A_205] in [0] : vector<16xf32>, vector<16xi32> -> vector<16xf32>
          %parallel_loop3A_207 = arith.addf %parallel_loop3A_200, %parallel_loop3A_206 : vector<16xf32>
          %parallel_loop3A_208 = arith.constant 8 : i32
          %parallel_loop3A_209 = vector.broadcast %parallel_loop3A_208 : i32 to vector<16xi32>
          %parallel_loop3A_210 = arith.xori %parallel_loop3A_186, %parallel_loop3A_209 : vector<16xi32>
          %parallel_loop3A_211 = vector.shape_cast %parallel_loop3A_210 : vector<16xi32> to vector<16x1xi32>
          %parallel_loop3A_212 = vector.shape_cast %parallel_loop3A_211 : vector<16x1xi32> to vector<16xi32>
          %parallel_loop3A_213 = tpu.dynamic_gather %parallel_loop3A_207[%parallel_loop3A_212] in [0] : vector<16xf32>, vector<16xi32> -> vector<16xf32>
          %parallel_loop3A_214 = arith.addf %parallel_loop3A_207, %parallel_loop3A_213 : vector<16xf32>
          %parallel_loop3A_215 = arith.mulf %parallel_loop3A_173, %parallel_loop3A_173 : vector<16xf32>
          %parallel_loop3A_216 = arith.mulf %parallel_loop3A_176, %parallel_loop3A_176 : vector<16xf32>
          %parallel_loop3A_217 = arith.mulf %parallel_loop3A_179, %parallel_loop3A_179 : vector<16xf32>
          %parallel_loop3A_218 = arith.mulf %parallel_loop3A_182, %parallel_loop3A_182 : vector<16xf32>
          %parallel_loop3A_219 = arith.addf %parallel_loop3A_217, %parallel_loop3A_218 : vector<16xf32>
          %parallel_loop3A_220 = arith.addf %parallel_loop3A_216, %parallel_loop3A_219 : vector<16xf32>
          %parallel_loop3A_221 = arith.addf %parallel_loop3A_215, %parallel_loop3A_220 : vector<16xf32>
          %parallel_loop3A_222 = tpu.iota {dimensions = array<i32: 0>} : vector<16xi32>
          %parallel_loop3A_223 = arith.constant 1 : i32
          %parallel_loop3A_224 = vector.broadcast %parallel_loop3A_223 : i32 to vector<16xi32>
          %parallel_loop3A_225 = arith.xori %parallel_loop3A_222, %parallel_loop3A_224 : vector<16xi32>
          %parallel_loop3A_226 = vector.shape_cast %parallel_loop3A_225 : vector<16xi32> to vector<16x1xi32>
          %parallel_loop3A_227 = vector.shape_cast %parallel_loop3A_226 : vector<16x1xi32> to vector<16xi32>
          %parallel_loop3A_228 = tpu.dynamic_gather %parallel_loop3A_221[%parallel_loop3A_227] in [0] : vector<16xf32>, vector<16xi32> -> vector<16xf32>
          %parallel_loop3A_229 = arith.addf %parallel_loop3A_221, %parallel_loop3A_228 : vector<16xf32>
          %parallel_loop3A_230 = arith.constant 2 : i32
          %parallel_loop3A_231 = vector.broadcast %parallel_loop3A_230 : i32 to vector<16xi32>
          %parallel_loop3A_232 = arith.xori %parallel_loop3A_222, %parallel_loop3A_231 : vector<16xi32>
          %parallel_loop3A_233 = vector.shape_cast %parallel_loop3A_232 : vector<16xi32> to vector<16x1xi32>
          %parallel_loop3A_234 = vector.shape_cast %parallel_loop3A_233 : vector<16x1xi32> to vector<16xi32>
          %parallel_loop3A_235 = tpu.dynamic_gather %parallel_loop3A_229[%parallel_loop3A_234] in [0] : vector<16xf32>, vector<16xi32> -> vector<16xf32>
          %parallel_loop3A_236 = arith.addf %parallel_loop3A_229, %parallel_loop3A_235 : vector<16xf32>
          %parallel_loop3A_237 = arith.constant 4 : i32
          %parallel_loop3A_238 = vector.broadcast %parallel_loop3A_237 : i32 to vector<16xi32>
          %parallel_loop3A_239 = arith.xori %parallel_loop3A_222, %parallel_loop3A_238 : vector<16xi32>
          %parallel_loop3A_240 = vector.shape_cast %parallel_loop3A_239 : vector<16xi32> to vector<16x1xi32>
          %parallel_loop3A_241 = vector.shape_cast %parallel_loop3A_240 : vector<16x1xi32> to vector<16xi32>
          %parallel_loop3A_242 = tpu.dynamic_gather %parallel_loop3A_236[%parallel_loop3A_241] in [0] : vector<16xf32>, vector<16xi32> -> vector<16xf32>
          %parallel_loop3A_243 = arith.addf %parallel_loop3A_236, %parallel_loop3A_242 : vector<16xf32>
          %parallel_loop3A_244 = arith.constant 8 : i32
          %parallel_loop3A_245 = vector.broadcast %parallel_loop3A_244 : i32 to vector<16xi32>
          %parallel_loop3A_246 = arith.xori %parallel_loop3A_222, %parallel_loop3A_245 : vector<16xi32>
          %parallel_loop3A_247 = vector.shape_cast %parallel_loop3A_246 : vector<16xi32> to vector<16x1xi32>
          %parallel_loop3A_248 = vector.shape_cast %parallel_loop3A_247 : vector<16x1xi32> to vector<16xi32>
          %parallel_loop3A_249 = tpu.dynamic_gather %parallel_loop3A_243[%parallel_loop3A_248] in [0] : vector<16xf32>, vector<16xi32> -> vector<16xf32>
          %parallel_loop3A_250 = arith.addf %parallel_loop3A_243, %parallel_loop3A_249 : vector<16xf32>
          %parallel_loop3A_251 = arith.constant 1.562500e-02 : f32
          %parallel_loop3A_252 = vector.broadcast %parallel_loop3A_251 : f32 to vector<16xf32>
          %parallel_loop3A_253 = arith.mulf %parallel_loop3A_214, %parallel_loop3A_252 : vector<16xf32>
          %parallel_loop3A_254 = arith.constant 1.562500e-02 : f32
          %parallel_loop3A_255 = vector.broadcast %parallel_loop3A_254 : f32 to vector<16xf32>
          %parallel_loop3A_256 = arith.mulf %parallel_loop3A_250, %parallel_loop3A_255 : vector<16xf32>
          %parallel_loop3A_257 = arith.mulf %parallel_loop3A_253, %parallel_loop3A_253 : vector<16xf32>
          %parallel_loop3A_258 = arith.subf %parallel_loop3A_256, %parallel_loop3A_257 : vector<16xf32>
          %parallel_loop3A_259 = arith.constant 9.99999974E-6 : f32
          %parallel_loop3A_260 = vector.broadcast %parallel_loop3A_259 : f32 to vector<16xf32>
          %parallel_loop3A_261 = arith.addf %parallel_loop3A_258, %parallel_loop3A_260 : vector<16xf32>
          %parallel_loop3A_262 = tpu.bitcast %parallel_loop3A_261 : vector<16xf32> -> vector<16xi32>
          %parallel_loop3A_263 = arith.constant 1 : i32
          %parallel_loop3A_264 = vector.broadcast %parallel_loop3A_263 : i32 to vector<16xi32>
          %parallel_loop3A_265 = arith.shrui %parallel_loop3A_262, %parallel_loop3A_264 : vector<16xi32>
          %parallel_loop3A_266 = arith.constant 1597463007 : i32
          %parallel_loop3A_267 = vector.broadcast %parallel_loop3A_266 : i32 to vector<16xi32>
          %parallel_loop3A_268 = arith.subi %parallel_loop3A_267, %parallel_loop3A_265 : vector<16xi32>
          %parallel_loop3A_269 = tpu.bitcast %parallel_loop3A_268 : vector<16xi32> -> vector<16xf32>
          %parallel_loop3A_270 = arith.constant 5.000000e-01 : f32
          %parallel_loop3A_271 = vector.broadcast %parallel_loop3A_270 : f32 to vector<16xf32>
          %parallel_loop3A_272 = arith.mulf %parallel_loop3A_271, %parallel_loop3A_261 : vector<16xf32>
          %parallel_loop3A_273 = arith.mulf %parallel_loop3A_272, %parallel_loop3A_269 : vector<16xf32>
          %parallel_loop3A_274 = arith.mulf %parallel_loop3A_273, %parallel_loop3A_269 : vector<16xf32>
          %parallel_loop3A_275 = arith.constant 1.500000e+00 : f32
          %parallel_loop3A_276 = vector.broadcast %parallel_loop3A_275 : f32 to vector<16xf32>
          %parallel_loop3A_277 = arith.subf %parallel_loop3A_276, %parallel_loop3A_274 : vector<16xf32>
          %parallel_loop3A_278 = arith.mulf %parallel_loop3A_269, %parallel_loop3A_277 : vector<16xf32>
          %parallel_loop3A_279 = arith.mulf %parallel_loop3A_272, %parallel_loop3A_278 : vector<16xf32>
          %parallel_loop3A_280 = arith.mulf %parallel_loop3A_279, %parallel_loop3A_278 : vector<16xf32>
          %parallel_loop3A_281 = arith.constant 1.500000e+00 : f32
          %parallel_loop3A_282 = vector.broadcast %parallel_loop3A_281 : f32 to vector<16xf32>
          %parallel_loop3A_283 = arith.subf %parallel_loop3A_282, %parallel_loop3A_280 : vector<16xf32>
          %parallel_loop3A_284 = arith.mulf %parallel_loop3A_278, %parallel_loop3A_283 : vector<16xf32>
          %parallel_loop3A_285 = arith.constant 0.000000e+00 : f32
          %parallel_loop3A_286 = vector.broadcast %parallel_loop3A_285 : f32 to vector<16xf32>
          %parallel_loop3A_287 = arith.subf %parallel_loop3A_286, %parallel_loop3A_253 : vector<16xf32>
          %parallel_loop3A_288 = arith.mulf %parallel_loop3A_287, %parallel_loop3A_284 : vector<16xf32>
          %parallel_loop3A_289 = vector.broadcast %parallel_loop3A_170 : i32 to vector<16xi32>
          %parallel_loop3A_290 = arith.mulf %parallel_loop3A_173, %parallel_loop3A_284 : vector<16xf32>
          %parallel_loop3A_291 = arith.addf %parallel_loop3A_290, %parallel_loop3A_288 : vector<16xf32>
          %parallel_loop3A_292 = arith.mulf %parallel_loop3A_291, %get3A_1 : vector<16xf32>
          %parallel_loop3A_293 = arith.addf %parallel_loop3A_292, %get3A_9 : vector<16xf32>
          tpu.vector_store_idx %arg11[%add3A_18, %parallel_loop3A_289], %parallel_loop3A_293 : memref<64x273xf32, #tpu.memory_space<vmem>>[vector<16xi32>, vector<16xi32>], vector<16xf32>,
          %parallel_loop3A_294 = arith.mulf %parallel_loop3A_176, %parallel_loop3A_284 : vector<16xf32>
          %parallel_loop3A_295 = arith.addf %parallel_loop3A_294, %parallel_loop3A_288 : vector<16xf32>
          %parallel_loop3A_296 = arith.mulf %parallel_loop3A_295, %get3A_3 : vector<16xf32>
          %parallel_loop3A_297 = arith.addf %parallel_loop3A_296, %get3A_11 : vector<16xf32>
          tpu.vector_store_idx %arg11[%add3A_21, %parallel_loop3A_289], %parallel_loop3A_297 : memref<64x273xf32, #tpu.memory_space<vmem>>[vector<16xi32>, vector<16xi32>], vector<16xf32>,
          %parallel_loop3A_298 = arith.mulf %parallel_loop3A_179, %parallel_loop3A_284 : vector<16xf32>
          %parallel_loop3A_299 = arith.addf %parallel_loop3A_298, %parallel_loop3A_288 : vector<16xf32>
          %parallel_loop3A_300 = arith.mulf %parallel_loop3A_299, %get3A_5 : vector<16xf32>
          %parallel_loop3A_301 = arith.addf %parallel_loop3A_300, %get3A_13 : vector<16xf32>
          tpu.vector_store_idx %arg11[%add3A_24, %parallel_loop3A_289], %parallel_loop3A_301 : memref<64x273xf32, #tpu.memory_space<vmem>>[vector<16xi32>, vector<16xi32>], vector<16xf32>,
          %parallel_loop3A_302 = arith.mulf %parallel_loop3A_182, %parallel_loop3A_284 : vector<16xf32>
          %parallel_loop3A_303 = arith.addf %parallel_loop3A_302, %parallel_loop3A_288 : vector<16xf32>
          %parallel_loop3A_304 = arith.mulf %parallel_loop3A_303, %get3A_7 : vector<16xf32>
          %parallel_loop3A_305 = arith.addf %parallel_loop3A_304, %get3A_15 : vector<16xf32>
          tpu.vector_store_idx %arg11[%add3A_27, %parallel_loop3A_289], %parallel_loop3A_305 : memref<64x273xf32, #tpu.memory_space<vmem>>[vector<16xi32>, vector<16xi32>], vector<16xf32>,
        } {sc.loop_unroll_factor = 4 : i64, sc.parallel_access}
        %mul3A_149 = arith.constant 2 : i32
        %mul3A_150 = arith.muli %add3A, %mul3A_149 : i32
        %and3A_151 = arith.constant 1 : i32
        %and3A_152 = arith.andi %add3A_98, %and3A_151 : i32
        %add3A_153 = arith.addi %mul3A_150, %and3A_152 : i32
        %shift_right_arithmetic3A_154 = arith.constant 1 : i32
        %shift_right_arithmetic3A_155 = arith.shrsi %add3A_98, %shift_right_arithmetic3A_154 : i32
        %dma_start3A_156 = arith.constant 0 : i32
        %dma_start3A_157 = arith.constant 0 : i32
        %dma_start3A_158 = tpu.memref_slice %arg11[%dma_start3A_156, %dma_start3A_157] : memref<64x273xf32, #tpu.memory_space<vmem>> -> memref<64x256xf32, #tpu.memory_space<vmem>>
        %dma_start3A_159 = arith.constant 0 : i32
        %dma_start3A_160 = arith.constant 0 : i32
        %dma_start3A_161 = tpu.memref_slice %arg6[%shift_right_arithmetic3A_155, %dma_start3A_159, %add3A_153, %dma_start3A_160] : memref<50x64x64x256xf32, #tpu.memory_space<hbm>> -> memref<1x64x1x256xf32, #tpu.memory_space<hbm>>
        %dma_start3A_162 = tpu.memref_squeeze %dma_start3A_161 : memref<1x64x1x256xf32, #tpu.memory_space<hbm>> -> memref<64x256xf32, #tpu.memory_space<hbm>>
        %dma_start3A_163 = arith.constant 0 : i32
        %dma_start3A_164 = arith.constant 0 : i32
        %dma_start3A_165 = tpu.memref_slice %arg6[%shift_right_arithmetic3A_155, %dma_start3A_163, %add3A_153, %dma_start3A_164] : memref<50x64x64x256xf32, #tpu.memory_space<hbm>> -> memref<1x64x1x256xf32, #tpu.memory_space<hbm>>
        %dma_start3A_166 = tpu.memref_squeeze %dma_start3A_165 : memref<1x64x1x256xf32, #tpu.memory_space<hbm>> -> memref<64x256xf32, #tpu.memory_space<hbm>>
        %dma_start3A_167 = arith.constant 0 : i32
        %dma_start3A_168 = arith.constant 0 : i32
        %dma_start3A_169 = tpu.memref_slice %arg11[%dma_start3A_167, %dma_start3A_168] : memref<64x273xf32, #tpu.memory_space<vmem>> -> memref<64x256xf32, #tpu.memory_space<vmem>>
        tpu.enqueue_dma source(%dma_start3A_169 : memref<64x256xf32, #tpu.memory_space<vmem>>) target(%dma_start3A_166 : memref<64x256xf32, #tpu.memory_space<hbm>>) target_semaphore(%arg17 : memref<!tpu.dma_semaphore, #tpu.memory_space<semaphore_mem>>)
      } else {
      }
      %and3A_102 = arith.constant 1 : i32
      %and3A_103 = arith.andi %add3A_98, %and3A_102 : i32
      %eq3A_104 = arith.constant 0 : i32
      %eq3A_105 = arith.cmpi eq, %and3A_103, %eq3A_104 : i32
      %convert_element_type3A_106 = arith.extui %eq3A_105 : i1 to i32
      %cond3A_107 = arith.constant 0 : i32
      %cond3A_108 = arith.cmpi ne, %convert_element_type3A_106, %cond3A_107 : i32
      scf.if %cond3A_108 {
        %sub3A = arith.constant 1 : i32
        %sub3A_109 = arith.subi %add3A_98, %sub3A : i32
        %mul3A_110 = arith.constant 2 : i32
        %mul3A_111 = arith.muli %add3A, %mul3A_110 : i32
        %and3A_112 = arith.constant 1 : i32
        %and3A_113 = arith.andi %sub3A_109, %and3A_112 : i32
        %add3A_114 = arith.addi %mul3A_111, %and3A_113 : i32
        %shift_right_arithmetic3A = arith.constant 1 : i32
        %shift_right_arithmetic3A_115 = arith.shrsi %sub3A_109, %shift_right_arithmetic3A : i32
        %dma_wait3A_116 = arith.constant 0 : i32
        %dma_wait3A_117 = arith.constant 0 : i32
        %dma_wait3A_118 = tpu.memref_slice %arg11[%dma_wait3A_116, %dma_wait3A_117] : memref<64x273xf32, #tpu.memory_space<vmem>> -> memref<64x256xf32, #tpu.memory_space<vmem>>
        %dma_wait3A_119 = arith.constant 0 : i32
        %dma_wait3A_120 = arith.constant 0 : i32
        %dma_wait3A_121 = tpu.memref_slice %arg6[%shift_right_arithmetic3A_115, %dma_wait3A_119, %add3A_114, %dma_wait3A_120] : memref<50x64x64x256xf32, #tpu.memory_space<hbm>> -> memref<1x64x1x256xf32, #tpu.memory_space<hbm>>
        %dma_wait3A_122 = tpu.memref_squeeze %dma_wait3A_121 : memref<1x64x1x256xf32, #tpu.memory_space<hbm>> -> memref<64x256xf32, #tpu.memory_space<hbm>>
        %dma_wait3A_123 = arith.constant 0 : i32
        %dma_wait3A_124 = arith.constant 0 : i32
        %dma_wait3A_125 = tpu.memref_slice %arg6[%shift_right_arithmetic3A_115, %dma_wait3A_123, %add3A_114, %dma_wait3A_124] : memref<50x64x64x256xf32, #tpu.memory_space<hbm>> -> memref<1x64x1x256xf32, #tpu.memory_space<hbm>>
        %dma_wait3A_126 = tpu.memref_squeeze %dma_wait3A_125 : memref<1x64x1x256xf32, #tpu.memory_space<hbm>> -> memref<64x256xf32, #tpu.memory_space<hbm>>
        %dma_wait3A_127 = arith.constant 0 : i32
        %dma_wait3A_128 = arith.constant 0 : i32
        %dma_wait3A_129 = tpu.memref_slice %arg11[%dma_wait3A_127, %dma_wait3A_128] : memref<64x273xf32, #tpu.memory_space<vmem>> -> memref<64x256xf32, #tpu.memory_space<vmem>>
        tpu.wait_dma2 semaphore(%arg17 : memref<!tpu.dma_semaphore, #tpu.memory_space<semaphore_mem>>) src(%dma_wait3A_129 : memref<64x256xf32, #tpu.memory_space<vmem>>) dst(%dma_wait3A_126 : memref<64x256xf32, #tpu.memory_space<hbm>>)
        %add3A_130 = arith.constant 1 : i32
        %add3A_131 = arith.addi %add3A_98, %add3A_130 : i32
        %lt3A = arith.constant 100 : i32
        %lt3A_132 = arith.cmpi slt, %add3A_131, %lt3A : i32
        %convert_element_type3A_133 = arith.extui %lt3A_132 : i1 to i32
        %cond3A_134 = arith.constant 0 : i32
        %cond3A_135 = arith.cmpi ne, %convert_element_type3A_133, %cond3A_134 : i32
        scf.if %cond3A_135 {
          %add3A_170 = arith.constant 1 : i32
          %add3A_171 = arith.addi %add3A_98, %add3A_170 : i32
          %shift_right_arithmetic3A_172 = arith.constant 1 : i32
          %shift_right_arithmetic3A_173 = arith.shrsi %add3A_171, %shift_right_arithmetic3A_172 : i32
          %and3A_174 = arith.constant 1 : i32
          %and3A_175 = arith.andi %add3A_171, %and3A_174 : i32
          %dma_start3A_176 = arith.constant 0 : i32
          %dma_start3A_177 = tpu.memref_slice %arg7[%shift_right_arithmetic3A_173, %and3A_175, %dma_start3A_176] : memref<50x2x256xi32, #tpu.memory_space<vmem>> -> memref<1x1x256xi32, #tpu.memory_space<vmem>>
          %dma_start3A_178 = tpu.memref_squeeze %dma_start3A_177 : memref<1x1x256xi32, #tpu.memory_space<vmem>> -> memref<256xi32, #tpu.memory_space<vmem>>
          %dma_start3A_179 = arith.constant 0 : i32
          %dma_start3A_180 = arith.constant 0 : i32
          %dma_start3A_181 = tpu.memref_slice %arg3[%dma_start3A_179, %dma_start3A_180] : memref<1000000x64xf32, #tpu.memory_space<hbm>> -> memref<1000000x64xf32, #tpu.memory_space<hbm>>
          tpu.enqueue_indirect_dma source(%dma_start3A_181 : memref<1000000x64xf32, #tpu.memory_space<hbm>>) target(%arg9 : memref<256x64xf32, #tpu.memory_space<vmem>>) offsets(%dma_start3A_178 : memref<256xi32, #tpu.memory_space<vmem>>) semaphore(%arg15 : memref<!tpu.dma_semaphore, #tpu.memory_space<semaphore_mem>>)
        } else {
        }
        %shift_right_arithmetic3A_136 = arith.constant 1 : i32
        %shift_right_arithmetic3A_137 = arith.shrsi %add3A_98, %shift_right_arithmetic3A_136 : i32
        %and3A_138 = arith.constant 1 : i32
        %and3A_139 = arith.andi %add3A_98, %and3A_138 : i32
        %dma_wait3A_140 = arith.constant 0 : i32
        %dma_wait3A_141 = tpu.memref_slice %arg7[%shift_right_arithmetic3A_137, %and3A_139, %dma_wait3A_140] : memref<50x2x256xi32, #tpu.memory_space<vmem>> -> memref<1x1x256xi32, #tpu.memory_space<vmem>>
        %dma_wait3A_142 = tpu.memref_squeeze %dma_wait3A_141 : memref<1x1x256xi32, #tpu.memory_space<vmem>> -> memref<256xi32, #tpu.memory_space<vmem>>
        %dma_wait3A_143 = arith.constant 0 : i32
        %dma_wait3A_144 = arith.constant 0 : i32
        %dma_wait3A_145 = tpu.memref_slice %arg3[%dma_wait3A_143, %dma_wait3A_144] : memref<1000000x64xf32, #tpu.memory_space<hbm>> -> memref<1000000x64xf32, #tpu.memory_space<hbm>>
        tpu.wait_indirect_dma semaphore(%arg14 : memref<!tpu.dma_semaphore, #tpu.memory_space<semaphore_mem>>) src(%dma_wait3A_145 : memref<1000000x64xf32, #tpu.memory_space<hbm>>) dst(%arg8 : memref<256x64xf32, #tpu.memory_space<vmem>>)
        %parallel_loop3A_146 = arith.constant 0 : i32
        %parallel_loop3A_147 = arith.constant 256 : i32
        %parallel_loop3A_148 = arith.constant 1 : i32
        scf.for %parallel_loop3A_170 = %parallel_loop3A_146 to %parallel_loop3A_147 step %parallel_loop3A_148  : i32 {
          %parallel_loop3A_171 = arith.index_cast %parallel_loop3A_170 : i32 to index
          %parallel_loop3A_172 = arith.constant 0 : index
          %parallel_loop3A_173 = tpu.vector_load %arg8[%parallel_loop3A_171, %parallel_loop3A_172] {strides = array<i32>} : memref<256x64xf32, #tpu.memory_space<vmem>>, vector<16xf32>,
          %parallel_loop3A_174 = arith.index_cast %parallel_loop3A_170 : i32 to index
          %parallel_loop3A_175 = arith.constant 16 : index
          %parallel_loop3A_176 = tpu.vector_load %arg8[%parallel_loop3A_174, %parallel_loop3A_175] {strides = array<i32>} : memref<256x64xf32, #tpu.memory_space<vmem>>, vector<16xf32>,
          %parallel_loop3A_177 = arith.index_cast %parallel_loop3A_170 : i32 to index
          %parallel_loop3A_178 = arith.constant 32 : index
          %parallel_loop3A_179 = tpu.vector_load %arg8[%parallel_loop3A_177, %parallel_loop3A_178] {strides = array<i32>} : memref<256x64xf32, #tpu.memory_space<vmem>>, vector<16xf32>,
          %parallel_loop3A_180 = arith.index_cast %parallel_loop3A_170 : i32 to index
          %parallel_loop3A_181 = arith.constant 48 : index
          %parallel_loop3A_182 = tpu.vector_load %arg8[%parallel_loop3A_180, %parallel_loop3A_181] {strides = array<i32>} : memref<256x64xf32, #tpu.memory_space<vmem>>, vector<16xf32>,
          %parallel_loop3A_183 = arith.addf %parallel_loop3A_173, %parallel_loop3A_176 : vector<16xf32>
          %parallel_loop3A_184 = arith.addf %parallel_loop3A_183, %parallel_loop3A_179 : vector<16xf32>
          %parallel_loop3A_185 = arith.addf %parallel_loop3A_184, %parallel_loop3A_182 : vector<16xf32>
          %parallel_loop3A_186 = tpu.iota {dimensions = array<i32: 0>} : vector<16xi32>
          %parallel_loop3A_187 = arith.constant 1 : i32
          %parallel_loop3A_188 = vector.broadcast %parallel_loop3A_187 : i32 to vector<16xi32>
          %parallel_loop3A_189 = arith.xori %parallel_loop3A_186, %parallel_loop3A_188 : vector<16xi32>
          %parallel_loop3A_190 = vector.shape_cast %parallel_loop3A_189 : vector<16xi32> to vector<16x1xi32>
          %parallel_loop3A_191 = vector.shape_cast %parallel_loop3A_190 : vector<16x1xi32> to vector<16xi32>
          %parallel_loop3A_192 = tpu.dynamic_gather %parallel_loop3A_185[%parallel_loop3A_191] in [0] : vector<16xf32>, vector<16xi32> -> vector<16xf32>
          %parallel_loop3A_193 = arith.addf %parallel_loop3A_185, %parallel_loop3A_192 : vector<16xf32>
          %parallel_loop3A_194 = arith.constant 2 : i32
          %parallel_loop3A_195 = vector.broadcast %parallel_loop3A_194 : i32 to vector<16xi32>
          %parallel_loop3A_196 = arith.xori %parallel_loop3A_186, %parallel_loop3A_195 : vector<16xi32>
          %parallel_loop3A_197 = vector.shape_cast %parallel_loop3A_196 : vector<16xi32> to vector<16x1xi32>
          %parallel_loop3A_198 = vector.shape_cast %parallel_loop3A_197 : vector<16x1xi32> to vector<16xi32>
          %parallel_loop3A_199 = tpu.dynamic_gather %parallel_loop3A_193[%parallel_loop3A_198] in [0] : vector<16xf32>, vector<16xi32> -> vector<16xf32>
          %parallel_loop3A_200 = arith.addf %parallel_loop3A_193, %parallel_loop3A_199 : vector<16xf32>
          %parallel_loop3A_201 = arith.constant 4 : i32
          %parallel_loop3A_202 = vector.broadcast %parallel_loop3A_201 : i32 to vector<16xi32>
          %parallel_loop3A_203 = arith.xori %parallel_loop3A_186, %parallel_loop3A_202 : vector<16xi32>
          %parallel_loop3A_204 = vector.shape_cast %parallel_loop3A_203 : vector<16xi32> to vector<16x1xi32>
          %parallel_loop3A_205 = vector.shape_cast %parallel_loop3A_204 : vector<16x1xi32> to vector<16xi32>
          %parallel_loop3A_206 = tpu.dynamic_gather %parallel_loop3A_200[%parallel_loop3A_205] in [0] : vector<16xf32>, vector<16xi32> -> vector<16xf32>
          %parallel_loop3A_207 = arith.addf %parallel_loop3A_200, %parallel_loop3A_206 : vector<16xf32>
          %parallel_loop3A_208 = arith.constant 8 : i32
          %parallel_loop3A_209 = vector.broadcast %parallel_loop3A_208 : i32 to vector<16xi32>
          %parallel_loop3A_210 = arith.xori %parallel_loop3A_186, %parallel_loop3A_209 : vector<16xi32>
          %parallel_loop3A_211 = vector.shape_cast %parallel_loop3A_210 : vector<16xi32> to vector<16x1xi32>
          %parallel_loop3A_212 = vector.shape_cast %parallel_loop3A_211 : vector<16x1xi32> to vector<16xi32>
          %parallel_loop3A_213 = tpu.dynamic_gather %parallel_loop3A_207[%parallel_loop3A_212] in [0] : vector<16xf32>, vector<16xi32> -> vector<16xf32>
          %parallel_loop3A_214 = arith.addf %parallel_loop3A_207, %parallel_loop3A_213 : vector<16xf32>
          %parallel_loop3A_215 = arith.mulf %parallel_loop3A_173, %parallel_loop3A_173 : vector<16xf32>
          %parallel_loop3A_216 = arith.mulf %parallel_loop3A_176, %parallel_loop3A_176 : vector<16xf32>
          %parallel_loop3A_217 = arith.mulf %parallel_loop3A_179, %parallel_loop3A_179 : vector<16xf32>
          %parallel_loop3A_218 = arith.mulf %parallel_loop3A_182, %parallel_loop3A_182 : vector<16xf32>
          %parallel_loop3A_219 = arith.addf %parallel_loop3A_217, %parallel_loop3A_218 : vector<16xf32>
          %parallel_loop3A_220 = arith.addf %parallel_loop3A_216, %parallel_loop3A_219 : vector<16xf32>
          %parallel_loop3A_221 = arith.addf %parallel_loop3A_215, %parallel_loop3A_220 : vector<16xf32>
          %parallel_loop3A_222 = tpu.iota {dimensions = array<i32: 0>} : vector<16xi32>
          %parallel_loop3A_223 = arith.constant 1 : i32
          %parallel_loop3A_224 = vector.broadcast %parallel_loop3A_223 : i32 to vector<16xi32>
          %parallel_loop3A_225 = arith.xori %parallel_loop3A_222, %parallel_loop3A_224 : vector<16xi32>
          %parallel_loop3A_226 = vector.shape_cast %parallel_loop3A_225 : vector<16xi32> to vector<16x1xi32>
          %parallel_loop3A_227 = vector.shape_cast %parallel_loop3A_226 : vector<16x1xi32> to vector<16xi32>
          %parallel_loop3A_228 = tpu.dynamic_gather %parallel_loop3A_221[%parallel_loop3A_227] in [0] : vector<16xf32>, vector<16xi32> -> vector<16xf32>
          %parallel_loop3A_229 = arith.addf %parallel_loop3A_221, %parallel_loop3A_228 : vector<16xf32>
          %parallel_loop3A_230 = arith.constant 2 : i32
          %parallel_loop3A_231 = vector.broadcast %parallel_loop3A_230 : i32 to vector<16xi32>
          %parallel_loop3A_232 = arith.xori %parallel_loop3A_222, %parallel_loop3A_231 : vector<16xi32>
          %parallel_loop3A_233 = vector.shape_cast %parallel_loop3A_232 : vector<16xi32> to vector<16x1xi32>
          %parallel_loop3A_234 = vector.shape_cast %parallel_loop3A_233 : vector<16x1xi32> to vector<16xi32>
          %parallel_loop3A_235 = tpu.dynamic_gather %parallel_loop3A_229[%parallel_loop3A_234] in [0] : vector<16xf32>, vector<16xi32> -> vector<16xf32>
          %parallel_loop3A_236 = arith.addf %parallel_loop3A_229, %parallel_loop3A_235 : vector<16xf32>
          %parallel_loop3A_237 = arith.constant 4 : i32
          %parallel_loop3A_238 = vector.broadcast %parallel_loop3A_237 : i32 to vector<16xi32>
          %parallel_loop3A_239 = arith.xori %parallel_loop3A_222, %parallel_loop3A_238 : vector<16xi32>
          %parallel_loop3A_240 = vector.shape_cast %parallel_loop3A_239 : vector<16xi32> to vector<16x1xi32>
          %parallel_loop3A_241 = vector.shape_cast %parallel_loop3A_240 : vector<16x1xi32> to vector<16xi32>
          %parallel_loop3A_242 = tpu.dynamic_gather %parallel_loop3A_236[%parallel_loop3A_241] in [0] : vector<16xf32>, vector<16xi32> -> vector<16xf32>
          %parallel_loop3A_243 = arith.addf %parallel_loop3A_236, %parallel_loop3A_242 : vector<16xf32>
          %parallel_loop3A_244 = arith.constant 8 : i32
          %parallel_loop3A_245 = vector.broadcast %parallel_loop3A_244 : i32 to vector<16xi32>
          %parallel_loop3A_246 = arith.xori %parallel_loop3A_222, %parallel_loop3A_245 : vector<16xi32>
          %parallel_loop3A_247 = vector.shape_cast %parallel_loop3A_246 : vector<16xi32> to vector<16x1xi32>
          %parallel_loop3A_248 = vector.shape_cast %parallel_loop3A_247 : vector<16x1xi32> to vector<16xi32>
          %parallel_loop3A_249 = tpu.dynamic_gather %parallel_loop3A_243[%parallel_loop3A_248] in [0] : vector<16xf32>, vector<16xi32> -> vector<16xf32>
          %parallel_loop3A_250 = arith.addf %parallel_loop3A_243, %parallel_loop3A_249 : vector<16xf32>
          %parallel_loop3A_251 = arith.constant 1.562500e-02 : f32
          %parallel_loop3A_252 = vector.broadcast %parallel_loop3A_251 : f32 to vector<16xf32>
          %parallel_loop3A_253 = arith.mulf %parallel_loop3A_214, %parallel_loop3A_252 : vector<16xf32>
          %parallel_loop3A_254 = arith.constant 1.562500e-02 : f32
          %parallel_loop3A_255 = vector.broadcast %parallel_loop3A_254 : f32 to vector<16xf32>
          %parallel_loop3A_256 = arith.mulf %parallel_loop3A_250, %parallel_loop3A_255 : vector<16xf32>
          %parallel_loop3A_257 = arith.mulf %parallel_loop3A_253, %parallel_loop3A_253 : vector<16xf32>
          %parallel_loop3A_258 = arith.subf %parallel_loop3A_256, %parallel_loop3A_257 : vector<16xf32>
          %parallel_loop3A_259 = arith.constant 9.99999974E-6 : f32
          %parallel_loop3A_260 = vector.broadcast %parallel_loop3A_259 : f32 to vector<16xf32>
          %parallel_loop3A_261 = arith.addf %parallel_loop3A_258, %parallel_loop3A_260 : vector<16xf32>
          %parallel_loop3A_262 = tpu.bitcast %parallel_loop3A_261 : vector<16xf32> -> vector<16xi32>
          %parallel_loop3A_263 = arith.constant 1 : i32
          %parallel_loop3A_264 = vector.broadcast %parallel_loop3A_263 : i32 to vector<16xi32>
          %parallel_loop3A_265 = arith.shrui %parallel_loop3A_262, %parallel_loop3A_264 : vector<16xi32>
          %parallel_loop3A_266 = arith.constant 1597463007 : i32
          %parallel_loop3A_267 = vector.broadcast %parallel_loop3A_266 : i32 to vector<16xi32>
          %parallel_loop3A_268 = arith.subi %parallel_loop3A_267, %parallel_loop3A_265 : vector<16xi32>
          %parallel_loop3A_269 = tpu.bitcast %parallel_loop3A_268 : vector<16xi32> -> vector<16xf32>
          %parallel_loop3A_270 = arith.constant 5.000000e-01 : f32
          %parallel_loop3A_271 = vector.broadcast %parallel_loop3A_270 : f32 to vector<16xf32>
          %parallel_loop3A_272 = arith.mulf %parallel_loop3A_271, %parallel_loop3A_261 : vector<16xf32>
          %parallel_loop3A_273 = arith.mulf %parallel_loop3A_272, %parallel_loop3A_269 : vector<16xf32>
          %parallel_loop3A_274 = arith.mulf %parallel_loop3A_273, %parallel_loop3A_269 : vector<16xf32>
          %parallel_loop3A_275 = arith.constant 1.500000e+00 : f32
          %parallel_loop3A_276 = vector.broadcast %parallel_loop3A_275 : f32 to vector<16xf32>
          %parallel_loop3A_277 = arith.subf %parallel_loop3A_276, %parallel_loop3A_274 : vector<16xf32>
          %parallel_loop3A_278 = arith.mulf %parallel_loop3A_269, %parallel_loop3A_277 : vector<16xf32>
          %parallel_loop3A_279 = arith.mulf %parallel_loop3A_272, %parallel_loop3A_278 : vector<16xf32>
          %parallel_loop3A_280 = arith.mulf %parallel_loop3A_279, %parallel_loop3A_278 : vector<16xf32>
          %parallel_loop3A_281 = arith.constant 1.500000e+00 : f32
          %parallel_loop3A_282 = vector.broadcast %parallel_loop3A_281 : f32 to vector<16xf32>
          %parallel_loop3A_283 = arith.subf %parallel_loop3A_282, %parallel_loop3A_280 : vector<16xf32>
          %parallel_loop3A_284 = arith.mulf %parallel_loop3A_278, %parallel_loop3A_283 : vector<16xf32>
          %parallel_loop3A_285 = arith.constant 0.000000e+00 : f32
          %parallel_loop3A_286 = vector.broadcast %parallel_loop3A_285 : f32 to vector<16xf32>
          %parallel_loop3A_287 = arith.subf %parallel_loop3A_286, %parallel_loop3A_253 : vector<16xf32>
          %parallel_loop3A_288 = arith.mulf %parallel_loop3A_287, %parallel_loop3A_284 : vector<16xf32>
          %parallel_loop3A_289 = vector.broadcast %parallel_loop3A_170 : i32 to vector<16xi32>
          %parallel_loop3A_290 = arith.mulf %parallel_loop3A_173, %parallel_loop3A_284 : vector<16xf32>
          %parallel_loop3A_291 = arith.addf %parallel_loop3A_290, %parallel_loop3A_288 : vector<16xf32>
          %parallel_loop3A_292 = arith.mulf %parallel_loop3A_291, %get3A_1 : vector<16xf32>
          %parallel_loop3A_293 = arith.addf %parallel_loop3A_292, %get3A_9 : vector<16xf32>
          tpu.vector_store_idx %arg10[%add3A_18, %parallel_loop3A_289], %parallel_loop3A_293 : memref<64x273xf32, #tpu.memory_space<vmem>>[vector<16xi32>, vector<16xi32>], vector<16xf32>,
          %parallel_loop3A_294 = arith.mulf %parallel_loop3A_176, %parallel_loop3A_284 : vector<16xf32>
          %parallel_loop3A_295 = arith.addf %parallel_loop3A_294, %parallel_loop3A_288 : vector<16xf32>
          %parallel_loop3A_296 = arith.mulf %parallel_loop3A_295, %get3A_3 : vector<16xf32>
          %parallel_loop3A_297 = arith.addf %parallel_loop3A_296, %get3A_11 : vector<16xf32>
          tpu.vector_store_idx %arg10[%add3A_21, %parallel_loop3A_289], %parallel_loop3A_297 : memref<64x273xf32, #tpu.memory_space<vmem>>[vector<16xi32>, vector<16xi32>], vector<16xf32>,
          %parallel_loop3A_298 = arith.mulf %parallel_loop3A_179, %parallel_loop3A_284 : vector<16xf32>
          %parallel_loop3A_299 = arith.addf %parallel_loop3A_298, %parallel_loop3A_288 : vector<16xf32>
          %parallel_loop3A_300 = arith.mulf %parallel_loop3A_299, %get3A_5 : vector<16xf32>
          %parallel_loop3A_301 = arith.addf %parallel_loop3A_300, %get3A_13 : vector<16xf32>
          tpu.vector_store_idx %arg10[%add3A_24, %parallel_loop3A_289], %parallel_loop3A_301 : memref<64x273xf32, #tpu.memory_space<vmem>>[vector<16xi32>, vector<16xi32>], vector<16xf32>,
          %parallel_loop3A_302 = arith.mulf %parallel_loop3A_182, %parallel_loop3A_284 : vector<16xf32>
          %parallel_loop3A_303 = arith.addf %parallel_loop3A_302, %parallel_loop3A_288 : vector<16xf32>
          %parallel_loop3A_304 = arith.mulf %parallel_loop3A_303, %get3A_7 : vector<16xf32>
          %parallel_loop3A_305 = arith.addf %parallel_loop3A_304, %get3A_15 : vector<16xf32>
          tpu.vector_store_idx %arg10[%add3A_27, %parallel_loop3A_289], %parallel_loop3A_305 : memref<64x273xf32, #tpu.memory_space<vmem>>[vector<16xi32>, vector<16xi32>], vector<16xf32>,
        } {sc.loop_unroll_factor = 4 : i64, sc.parallel_access}
        %mul3A_149 = arith.constant 2 : i32
        %mul3A_150 = arith.muli %add3A, %mul3A_149 : i32
        %and3A_151 = arith.constant 1 : i32
        %and3A_152 = arith.andi %add3A_98, %and3A_151 : i32
        %add3A_153 = arith.addi %mul3A_150, %and3A_152 : i32
        %shift_right_arithmetic3A_154 = arith.constant 1 : i32
        %shift_right_arithmetic3A_155 = arith.shrsi %add3A_98, %shift_right_arithmetic3A_154 : i32
        %dma_start3A_156 = arith.constant 0 : i32
        %dma_start3A_157 = arith.constant 0 : i32
        %dma_start3A_158 = tpu.memref_slice %arg10[%dma_start3A_156, %dma_start3A_157] : memref<64x273xf32, #tpu.memory_space<vmem>> -> memref<64x256xf32, #tpu.memory_space<vmem>>
        %dma_start3A_159 = arith.constant 0 : i32
        %dma_start3A_160 = arith.constant 0 : i32
        %dma_start3A_161 = tpu.memref_slice %arg6[%shift_right_arithmetic3A_155, %dma_start3A_159, %add3A_153, %dma_start3A_160] : memref<50x64x64x256xf32, #tpu.memory_space<hbm>> -> memref<1x64x1x256xf32, #tpu.memory_space<hbm>>
        %dma_start3A_162 = tpu.memref_squeeze %dma_start3A_161 : memref<1x64x1x256xf32, #tpu.memory_space<hbm>> -> memref<64x256xf32, #tpu.memory_space<hbm>>
        %dma_start3A_163 = arith.constant 0 : i32
        %dma_start3A_164 = arith.constant 0 : i32
        %dma_start3A_165 = tpu.memref_slice %arg6[%shift_right_arithmetic3A_155, %dma_start3A_163, %add3A_153, %dma_start3A_164] : memref<50x64x64x256xf32, #tpu.memory_space<hbm>> -> memref<1x64x1x256xf32, #tpu.memory_space<hbm>>
        %dma_start3A_166 = tpu.memref_squeeze %dma_start3A_165 : memref<1x64x1x256xf32, #tpu.memory_space<hbm>> -> memref<64x256xf32, #tpu.memory_space<hbm>>
        %dma_start3A_167 = arith.constant 0 : i32
        %dma_start3A_168 = arith.constant 0 : i32
        %dma_start3A_169 = tpu.memref_slice %arg10[%dma_start3A_167, %dma_start3A_168] : memref<64x273xf32, #tpu.memory_space<vmem>> -> memref<64x256xf32, #tpu.memory_space<vmem>>
        tpu.enqueue_dma source(%dma_start3A_169 : memref<64x256xf32, #tpu.memory_space<vmem>>) target(%dma_start3A_166 : memref<64x256xf32, #tpu.memory_space<hbm>>) target_semaphore(%arg16 : memref<!tpu.dma_semaphore, #tpu.memory_space<semaphore_mem>>)
      } else {
      }
    }
    %scan3A_74 = arith.constant 99 : i32
    %mul3A_75 = arith.constant 2 : i32
    %mul3A_76 = arith.muli %add3A, %mul3A_75 : i32
    %add3A_77 = arith.constant 1 : i32
    %add3A_78 = arith.addi %mul3A_76, %add3A_77 : i32
    %dma_wait3A_79 = arith.constant 49 : i32
    %dma_wait3A_80 = arith.constant 0 : i32
    %dma_wait3A_81 = arith.constant 0 : i32
    %dma_wait3A_82 = tpu.memref_slice %arg11[%dma_wait3A_80, %dma_wait3A_81] : memref<64x273xf32, #tpu.memory_space<vmem>> -> memref<64x256xf32, #tpu.memory_space<vmem>>
    %dma_wait3A_83 = arith.constant 0 : i32
    %dma_wait3A_84 = arith.constant 0 : i32
    %dma_wait3A_85 = tpu.memref_slice %arg6[%dma_wait3A_79, %dma_wait3A_83, %add3A_78, %dma_wait3A_84] : memref<50x64x64x256xf32, #tpu.memory_space<hbm>> -> memref<1x64x1x256xf32, #tpu.memory_space<hbm>>
    %dma_wait3A_86 = tpu.memref_squeeze %dma_wait3A_85 : memref<1x64x1x256xf32, #tpu.memory_space<hbm>> -> memref<64x256xf32, #tpu.memory_space<hbm>>
    %dma_wait3A_87 = arith.constant 0 : i32
    %dma_wait3A_88 = arith.constant 0 : i32
    %dma_wait3A_89 = tpu.memref_slice %arg6[%dma_wait3A_79, %dma_wait3A_87, %add3A_78, %dma_wait3A_88] : memref<50x64x64x256xf32, #tpu.memory_space<hbm>> -> memref<1x64x1x256xf32, #tpu.memory_space<hbm>>
    %dma_wait3A_90 = tpu.memref_squeeze %dma_wait3A_89 : memref<1x64x1x256xf32, #tpu.memory_space<hbm>> -> memref<64x256xf32, #tpu.memory_space<hbm>>
    %dma_wait3A_91 = arith.constant 0 : i32
    %dma_wait3A_92 = arith.constant 0 : i32
    %dma_wait3A_93 = tpu.memref_slice %arg11[%dma_wait3A_91, %dma_wait3A_92] : memref<64x273xf32, #tpu.memory_space<vmem>> -> memref<64x256xf32, #tpu.memory_space<vmem>>
    tpu.wait_dma2 semaphore(%arg17 : memref<!tpu.dma_semaphore, #tpu.memory_space<semaphore_mem>>) src(%dma_wait3A_93 : memref<64x256xf32, #tpu.memory_space<vmem>>) dst(%dma_wait3A_90 : memref<64x256xf32, #tpu.memory_space<hbm>>)
    return
  }
}

</mosaic_0001>

<sc_bundles>
// kernel: kernel.3.cloned.1.call-start
scs
__scs_entry_jumppad:
0x0: {  	(pc) =	sbr.rel $0x88, $3  }
0x1: {  	(tag) =	ssettag $0x0;
	lr =	simm.s32 $0x1  }
0x2: {  	[smem:$0x3F9D] =	sst lr;
	_ =	strace $0xD0000000  }
0x3: {  	_ = 	snop  }
0x4: {  	_ = 	snop  }
0x5: {  	_ = 	snop  }
0x6: {  	_ = 	snop  }
0x7: {  	_ = 	snop  }
__scs_overlays_trampoline_lowered:
0x8: {  	[smem:$0x3FAC] =	sst s0  }
0x9: {  	[smem:$0x3FAD] =	sst s1  }
0xa: {  	[smem:$0x3FAE] =	sst s2  }
0xb: {  	[smem:$0x3FAF] =	sst s3  }
0xc: {  	[smem:$0x3FB0] =	sst s4  }
0xd: {  	[smem:$0x3FB1] =	sst s5  }
0xe: {  	[smem:$0x3FB2] =	sst s6  }
0xf: {  	[smem:$0x3FB3] =	sst s7  }
0x10: {  	[smem:$0x3FB4] =	sst s8  }
0x11: {  	[smem:$0x3FB5] =	sst s9;
	s0 =	simm.s32 @!p0 $0x0  }
0x12: {  	s1 =	sld [smem:$0x3F9B];
	s0 =	simm.s32 @p0 $0x1  }
0x13: {  	[smem:$0x3FB6] =	sst s0;
	s0 =	simm.s32 @!p1 $0x0  }
0x14: {  	s2 =	sld [smem:$0x3F9A];
	s0 =	simm.s32 @p1 $0x1  }
0x15: {  	[smem:$0x3FB7] =	sst s0;
	s0 =	simm.s32 @!p2 $0x0  }
0x16: {  	s3 =	sld [smem:$0x3FDB];
	s0 =	simm.s32 @p2 $0x1  }
0x17: {  	s4 =	simm.s32 $0x1BF5;
	[smem:$0x3FB9] =	sst s0  }
0x18: {  	s0 =	sld [smem:$0x3F9C];
	_ =	swait.ge [sflag:s4], $0x0  }
0x19: {  	s7 =	sld [smem:$0x3F9D]  }
0x1a: {  	s8 =	sadd.s32 $0xFFFFE003, lr  }
0x1b: {  	s9 =	sadd.s32 $0xFFFFFEF7, lr;
	s5 =	simm.s32 $0xFFFFFFFF;
	p2 =	slt.u32 s8, $0xFFFFF086  }
0x1c: {  	p1 =	slt.u32 s9, $0xF7A;
	s5 =	simm.s32 @!p2 $0x0  }
0x1d: {  	s5 =	simm.s32 @p1 $0x1;
	p0 =	seq.s32 s7, s2  }
0x1e: {  	s7 =	smul.u32 @!p0 $0xF7A, s2;
	p2 =	seq.s32 @!p0 s5, $0x0  }
0x1f: {  	s9 =	smul.u32 $0xF7A, s1;
	s8 =	simm.s32 @!p0 $0x1BF5;
	p2 =	por !p2, p0  }
0x20: {  	[sflag:s8] =	ssyncset.s32 @!p0 $0xFFFFF086;
	s6 =	sadd.s32 @!p0 s3, s7;
	s7 =	simm.s32 @!p0 $0x108  }
0x21: {  	s3 =	sadd.s32 s3, s9;
	s6 =	sadd.s32 @!p0 $0x88, s6;
	s7 =	simm.s32 @p2 $0x1082  }
0x22: {  	[simem:s7], [sflag:s8] =	dma.local @!p0 [hbm:s6], $0xF7A  }
0x23: {  	s9 =	sor.u32 $0xD0000000, s2;
	s6 =	simm.s32 $0x108;
	_ =	swait.ge @!p0 [sflag:s8], $0x0  }
0x24: {  	s3 =	sadd.s32 $0x88, s3;
	s6 =	simm.s32 @!p1 $0x1082;
	[sflag:s4] =	ssyncset.s32 $0xFFFFF086  }
0x25: {  	[simem:s6], [sflag:s4] =	dma.local [hbm:s3], $0xF7A  }
0x26: {  	[smem:$0x3F9D] =	sst s1;
	(tag) =	ssettag s2;
	_ =	strace s9  }
0x27: {  	s1 =	sld [smem:$0x3FAD]  }
0x28: {  	s2 =	sld [smem:$0x3FAE]  }
0x29: {  	s4 =	sld [smem:$0x3FB0]  }
0x2a: {  	p0 =	seq.s32 s5, $0x0;
	s5 =	sld [smem:$0x3FB1]  }
0x2b: {  	s6 =	sld [smem:$0x3FB2]  }
0x2c: {  	s7 =	sld [smem:$0x3FB3]  }
0x2d: {  	s3 =	simm.s32 $0x108;
	s8 =	sld [smem:$0x3FB4]  }
0x2e: {  	s3 =	simm.s32 @!p0 $0x1082;
	s9 =	sld [smem:$0x3FB5]  }
0x2f: {  	lr =	sadd.s32 s0, s3;
	s0 =	sld [smem:$0x3FAC]  }
0x30: {  	s3 =	sld [smem:$0x3FAF]  }
0x31: {  	[smem:$0x3FB8] =	sst s10  }
0x32: {  	s10 =	sld [smem:$0x3FB6];
	_ =	sdelay $0x3  }
0x33: {  	p0 =	seq.s32 s10, $0x1;
	s10 =	sld [smem:$0x3FB8];
	_ =	sdelay $0x3  }
0x34: {  	[smem:$0x3FB8] =	sst s10  }
0x35: {  	s10 =	sld [smem:$0x3FB7];
	_ =	sdelay $0x3  }
0x36: {  	p1 =	seq.s32 s10, $0x1;
	s10 =	sld [smem:$0x3FB8];
	_ =	sdelay $0x3  }
0x37: {  	[smem:$0x3FB8] =	sst s10  }
0x38: {  	s10 =	sld [smem:$0x3FB9]  }
0x39: {  	_ = 	snop;
	(pc) =	sbr.ind lr, $3  }
0x3a: {  	_ = 	snop  }
0x3b: {  	_ = 	snop  }
0x3c: {  	p2 =	seq.s32 s10, $0x1;
	s10 =	sld [smem:$0x3FB8]  }
0x3d: {  	_ =	shalt  }
0x3e: {  	_ =	shalt  }
0x3f: {  	_ =	shalt  }
0x40: {  	_ =	shalt  }
0x41: {  	_ =	shalt  }
0x42: {  	_ =	shalt  }
0x43: {  	_ =	shalt  }
0x44: {  	_ =	shalt  }
0x45: {  	_ =	shalt  }
0x46: {  	_ =	shalt  }
0x47: {  	_ =	shalt  }
0x48: {  	_ =	shalt  }
0x49: {  	_ =	shalt  }
0x4a: {  	_ =	shalt  }
0x4b: {  	_ =	shalt  }
0x4c: {  	_ =	shalt  }
0x4d: {  	_ =	shalt  }
0x4e: {  	_ =	shalt  }
0x4f: {  	_ =	shalt  }
0x50: {  	_ =	shalt  }
0x51: {  	_ =	shalt  }
0x52: {  	_ =	shalt  }
0x53: {  	_ =	shalt  }
0x54: {  	_ =	shalt  }
0x55: {  	_ =	shalt  }
0x56: {  	_ =	shalt  }
0x57: {  	_ =	shalt  }
0x58: {  	_ =	shalt  }
0x59: {  	_ =	shalt  }
0x5a: {  	_ =	shalt  }
0x5b: {  	_ =	shalt  }
0x5c: {  	_ =	shalt  }
0x5d: {  	_ =	shalt  }
0x5e: {  	_ =	shalt  }
0x5f: {  	_ =	shalt  }
0x60: {  	_ =	shalt  }
0x61: {  	_ =	shalt  }
0x62: {  	_ =	shalt  }
0x63: {  	_ =	shalt  }
0x64: {  	_ =	shalt  }
0x65: {  	_ =	shalt  }
0x66: {  	_ =	shalt  }
0x67: {  	_ =	shalt  }
0x68: {  	_ =	shalt  }
0x69: {  	_ =	shalt  }
0x6a: {  	_ =	shalt  }
0x6b: {  	_ =	shalt  }
0x6c: {  	_ =	shalt  }
0x6d: {  	_ =	shalt  }
0x6e: {  	_ =	shalt  }
0x6f: {  	_ =	shalt  }
0x70: {  	_ =	shalt  }
0x71: {  	_ =	shalt  }
0x72: {  	_ =	shalt  }
0x73: {  	_ =	shalt  }
0x74: {  	_ =	shalt  }
0x75: {  	_ =	shalt  }
0x76: {  	_ =	shalt  }
0x77: {  	_ =	shalt  }
0x78: {  	_ =	shalt  }
0x79: {  	_ =	shalt  }
0x7a: {  	_ =	shalt  }
0x7b: {  	_ =	shalt  }
0x7c: {  	_ =	shalt  }
0x7d: {  	_ =	shalt  }
0x7e: {  	_ =	shalt  }
0x7f: {  	_ =	shalt  }
0x80: {  	_ =	shalt  }
0x81: {  	_ =	shalt  }
0x82: {  	_ =	shalt  }
0x83: {  	_ =	shalt  }
0x84: {  	_ =	shalt  }
0x85: {  	_ =	shalt  }
0x86: {  	_ =	shalt  }
0x87: {  	_ =	shalt  }
.Lfunc_end0:
.L_simem_size_0:
called_computation_lowered:
.L_overlay_start_0:
0x88: {  	s2 =	sld [smem:$0x3FD9]  }
0x89: {  	s3 =	sld [smem:$0x3FFE];
	_ =	sdelay $0x1  }
0x8a: {  	s1 =	srdreg.scid  }
0x8b: {  	s0 =	sand.u32 $0x1, s1  }
0x8c: {  	s17 =	sshll.u32 s0, $0xA;
	s2 =	sadd.s32 s3, s2  }
0x8d: {  	s2 =	sadd.s32 s2, s17  }
0x8e: {  	[smem:$0x3FC4] =	sst s2  }
0x8f: {  	_ = 	snop  }
0x90: {  	s2 =	sld [smem:$0x3FC7]  }
0x91: {  	s18 =	sld [smem:$0x3FC6]  }
0x92: {  	s4 =	sld [smem:$0x3FD0];
	(tm) =	ssettm $0x1  }
0x93: {  	s5 =	sld [smem:$0x3FFB];
	_ =	sdelay $0x3  }
0x94: {  	_ =	strace s5  }
0x95: {  	s5 =	sld [smem:$0x3FFC];
	_ =	sdelay $0x3  }
0x96: {  	_ =	strace s5  }
0x97: {  	s5 =	sld [smem:$0x3FFD];
	_ =	sdelay $0x3  }
0x98: {  	_ =	strace s5  }
0x99: {  	_ =	strace $0x8FFFFFFF  }
0x9a: {  	s19 =	sld [smem:$0x3FDB];
	_ =	sdelay $0x1  }
0x9b: {  	s6 =	simm.s32 $_scs_section_size  }
0x9c: {  	s7 =	simm.s32 $_size__tile_overlayer_lowered;
	s8 =	simm.s32 $_tile_overlayer_lowered  }
0x9d: {  	s22 =	simm.s32 $0x1BFF;
	s21 =	sshll.u32 s8, $0x1;
	s5 =	sadd.s32 s6, s19  }
0x9e: {  	s9 =	simm.s32 $0x0;
	s20 =	sshll.u32 s7, $0x1;
	s7 =	sadd.s32 s21, s5  }
0x9f: {  	[timem:s9], [sflag:s22] =	dma.local [hbm:s7], s20  }
0xa0: {  	_ =	swait.ge [sflag:s22], s20  }
0xa1: {  	s6 =	ssub.s32 $0x0, s20;
	[sflag:s22] =	ssyncset.done $0x0  }
0xa2: {  	[sflag:s22] =	ssyncadd.s32 s6;
	_ =	sdelay $0x1  }
0xa3: {  	s23 =	simm.s32 $0x1B8B  }
0xa4: {  	_ =	swait.ge [sflag:s23], $0x1  }
0xa5: {  	[sflag:s23] =	ssyncset.done $0x0  }
0xa6: {  	s25 =	simm.s32 $0x1B8E;
	s24 =	sld [smem:$0x3FFE];
	[sflag:s23] =	ssyncadd.s32 $0xFFFFFFFF  }
0xa7: {  	s26 =	simm.s32 $execute0_lowered;
	[smem:$0x3FD2] =	sst s25  }
0xa8: {  	s7 =	sshll.u32 s26, $0x1;
	_ =	strace $0x80000046;
	[dreg:$0x1] =	wrdreg $0xFFFFFFFF  }
0xa9: {  	s28 =	simm.s32 $_size_execute0_lowered;
	s5 =	sadd.s32 s5, s7;
	[dreg:$0x0] =	wrdreg $0x0  }
0xaa: {  	s7 =	sshll.u32 s28, $0x1;
	[dreg:$0x2] =	wrdreg s5  }
0xab: {  	[dreg:$0x3] =	wrdreg s7  }
0xac: {  	[dreg:$0x4] =	wrdreg $0xC0  }
0xad: {  	_ =	task [dreg:s9], $0x5FFFF  }
0xae: {  	[dreg:$0x1] =	wrdreg $0xFFFFFFFF  }
0xaf: {  	[dreg:$0x0] =	wrdreg $0x60  }
0xb0: {  	[dreg:$0x2] =	wrdreg s4  }
0xb1: {  	[dreg:$0x3] =	wrdreg s24  }
0xb2: {  	[dreg:$0x4] =	wrdreg s2  }
0xb3: {  	[dreg:$0x5] =	wrdreg s18  }
0xb4: {  	[dreg:$0x6] =	wrdreg $0x9  }
0xb5: {  	_ =	task.clear_ibuf [dreg:s9], $0x7FFFF;
	_ =	strace $0x90000046  }
0xb6: {  	s29 =	simm.s32 $0x9;
	_ =	strace $0x80000048  }
0xb7: {  	_ =	swait.ge [sflag:s29], $0x1  }
0xb8: {  	[sflag:s29] =	ssyncadd.s32 $0xFFFFFFFF  }
0xb9: {  	_ =	strace $0x90000048  }
0xba: {  	_ =	sfence  }
0xbb: {  	s30 =	sld [smem:$0x0];
	_ =	sdelay $0x2  }
0xbc: {  	s31 =	sshll.u32 s1, $0xD;
	s1 =	sshrl.u32 s1, $0x2  }
0xbd: {  	s3 =	sand.u32 $0x4000, s31;
	s1 =	sadd.s32 s1, s30  }
0xbe: {  	s0 =	sor.u32 s3, s0;
	s1 =	sshll.u32 s1, $0x11  }
0xbf: {  	s0 =	sor.u32 s1, s0  }
0xc0: {  	s0 =	sadd.s32 $0x8F2B, s0  }
0xc1: {  	[sflag:s0] =	ssyncadd.remote.s32 $0x1  }
0xc2: {  	_ =	sfence.sel $0xFFFF  }
0xc3: {  	[dreg:$0x0] =	wrdreg $0xFFFFFFFF;
	(pc) =	sbr.abs _section_cstart, $3  }
0xc4: {  	[dreg:$0x1] =	wrdreg $0xFFFFFFFF  }
0xc5: {  	_ =	task.clear_ibuf [dreg:s9], $0x2FFFF;
	_ =	strace $0x9FFFFFFF  }
0xc6: {  	(tm) =	ssettm $0x7FFFFFFF  }
0xc7: {  	_ =	shalt  }
tec
execute0_lowered:
.L_overlay_start_1:
0x0: {  	(tag) =	ssettag $0x1  }
0x1: {  	s6 =	rddreg [dreg:$0x0];
	v0 =	vimm.s32 $0xEFCDAB89;
	v1 =	vimm.s32 $0x67452301;
	v2 =	vimm.s32 $0xDCFE98BA  }
0x2: {  	s7 =	rddreg [dreg:$0x1];
	v3 =	vimm.s32 $0x54761032;
	v4 =	vimm.s32 $0xBA98FEDC;
	v5 =	vimm.s32 $0x32107654  }
0x3: {  	s1 =	rddreg [dreg:$0x2];
	v6 =	vimm.s32 $0xFEDCBA98;
	v0 =	vunpack.c.l.s4.s8 v0;
	v1 =	vunpack.c.l.s4.s8 v1  }
0x4: {  	s2 =	rddreg [dreg:$0x3];
	v2 =	vunpack.c.l.s4.s8 v2;
	v3 =	vunpack.c.l.s4.s8 v3;
	v4 =	vunpack.c.l.s4.s8 v4  }
0x5: {  	s0 =	rddreg [dreg:$0x4];
	v5 =	vunpack.c.l.s4.s8 v5;
	v0 =	vunpack.c.0.s8.s32 v0;
	v1 =	vunpack.c.0.s8.s32 v1  }
0x6: {  	s4 =	simm.s32 $0x0;
	s5 =	srdreg.scid;
	s3 =	stileid.u32;
	v6 =	vunpack.c.l.s4.s8 v6;
	v2 =	vunpack.c.0.s8.s32 v2;
	v3 =	vunpack.c.0.s8.s32 v3  }
0x7: {  	s11 =	simm.s32 $0x17000;
	s12 =	simm.s32 $0x17040;
	s13 =	simm.s32 $0x100;
	v4 =	vunpack.c.0.s8.s32 v4;
	v5 =	vunpack.c.0.s8.s32 v5;
	v0 =	vcombine.low v1, v0  }
0x8: {  	v7 =	vimm.s32 $0x76543210;
	s14 =	simm.s32 $0x6400;
	s15 =	simm.s32 $0xA400;
	s16 =	simm.s32 $0x1;
	v2 =	vcombine.low v3, v2  }
0x9: {  	s17 =	simm.s32 $0xE400;
	s18 =	simm.s32 $0x3;
	[smem:$0x7FF] =	sst s4;
	v1 =	vunpack.c.0.s8.s32 v6;
	v3 =	vcombine.low v5, v4;
	v12 =	vand.u32 $0xF, v0  }
0xa: {  	s19 =	simm.s32 $0x2;
	s20 =	simm.s32 $0x12A00;
	v7 =	vunpack.c.l.s4.s8 v7;
	_ =	strace $0x80000047;
	v5 =	vlaneseq.u32;
	v14 =	vand.u32 $0xF, v2;
	[tilespmem:$0x1FFA0] =	vst v12  }
0xb: {  	s21 =	simm.s32 $0x4;
	s5 =	sand.u32 $0x1, s5;
	s8 =	sshll.u32 s3, $0x1;
	v6 =	vand.u32 $0xF, v1;
	v1 =	vmul.u32 $0x118, v5;
	v15 =	vand.u32 $0xF, v3;
	[tilespmem:$0x1FFB0] =	vst v14  }
.Ltmp0:
0xc: {  	s22 =	simm.s32 $0x0;
	s8 =	sor.u32 s5, s8;
	[tilespmem:$0x1FFC0] =	vst v15;
	(pc) =	sbr.rel .LBB2_1-.Ltmp0, $4  }
0xd: {  	s10 =	ssub.s32 $0x2, s5;
	s9 =	sshll.u32 s8, $0x6;
	s8 =	smul.u32 $0xC80, s8;
	v4 =	vunpack.c.0.s8.s32 v7;
	v5 =	vadd.s32 $0x1180, v1;
	[tilespmem:$0x1FF90] =	vst v1  }
0xe: {  	s5 =	sadd.s32 $0xF42A00, s7;
	s31 =	sshrl.u32 s10, $0x1;
	s9 =	sadd.s32 s9, s7;
	v7 =	vadd.s32 $0x3480, v1;
	[tilespmem:$0x1FFD0] =	vst v5  }
0xf: {  	s10 =	ssub.s32 s10, s31;
	s6 =	sadd.s32 s6, s8;
	s7 =	sadd.s32 $0x600, s9;
	v13 =	vcombine.low v6, v4;
	v6 =	vadd.s32 $0x2300, v1;
	[tilespmem:$0x1FFE0] =	vst v7  }
0x10: {  	s8 =	sadd.s32 $0x620, s9;
	s9 =	smax.u32 s10, $0x1;
	s10 =	simm.s32 $0x5;
	[tilespmem:$0x1FFF0] =	vst v6  }
.LBB2_18:
0x11: {  	s22 =	sadd.s32 $0x1, s22  }
0x12: {  	p0 =	sne.s32 s22, s9  }
.Ltmp1:
0x13: {  	_ = 	snop;
	(pc) =	sbr.rel @!p0 .LBB2_19-.Ltmp1, $4  }
0x14: {  	_ = 	snop  }
0x15: {  	_ =	swait.ge [sflag:s21], $0x4000  }
0x16: {  	[sflag:s21] =	ssyncset.done $0x0  }
0x17: {  	[sflag:s21] =	ssyncadd.s32 $0xFFFFC000  }
.LBB2_1:
0x18: {  	[tilespmem:s4], [sflag:$0x5] =	stream.linear.gather [hbm4b:s6+s4], $0x6400, $0x38;
	[tilespmem:$0x17080] =	vst v63  }
0x19: {  	_ =	swait.ge [sflag:s10], $0x6400  }
0x1a: {  	[sflag:s10] =	ssyncset.done $0x0  }
0x1b: {  	[sflag:s10] =	ssyncadd.s32 $0xFFFF9C00  }
0x1c: {  	[tilespmem:s11], [sflag:$0x5] =	stream.linear.gather [hbm4b:s1+s4], $0x40, $0x38;
	[tilespmem:$0x17080] =	vst v63  }
0x1d: {  	_ =	swait.ge [sflag:s10], $0x40  }
0x1e: {  	[sflag:s10] =	ssyncset.done $0x0  }
0x1f: {  	[sflag:s10] =	ssyncadd.s32 $0xFFFFFFC0  }
0x20: {  	[tilespmem:s12], [sflag:$0x5] =	stream.linear.gather [hbm4b:s2+s4], $0x40, $0x38;
	[tilespmem:$0x17080] =	vst v63  }
0x21: {  	_ =	swait.ge [sflag:s10], $0x40  }
0x22: {  	[sflag:s10] =	ssyncset.done $0x0  }
0x23: {  	[sflag:s10] =	ssyncadd.s32 $0xFFFFFFC0  }
0x24: {  	v8 =	vld [tilespmem:$0x17000]  }
0x25: {  	v9 =	vld [tilespmem:$0x17010]  }
0x26: {  	v10 =	vld [tilespmem:$0x17020]  }
0x27: {  	v11 =	vld [tilespmem:$0x17030]  }
0x28: {  	v0 =	vld [tilespmem:$0x17040]  }
0x29: {  	v2 =	vld [tilespmem:$0x17050]  }
0x2a: {  	v3 =	vld [tilespmem:$0x17060]  }
0x2b: {  	v4 =	vld [tilespmem:$0x17070];
	[tilespmem:s14], [sflag:$0x1] =	stream.indirect.gather [hbm4b:s5+s13], $0x40, s4, s13, $0xb8  }
0x2c: {  	_ = 	snop  }
0x2d: {  	[tilespmem:s15], [sflag:$0x2] =	stream.indirect.gather [hbm4b:s5+s13], $0x40, s13, s13, $0xb8;
	[tilespmem:$0x17080] =	vst v63  }
0x2e: {  	_ =	swait.ge [sflag:s16], $0x4000  }
0x2f: {  	[sflag:s16] =	ssyncset.done $0x0  }
0x30: {  	s23 =	simm.s32 $0x6480;
	[sflag:s16] =	ssyncadd.s32 $0xFFFFC000  }
0x31: {  	v24 =	vld [tilespmem:s23+$0x40]  }
0x32: {  	v23 =	vld [tilespmem:s23+$0x50]  }
0x33: {  	v19 =	vld [tilespmem:s23+$0x60]  }
0x34: {  	v18 =	vld [tilespmem:s23+$0x70]  }
0x35: {  	v16 =	vld [tilespmem:s23+$0xFFFFFFA0]  }
0x36: {  	v21 =	vld [tilespmem:s23+$0xFFFFFFB0]  }
0x37: {  	v20 =	vld [tilespmem:s23+$0xFFFFFFC0]  }
0x38: {  	v25 =	vld [tilespmem:s23+$0xFFFFFFD0]  }
0x39: {  	v34 =	vld [tilespmem:s23+$0x20]  }
0x3a: {  	v35 =	vld [tilespmem:s23+$0x30]  }
0x3b: {  	v22 =	vld [tilespmem:s23+$0xFFFFFFE0]  }
0x3c: {  	v33 =	vld [tilespmem:s23+$0x10];
	v26 =	vmul.f32 v19, v19  }
0x3d: {  	v27 =	vmul.f32 v18, v18;
	v28 =	vmul.f32 v23, v23  }
0x3e: {  	v32 =	vld [tilespmem:s23+$0xFFFFFF90];
	v17 =	vadd.f32 v23, v24;
	v30 =	vmul.f32 v16, v16;
	v31 =	vmul.f32 v21, v21  }
0x3f: {  	v37 =	vadd.f32 v25, v20;
	v42 =	vmul.f32 v34, v34;
	v43 =	vmul.f32 v35, v35  }
0x40: {  	v38 =	vmul.f32 v25, v25;
	v17 =	vadd.f32 v19, v17;
	v29 =	vadd.f32 v27, v26;
	v26 =	vld [tilespmem:s23+$0xFFFFFFF0]  }
0x41: {  	v39 =	vmul.f32 v22, v22;
	v41 =	vmul.f32 v33, v33;
	v27 =	vld [tilespmem:s23+$0x0];
	v42 =	vadd.f32 v43, v42  }
0x42: {  	v36 =	vadd.f32 v18, v17;
	v17 =	vmul.f32 v24, v24;
	v28 =	vadd.f32 v29, v28  }
0x43: {  	v63 =	vmul.f32 v20, v20;
	v30 =	vadd.f32 v31, v30;
	v29 =	vmul.f32 v32, v32  }
0x44: {  	v41 =	vadd.f32 v42, v41;
	v31 =	vperm.xlane v36, v12;
	v28 =	vadd.f32 v28, v17;
	v17 =	vld [tilespmem:s23+$0xFFFFFF80]  }
0x45: {  	v29 =	vadd.f32 v30, v29;
	v30 =	vadd.f32 v22, v37;
	v40 =	vmul.f32 v26, v26  }
0x46: {  	v49 =	vadd.f32 v33, v27;
	v55 =	vmul.f32 v27, v27;
	v31 =	vadd.f32 v31, v36  }
0x47: {  	v62 =	vperm.xlane v28, v12;
	v30 =	vadd.f32 v26, v30;
	v39 =	vadd.f32 v40, v39  }
0x48: {  	v36 =	vadd.f32 v34, v49;
	v41 =	vadd.f32 v41, v55;
	v48 =	vperm.xlane v31, v14  }
0x49: {  	v28 =	vadd.f32 v62, v28;
	v58 =	vperm.xlane v30, v12;
	v44 =	vadd.f32 v32, v17  }
0x4a: {  	v38 =	vadd.f32 v39, v38;
	v52 =	vmul.f32 v17, v17;
	v36 =	vadd.f32 v35, v36  }
0x4b: {  	v31 =	vadd.f32 v48, v31;
	v50 =	vperm.xlane v28, v14;
	v30 =	vadd.f32 v58, v30  }
0x4c: {  	v53 =	vadd.f32 v16, v44;
	v29 =	vadd.f32 v29, v52;
	v45 =	vperm.xlane v36, v12  }
0x4d: {  	v37 =	vadd.f32 v38, v63;
	v63 =	vperm.xlane v41, v12;
	v51 =	vperm.xlane v31, v15  }
0x4e: {  	v28 =	vadd.f32 v50, v28;
	v50 =	vperm.xlane v30, v14;
	v56 =	vadd.f32 v21, v53  }
0x4f: {  	v60 =	vperm.xlane v29, v12;
	v62 =	vperm.xlane v37, v12;
	v36 =	vadd.f32 v45, v36  }
0x50: {  	v39 =	vadd.f32 v63, v41;
	v31 =	vadd.f32 v51, v31;
	v54 =	vperm.xlane v28, v15  }
0x51: {  	v30 =	vadd.f32 v50, v30;
	v59 =	vperm.xlane v56, v12;
	v29 =	vadd.f32 v60, v29  }
0x52: {  	v51 =	vperm.xlane v36, v14;
	v57 =	vperm.xlane v31, v13;
	v28 =	vadd.f32 v54, v28  }
0x53: {  	v37 =	vadd.f32 v62, v37;
	v53 =	vperm.xlane v39, v14;
	v55 =	vperm.xlane v30, v15  }
0x54: {  	v38 =	vadd.f32 v59, v56;
	v31 =	vadd.f32 v57, v31;
	v61 =	vperm.xlane v28, v13  }
0x55: {  	v52 =	vperm.xlane v29, v14;
	v42 =	vperm.xlane v37, v14;
	v36 =	vadd.f32 v51, v36  }
0x56: {  	s29 =	simm.s32 $0x3;
	v39 =	vadd.f32 v53, v39;
	v28 =	vadd.f32 v61, v28;
	v31 =	vmul.f32 $1.562500000e-02, v31  }
0x57: {  	v30 =	vadd.f32 v55, v30;
	v55 =	vmov s29;
	v48 =	vperm.xlane v38, v14  }
0x58: {  	v29 =	vadd.f32 v52, v29;
	v28 =	vmul.f32 $1.562500000e-02, v28;
	v49 =	vmul.f32 v31, v31  }
0x59: {  	v37 =	vadd.f32 v42, v37;
	v57 =	vperm.xlane v36, v15;
	v62 =	vperm.xlane v39, v15  }
0x5a: {  	v63 =	vperm.xlane v30, v13;
	v38 =	vadd.f32 v48, v38;
	v28 =	vsub.f32 v28, v49  }
0x5b: {  	v59 =	vperm.xlane v29, v15;
	v60 =	vperm.xlane v37, v15;
	v36 =	vadd.f32 v57, v36  }
0x5c: {  	v30 =	vadd.f32 v63, v30;
	v54 =	vperm.xlane v38, v15;
	v28 =	vadd.f32 $9.999999740e-06, v28  }
0x5d: {  	v42 =	vand.u32 $0xFF, v55;
	v29 =	vadd.f32 v59, v29;
	v37 =	vadd.f32 v60, v37  }
0x5e: {  	v38 =	vadd.f32 v54, v38;
	v56 =	vshrl.u32 v28, $0x1;
	v28 =	vmul.f32 $5.000000000e-01, v28  }
0x5f: {  	v46 =	vperm.xlane v36, v13;
	v48 =	vperm.xlane v37, v13;
	v44 =	vsub.s32 $0x5F3759DF, v56  }
0x60: {  	v39 =	vadd.f32 v62, v39;
	v61 =	vperm.xlane v38, v13;
	v58 =	vmul.f32 v44, v28  }
0x61: {  	v62 =	vmov s4;
	v30 =	vmul.f32 $1.562500000e-02, v30;
	v47 =	vperm.xlane v29, v13  }
0x62: {  	v37 =	vadd.f32 v48, v37;
	v38 =	vadd.f32 v61, v38;
	v40 =	vmul.f32 v44, v58  }
0x63: {  	v41 =	vsub.f32 $0.0e+00, v30;
	v30 =	vmul.f32 v30, v30;
	v29 =	vadd.f32 v47, v29  }
0x64: {  	v37 =	vmul.f32 $1.562500000e-02, v37;
	v38 =	vmul.f32 $1.562500000e-02, v38;
	v40 =	vsub.f32 $1.500000000e+00, v40  }
0x65: {  	v31 =	vsub.f32 $0.0e+00, v31;
	v49 =	vperm.xlane v39, v13;
	v29 =	vmul.f32 $1.562500000e-02, v29  }
0x66: {  	s30 =	simm.s32 $0x1;
	v30 =	vsub.f32 v37, v30;
	v50 =	vmul.f32 v38, v38;
	v40 =	vmul.f32 v44, v40  }
0x67: {  	v36 =	vadd.f32 v46, v36;
	v39 =	vadd.f32 v49, v39;
	v49 =	vmov s30  }
0x68: {  	v30 =	vadd.f32 $9.999999740e-06, v30;
	v29 =	vsub.f32 v29, v50;
	v28 =	vmul.f32 v40, v28  }
0x69: {  	v36 =	vmul.f32 $1.562500000e-02, v36;
	v47 =	vadd.s32 v6, v42;
	v48 =	vand.u32 $0xFC, v62  }
0x6a: {  	v54 =	vshrl.u32 v30, $0x1;
	v29 =	vadd.f32 $9.999999740e-06, v29;
	v28 =	vmul.f32 v28, v40  }
0x6b: {  	v39 =	vmul.f32 $1.562500000e-02, v39;
	v30 =	vmul.f32 $5.000000000e-01, v30;
	v59 =	vsub.s32 $0x5F3759DF, v54  }
0x6c: {  	v53 =	vshrl.u32 v29, $0x1;
	v29 =	vmul.f32 $5.000000000e-01, v29;
	v28 =	vsub.f32 $1.500000000e+00, v28  }
0x6d: {  	v51 =	vmul.f32 v36, v36;
	v61 =	vmul.f32 v59, v30;
	v58 =	vsub.s32 $0x5F3759DF, v53  }
0x6e: {  	v56 =	vadd.s32 v1, v42;
	v60 =	vmul.f32 v58, v29;
	v28 =	vmul.f32 v28, v40  }
0x6f: {  	v52 =	vsub.f32 v39, v51;
	v37 =	vadd.s32 v1, v48;
	v45 =	vmul.f32 v59, v61  }
0x70: {  	v39 =	vmul.f32 v58, v60;
	v40 =	vsub.f32 $0.0e+00, v36;
	v31 =	vmul.f32 v28, v31  }
0x71: {  	v36 =	vadd.f32 $9.999999740e-06, v52;
	v24 =	vmul.f32 v28, v24;
	v23 =	vmul.f32 v28, v23  }
0x72: {  	v45 =	vsub.f32 $1.500000000e+00, v45;
	v19 =	vmul.f32 v28, v19;
	v18 =	vmul.f32 v28, v18  }
0x73: {  	v57 =	vmul.f32 $5.000000000e-01, v36;
	v24 =	vadd.f32 v31, v24;
	v23 =	vadd.f32 v31, v23  }
0x74: {  	v19 =	vadd.f32 v31, v19;
	v18 =	vadd.f32 v31, v18;
	v31 =	vshrl.u32 v36, $0x1  }
0x75: {  	v39 =	vsub.f32 $1.500000000e+00, v39;
	v31 =	vsub.s32 $0x5F3759DF, v31;
	v24 =	vmul.f32 v24, v8  }
0x76: {  	v45 =	vmul.f32 v59, v45;
	v28 =	vadd.s32 v5, v42;
	v46 =	vmul.f32 v31, v57  }
0x77: {  	v42 =	vadd.s32 v7, v42;
	v39 =	vmul.f32 v58, v39;
	v24 =	vadd.f32 v24, v0  }
0x78: {  	v36 =	vadd.s32 v5, v48;
	v23 =	vmul.f32 v23, v9;
	v46 =	vmul.f32 v31, v46  }
0x79: {  	v38 =	vsub.f32 $0.0e+00, v38;
	v19 =	vmul.f32 v19, v10;
	[tilespmem:v56+s17+$0x0] =	vst.idx.msk $0xffff, v24;
	v24 =	vmul.f32 v39, v29  }
0x7a: {  	v18 =	vmul.f32 v18, v11;
	v23 =	vadd.f32 v23, v2;
	v46 =	vsub.f32 $1.500000000e+00, v46  }
0x7b: {  	v19 =	vadd.f32 v19, v3;
	v29 =	vmul.f32 v45, v30;
	v24 =	vmul.f32 v24, v39  }
0x7c: {  	v53 =	vand.u32 $0xFD, v49;
	v18 =	vadd.f32 v18, v4;
	[tilespmem:v28+s17+$0x0] =	vst.idx.msk $0xffff, v23;
	v46 =	vmul.f32 v31, v46  }
0x7d: {  	s31 =	simm.s32 $0x2;
	v30 =	vadd.s32 v6, v48;
	v52 =	vmul.f32 v29, v45;
	[tilespmem:v47+s17+$0x0] =	vst.idx.msk $0xffff, v19;
	v19 =	vsub.f32 $1.500000000e+00, v24  }
0x7e: {  	v28 =	vadd.s32 v5, v53;
	v31 =	vmov s31;
	v63 =	vmul.f32 v46, v57  }
0x7f: {  	v29 =	vadd.s32 v7, v48;
	v24 =	vsub.f32 $1.500000000e+00, v52;
	v39 =	vmul.f32 v19, v39  }
0x80: {  	v23 =	vand.u32 $0xFE, v31;
	[tilespmem:v42+s17+$0x0] =	vst.idx.msk $0xffff, v18;
	v31 =	vadd.s32 v1, v53;
	v43 =	vmul.f32 v63, v46  }
0x81: {  	v54 =	vmul.f32 v24, v45;
	v19 =	vadd.s32 v6, v53;
	v38 =	vmul.f32 v39, v38  }
0x82: {  	[tilespmem:$0x1FF40] =	vst v19;
	v19 =	vadd.s32 v7, v53;
	v55 =	vmul.f32 v39, v17;
	v32 =	vmul.f32 v39, v32  }
0x83: {  	v18 =	vsub.f32 $1.500000000e+00, v43;
	v56 =	vmul.f32 v39, v16;
	v21 =	vmul.f32 v39, v21  }
0x84: {  	v17 =	vadd.s32 v5, v23;
	v57 =	vmul.f32 v54, v41;
	v20 =	vmul.f32 v54, v20  }
0x85: {  	v16 =	vadd.s32 v6, v23;
	v25 =	vmul.f32 v54, v25;
	v22 =	vmul.f32 v54, v22  }
0x86: {  	[tilespmem:$0x1FF50] =	vst v19;
	v26 =	vmul.f32 v54, v26;
	v43 =	vmul.f32 v18, v46;
	v44 =	vadd.f32 v38, v55  }
0x87: {  	[tilespmem:$0x1FF70] =	vst v17;
	v18 =	vadd.s32 v1, v23;
	v58 =	vadd.f32 v38, v32;
	v45 =	vadd.f32 v38, v56  }
0x88: {  	[tilespmem:$0x1FF80] =	vst v16;
	v21 =	vadd.f32 v38, v21;
	v59 =	vmul.f32 v43, v40;
	v27 =	vmul.f32 v43, v27  }
0x89: {  	s24 =	simm.s32 $0x6580;
	v20 =	vadd.f32 v57, v20;
	[tilespmem:$0x1FF60] =	vst v18;
	v60 =	vmul.f32 v43, v33;
	v61 =	vmul.f32 v43, v34  }
0x8a: {  	v25 =	vadd.f32 v57, v25;
	v33 =	vld [tilespmem:s24+$0x40];
	v43 =	vmul.f32 v43, v35;
	v44 =	vmul.f32 v44, v8  }
0x8b: {  	v22 =	vadd.f32 v57, v22;
	v34 =	vld [tilespmem:s24+$0x50];
	v62 =	vmul.f32 v58, v9;
	v63 =	vmul.f32 v45, v10  }
0x8c: {  	v26 =	vadd.f32 v57, v26;
	v32 =	vld [tilespmem:s24+$0x60];
	v55 =	vmul.f32 v21, v11;
	v54 =	vmul.f32 v20, v8  }
0x8d: {  	v35 =	vld [tilespmem:s24+$0x70];
	v53 =	vmul.f32 v25, v9;
	v27 =	vadd.f32 v59, v27;
	v40 =	vadd.f32 v59, v60  }
0x8e: {  	v21 =	vld [tilespmem:s24+$0xFFFFFF90];
	v52 =	vmul.f32 v22, v10;
	v48 =	vadd.f32 v59, v61;
	v50 =	vadd.f32 v59, v43  }
0x8f: {  	v20 =	vld [tilespmem:s24+$0xFFFFFFA0];
	v25 =	vmul.f32 v26, v11;
	v49 =	vadd.f32 v44, v0;
	v47 =	vadd.f32 v62, v2  }
0x90: {  	s25 =	simm.s32 $0x8;
	s23 =	simm.s32 $0x4;
	v22 =	vld [tilespmem:s24+$0xFFFFFFB0];
	v46 =	vadd.f32 v63, v3;
	v27 =	vmul.f32 v27, v8;
	v26 =	vmul.f32 v40, v9  }
.LBB2_2:
0x91: {  	v38 =	vld [tilespmem:s24+$0xFFFFFFC0]  }
0x92: {  	v39 =	vld [tilespmem:s24+$0xFFFFFFD0]  }
0x93: {  	v40 =	vld [tilespmem:s24+$0xFFFFFFE0]  }
0x94: {  	v41 =	vld [tilespmem:s24+$0xFFFFFFF0];
	v55 =	vadd.f32 v55, v4;
	v16 =	vmul.f32 v48, v10  }
0x95: {  	v42 =	vadd.f32 v34, v33;
	v43 =	vmul.f32 v32, v32;
	v44 =	vmul.f32 v35, v35  }
0x96: {  	v54 =	vadd.f32 v54, v0;
	v57 =	vmul.f32 v20, v20;
	v58 =	vmul.f32 v22, v22  }
0x97: {  	v56 =	vmul.f32 v21, v21;
	v48 =	vmul.f32 v34, v34;
	v45 =	vadd.f32 v32, v42  }
0x98: {  	v62 =	vmul.f32 v40, v40;
	v44 =	vadd.f32 v44, v43;
	v42 =	vld [tilespmem:s24+$0x0];
	v57 =	vadd.f32 v58, v57  }
0x99: {  	v51 =	vmul.f32 v41, v41;
	v43 =	vld [tilespmem:s24+$0x10];
	v58 =	vadd.f32 v39, v38;
	v59 =	vadd.f32 v35, v45  }
0x9a: {  	v60 =	vmul.f32 v33, v33;
	v48 =	vadd.f32 v44, v48;
	v45 =	vld [tilespmem:s24+$0x20];
	v56 =	vadd.f32 v57, v56  }
0x9b: {  	v61 =	vmul.f32 v39, v39;
	v44 =	vld [tilespmem:s24+$0x30];
	v57 =	vadd.f32 v40, v58;
	v58 =	vadd.f32 v51, v62  }
0x9c: {  	v53 =	vadd.f32 v53, v2;
	[tilespmem:$0x1FF30] =	vst v16;
	v63 =	vperm.xlane v59, v12;
	v60 =	vadd.f32 v48, v60;
	v48 =	vld [tilespmem:s24+$0xFFFFFF80]  }
0x9d: {  	[tilespmem:v31+s17+$0x0] =	vst.idx.msk $0xffff, v54;
	v16 =	vmul.f32 v38, v38;
	v58 =	vadd.f32 v58, v61  }
0x9e: {  	v57 =	vadd.f32 v41, v57;
	v59 =	vadd.f32 v63, v59;
	v63 =	vperm.xlane v60, v12  }
0x9f: {  	[tilespmem:v37+s17+$0x0] =	vst.idx.msk $0xffff, v49;
	v51 =	vadd.f32 v43, v42;
	v16 =	vadd.f32 v58, v16  }
0xa0: {  	v18 =	vmul.f32 v45, v45;
	v19 =	vperm.xlane v59, v14;
	v60 =	vadd.f32 v63, v60  }
0xa1: {  	v62 =	vadd.f32 v45, v51;
	v63 =	vmul.f32 v44, v44;
	v24 =	vadd.f32 v21, v48  }
0xa2: {  	v51 =	vmul.f32 v48, v48;
	v19 =	vadd.f32 v19, v59;
	v59 =	vperm.xlane v60, v14  }
0xa3: {  	v17 =	vmul.f32 v43, v43;
	v18 =	vadd.f32 v63, v18;
	v24 =	vadd.f32 v20, v24  }
0xa4: {  	v51 =	vadd.f32 v56, v51;
	v61 =	vperm.xlane v19, v15;
	v59 =	vadd.f32 v59, v60  }
0xa5: {  	v56 =	vperm.xlane v57, v12;
	v60 =	vadd.f32 v44, v62;
	v17 =	vadd.f32 v18, v17  }
0xa6: {  	v18 =	vadd.f32 v22, v24;
	v19 =	vadd.f32 v61, v19;
	v24 =	vperm.xlane v59, v15  }
0xa7: {  	v62 =	vmul.f32 v42, v42;
	v56 =	vadd.f32 v56, v57;
	v57 =	vperm.xlane v16, v12  }
0xa8: {  	v58 =	vperm.xlane v18, v12;
	v61 =	vperm.xlane v19, v13;
	v24 =	vadd.f32 v24, v59  }
0xa9: {  	v63 =	vperm.xlane v60, v12;
	v17 =	vadd.f32 v17, v62;
	v62 =	vperm.xlane v56, v14  }
0xaa: {  	v18 =	vadd.f32 v58, v18;
	v19 =	vadd.f32 v61, v19;
	v58 =	vperm.xlane v24, v13  }
0xab: {  	v16 =	vadd.f32 v57, v16;
	v59 =	vperm.xlane v51, v12;
	v61 =	vperm.xlane v17, v12  }
0xac: {  	[tilespmem:v36+s17+$0x0] =	vst.idx.msk $0xffff, v47;
	v47 =	vadd.f32 v62, v56;
	v24 =	vadd.f32 v58, v24;
	v19 =	vmul.f32 $1.562500000e-02, v19  }
0xad: {  	v37 =	vperm.xlane v18, v14;
	v17 =	vadd.f32 v61, v17;
	v61 =	vperm.xlane v16, v14  }
0xae: {  	[tilespmem:v30+s17+$0x0] =	vst.idx.msk $0xffff, v46;
	v60 =	vadd.f32 v63, v60;
	v24 =	vmul.f32 $1.562500000e-02, v24;
	v63 =	vmul.f32 v19, v19  }
0xaf: {  	v49 =	vadd.f32 v59, v51;
	v30 =	vperm.xlane v47, v15;
	v16 =	vadd.f32 v61, v16  }
0xb0: {  	v59 =	vperm.xlane v60, v14;
	v18 =	vadd.f32 v37, v18;
	v24 =	vsub.f32 v24, v63  }
0xb1: {  	v37 =	vperm.xlane v49, v14;
	v30 =	vadd.f32 v30, v47;
	v31 =	vperm.xlane v16, v15  }
0xb2: {  	v36 =	vadd.f32 v59, v60;
	v62 =	vperm.xlane v17, v14;
	v24 =	vadd.f32 $9.999999740e-06, v24  }
0xb3: {  	v37 =	vadd.f32 v37, v49;
	v54 =	vperm.xlane v30, v13;
	v16 =	vadd.f32 v31, v16  }
0xb4: {  	[tilespmem:v28+s17+$0x0] =	vst.idx.msk $0xffff, v53;
	v63 =	vperm.xlane v18, v15;
	v60 =	vshrl.u32 v24, $0x1;
	v24 =	vmul.f32 $5.000000000e-01, v24  }
0xb5: {  	[tilespmem:v29+s17+$0x0] =	vst.idx.msk $0xffff, v55;
	v28 =	vadd.f32 v54, v30;
	v30 =	vperm.xlane v16, v13;
	v49 =	vsub.s32 $0x5F3759DF, v60  }
0xb6: {  	v59 =	vperm.xlane v36, v15;
	v17 =	vadd.f32 v62, v17;
	v61 =	vmul.f32 v49, v24  }
0xb7: {  	v29 =	vperm.xlane v37, v15;
	v18 =	vadd.f32 v63, v18;
	v16 =	vadd.f32 v30, v16;
	v30 =	vld [tilespmem:$0x1FF40]  }
0xb8: {  	v52 =	vadd.f32 v52, v3;
	v36 =	vadd.f32 v59, v36;
	v47 =	vmul.f32 v49, v61  }
0xb9: {  	v63 =	vperm.xlane v17, v15;
	v29 =	vadd.f32 v29, v37;
	v62 =	vperm.xlane v18, v13  }
0xba: {  	v31 =	vperm.xlane v36, v13;
	v28 =	vmul.f32 $1.562500000e-02, v28;
	v47 =	vsub.f32 $1.500000000e+00, v47  }
0xbb: {  	v17 =	vadd.f32 v63, v17;
	v55 =	vperm.xlane v29, v13;
	v18 =	vadd.f32 v62, v18  }
0xbc: {  	v59 =	vsub.f32 $0.0e+00, v28;
	v28 =	vmul.f32 v28, v28;
	v57 =	vmul.f32 v49, v47  }
0xbd: {  	v31 =	vadd.f32 v31, v36;
	v56 =	vperm.xlane v17, v13;
	v18 =	vmul.f32 $1.562500000e-02, v18  }
0xbe: {  	v29 =	vadd.f32 v55, v29;
	v16 =	vmul.f32 $1.562500000e-02, v16;
	v24 =	vmul.f32 v57, v24  }
0xbf: {  	v17 =	vadd.f32 v56, v17;
	v58 =	vsub.f32 $0.0e+00, v18;
	[tilespmem:v30+s17+$0x0] =	vst.idx.msk $0xffff, v52;
	v30 =	vmul.f32 $1.562500000e-02, v31  }
0xc0: {  	v16 =	vsub.f32 v16, v28;
	v31 =	vmul.f32 v18, v18;
	v18 =	vmul.f32 v24, v57  }
0xc1: {  	v19 =	vsub.f32 $0.0e+00, v19;
	v29 =	vmul.f32 $1.562500000e-02, v29  }
0xc2: {  	v17 =	vmul.f32 $1.562500000e-02, v17;
	v16 =	vadd.f32 $9.999999740e-06, v16;
	v18 =	vsub.f32 $1.500000000e+00, v18  }
0xc3: {  	s26 =	sadd.s32 $0x3, s23;
	v24 =	vsub.f32 v29, v31;
	v29 =	vmul.f32 v30, v30;
	v60 =	vsub.f32 $0.0e+00, v30  }
0xc4: {  	v30 =	vshrl.u32 v16, $0x1;
	v31 =	vmov s26;
	v18 =	vmul.f32 v18, v57  }
0xc5: {  	v31 =	vand.u32 $0xFF, v31;
	v24 =	vadd.f32 $9.999999740e-06, v24;
	v17 =	vsub.f32 v17, v29  }
0xc6: {  	v63 =	vadd.s32 v1, v31;
	v19 =	vmul.f32 v18, v19;
	v29 =	vmul.f32 v18, v33  }
0xc7: {  	v51 =	vadd.s32 v5, v31;
	v52 =	vadd.s32 v6, v31;
	v61 =	vmul.f32 v18, v34  }
0xc8: {  	v62 =	vmul.f32 v18, v32;
	v18 =	vmul.f32 v18, v35;
	v29 =	vadd.f32 v19, v29  }
0xc9: {  	v31 =	vadd.s32 v7, v31;
	v28 =	vshrl.u32 v24, $0x1;
	v33 =	vadd.f32 v19, v61  }
0xca: {  	v32 =	vadd.f32 v19, v62;
	v18 =	vadd.f32 v19, v18;
	v29 =	vmul.f32 v29, v8  }
0xcb: {  	v24 =	vmul.f32 $5.000000000e-01, v24;
	v17 =	vadd.f32 $9.999999740e-06, v17;
	v33 =	vmul.f32 v33, v9  }
0xcc: {  	v56 =	vld [tilespmem:$0x1FF50];
	v18 =	vmul.f32 v18, v11;
	v19 =	vadd.f32 v29, v0;
	v29 =	vmul.f32 v32, v10  }
0xcd: {  	v28 =	vsub.s32 $0x5F3759DF, v28;
	v54 =	vshrl.u32 v17, $0x1;
	v53 =	vadd.f32 v33, v2  }
0xce: {  	v17 =	vmul.f32 $5.000000000e-01, v17;
	v18 =	vadd.f32 v18, v4;
	[tilespmem:v63+s17+$0x0] =	vst.idx.msk $0xffff, v19;
	v19 =	vadd.f32 v29, v3  }
0xcf: {  	v33 =	vsub.s32 $0x5F3759DF, v54;
	v29 =	vsub.s32 $0x5F3759DF, v30;
	v30 =	vmul.f32 v28, v24;
	[tilespmem:v51+s17+$0x0] =	vst.idx.msk $0xffff, v53  }
0xd0: {  	[tilespmem:v52+s17+$0x0] =	vst.idx.msk $0xffff, v19;
	v19 =	vmul.f32 v33, v17  }
0xd1: {  	[tilespmem:v31+s17+$0x0] =	vst.idx.msk $0xffff, v18;
	v18 =	vadd.f32 v25, v4;
	v25 =	vmul.f32 v28, v30  }
0xd2: {  	v19 =	vmul.f32 v33, v19  }
0xd3: {  	v25 =	vsub.f32 $1.500000000e+00, v25  }
0xd4: {  	[tilespmem:v56+s17+$0x0] =	vst.idx.msk $0xffff, v18;
	v18 =	vsub.f32 $1.500000000e+00, v19;
	v19 =	vld [tilespmem:$0x1FF60]  }
0xd5: {  	v16 =	vmul.f32 $5.000000000e-01, v16;
	v25 =	vmul.f32 v28, v25;
	v28 =	vld [tilespmem:$0x1FF70];
	_ =	sdelay $0x1  }
0xd6: {  	v55 =	vmul.f32 v29, v16;
	_ =	sdelay $0x1  }
0xd7: {  	v30 =	vmul.f32 v29, v55  }
0xd8: {  	v27 =	vadd.f32 v27, v0  }
0xd9: {  	v26 =	vadd.f32 v26, v2;
	v30 =	vsub.f32 $1.500000000e+00, v30  }
0xda: {  	v31 =	vld [tilespmem:$0x1FF30];
	[tilespmem:v19+s17+$0x0] =	vst.idx.msk $0xffff, v27  }
0xdb: {  	v57 =	vmul.f32 v29, v30;
	[tilespmem:v28+s17+$0x0] =	vst.idx.msk $0xffff, v26;
	v28 =	vld [tilespmem:$0x1FF80];
	_ =	sdelay $0x1  }
0xdc: {  	v18 =	vmul.f32 v33, v18;
	v16 =	vmul.f32 v57, v16;
	_ =	sdelay $0x1  }
0xdd: {  	v23 =	vadd.s32 v7, v23;
	v17 =	vmul.f32 v18, v17;
	v16 =	vmul.f32 v16, v57  }
0xde: {  	v50 =	vmul.f32 v50, v11;
	v31 =	vadd.f32 v31, v3  }
0xdf: {  	v17 =	vmul.f32 v17, v18;
	v16 =	vsub.f32 $1.500000000e+00, v16;
	v27 =	vmov s23  }
0xe0: {  	v24 =	vmul.f32 v25, v24;
	v19 =	vadd.f32 v50, v4;
	v26 =	vand.u32 $0xFC, v27  }
0xe1: {  	s30 =	sadd.s32 $0x1, s23;
	v17 =	vsub.f32 $1.500000000e+00, v17;
	v16 =	vmul.f32 v16, v57;
	v37 =	vadd.s32 v1, v26;
	[tilespmem:v28+s17+$0x0] =	vst.idx.msk $0xffff, v31  }
0xe2: {  	v27 =	vmov s30;
	v36 =	vadd.s32 v5, v26;
	[tilespmem:v23+s17+$0x0] =	vst.idx.msk $0xffff, v19;
	v19 =	vmul.f32 v24, v25  }
0xe3: {  	s31 =	sadd.s32 $0x2, s23;
	v30 =	vadd.s32 v6, v26;
	v29 =	vadd.s32 v7, v26;
	v17 =	vmul.f32 v17, v18  }
0xe4: {  	v26 =	vmul.f32 v16, v39;
	v28 =	vmov s31;
	v19 =	vsub.f32 $1.500000000e+00, v19  }
0xe5: {  	v24 =	vand.u32 $0xFD, v27;
	v23 =	vand.u32 $0xFE, v28;
	v27 =	vmul.f32 v16, v40  }
0xe6: {  	v31 =	vadd.s32 v1, v24;
	v18 =	vadd.s32 v1, v23;
	v19 =	vmul.f32 v19, v25  }
0xe7: {  	v28 =	vadd.s32 v5, v24;
	[tilespmem:$0x1FF60] =	vst v18;
	v25 =	vadd.s32 v6, v24;
	v24 =	vadd.s32 v7, v24  }
0xe8: {  	[tilespmem:$0x1FF50] =	vst v24;
	v18 =	vmul.f32 v19, v58;
	v24 =	vmul.f32 v19, v48  }
0xe9: {  	v21 =	vmul.f32 v19, v21;
	v20 =	vmul.f32 v19, v20  }
0xea: {  	[tilespmem:$0x1FF40] =	vst v25;
	v25 =	vadd.s32 v5, v23;
	v19 =	vmul.f32 v19, v22;
	v22 =	vmul.f32 v16, v59  }
0xeb: {  	[tilespmem:$0x1FF70] =	vst v25;
	v25 =	vadd.s32 v6, v23;
	v58 =	vmul.f32 v17, v42;
	v59 =	vmul.f32 v17, v43  }
0xec: {  	[tilespmem:$0x1FF80] =	vst v25;
	v25 =	vmul.f32 v16, v38;
	v24 =	vadd.f32 v18, v24;
	v21 =	vadd.f32 v18, v21  }
0xed: {  	v16 =	vmul.f32 v16, v41;
	v20 =	vadd.f32 v18, v20;
	v18 =	vadd.f32 v18, v19  }
0xee: {  	s24 =	sadd.s32 $0x100, s24;
	v19 =	vmul.f32 v17, v60;
	v60 =	vmul.f32 v17, v45;
	v26 =	vadd.f32 v22, v26  }
0xef: {  	v34 =	vld [tilespmem:s24+$0x50];
	v27 =	vadd.f32 v22, v27;
	v17 =	vmul.f32 v17, v44;
	v25 =	vadd.f32 v22, v25  }
0xf0: {  	p0 =	slt.u32 s25, $0xFC;
	v32 =	vld [tilespmem:s24+$0x60];
	v16 =	vadd.f32 v22, v16;
	v24 =	vmul.f32 v24, v8;
	v61 =	vadd.f32 v19, v58  }
.Ltmp2:
0xf1: {  	v35 =	vld [tilespmem:s24+$0x70];
	v22 =	vmul.f32 v21, v9;
	v62 =	vadd.f32 v19, v59;
	v63 =	vmul.f32 v20, v10;
	(pc) =	sbr.rel @p0 .LBB2_2-.Ltmp2, $4  }
0xf2: {  	v33 =	vld [tilespmem:s24+$0x40];
	v48 =	vadd.f32 v19, v60;
	v55 =	vmul.f32 v18, v11;
	v53 =	vmul.f32 v26, v9  }
0xf3: {  	v50 =	vadd.f32 v19, v17;
	v21 =	vld [tilespmem:s24+$0xFFFFFF90];
	v52 =	vmul.f32 v27, v10;
	v54 =	vmul.f32 v25, v8  }
0xf4: {  	v20 =	vld [tilespmem:s24+$0xFFFFFFA0];
	v25 =	vmul.f32 v16, v11;
	v49 =	vadd.f32 v24, v0;
	v47 =	vadd.f32 v22, v2  }
0xf5: {  	s23 =	smov.u32 s25;
	s25 =	sadd.s32 $0x4, s25;
	v22 =	vld [tilespmem:s24+$0xFFFFFFB0];
	v46 =	vadd.f32 v63, v3;
	v27 =	vmul.f32 v61, v8;
	v26 =	vmul.f32 v62, v9  }
0xf6: {  	v44 =	vld [tilespmem:s24+$0xFFFFFFC0]  }
0xf7: {  	v43 =	vld [tilespmem:s24+$0xFFFFFFD0]  }
0xf8: {  	v45 =	vld [tilespmem:s24+$0xFFFFFFE0]  }
0xf9: {  	v17 =	vmul.f32 v32, v32;
	v18 =	vmul.f32 v35, v35;
	v42 =	vld [tilespmem:s24+$0xFFFFFFF0];
	v16 =	vadd.f32 v34, v33  }
0xfa: {  	v19 =	vmul.f32 v34, v34  }
0xfb: {  	v40 =	vld [tilespmem:s24+$0x0];
	v17 =	vadd.f32 v18, v17;
	v61 =	vmul.f32 v21, v21;
	v16 =	vadd.f32 v32, v16  }
0xfc: {  	v39 =	vld [tilespmem:s24+$0x10];
	v60 =	vmul.f32 v20, v20;
	v24 =	vmul.f32 v22, v22  }
0xfd: {  	v38 =	vld [tilespmem:s24+$0xFFFFFF80];
	v17 =	vadd.f32 v17, v19;
	v51 =	vadd.f32 v35, v16;
	v16 =	vmul.f32 v33, v33  }
0xfe: {  	v41 =	vld [tilespmem:s24+$0x20];
	v62 =	vadd.f32 v43, v44;
	v58 =	vmul.f32 v45, v45;
	v63 =	vmul.f32 v42, v42  }
0xff: {  	v18 =	vadd.f32 v24, v60;
	v57 =	vperm.xlane v51, v12;
	v17 =	vadd.f32 v17, v16  }
0x100: {  	v56 =	vmul.f32 v43, v43;
	v24 =	vadd.f32 v45, v62;
	v19 =	vadd.f32 v63, v58  }
0x101: {  	[tilespmem:$0x1FF20] =	vst v42;
	v58 =	vadd.f32 v39, v40;
	v51 =	vadd.f32 v57, v51;
	v57 =	vperm.xlane v17, v12  }
0x102: {  	v59 =	vmul.f32 v44, v44;
	v62 =	vadd.f32 v21, v38;
	v18 =	vadd.f32 v18, v61;
	v16 =	vmovc v42;
	v42 =	vld [tilespmem:s24+$0x30]  }
0x103: {  	v58 =	vadd.f32 v41, v58;
	v61 =	vperm.xlane v51, v14;
	v17 =	vadd.f32 v57, v17  }
0x104: {  	v60 =	vmul.f32 v39, v39;
	v19 =	vadd.f32 v19, v56;
	v56 =	vadd.f32 v20, v62  }
0x105: {  	v24 =	vadd.f32 v16, v24;
	v51 =	vadd.f32 v61, v51;
	v61 =	vperm.xlane v17, v14  }
0x106: {  	v16 =	vmul.f32 v38, v38;
	v57 =	vmul.f32 v41, v41;
	v56 =	vadd.f32 v22, v56  }
0x107: {  	v63 =	vmul.f32 v42, v42;
	v62 =	vperm.xlane v51, v15;
	v17 =	vadd.f32 v61, v17  }
0x108: {  	v19 =	vadd.f32 v19, v59;
	v16 =	vadd.f32 v18, v16;
	v18 =	vperm.xlane v24, v12  }
0x109: {  	v57 =	vadd.f32 v63, v57;
	v51 =	vadd.f32 v62, v51;
	v62 =	vperm.xlane v17, v15  }
0x10a: {  	v58 =	vadd.f32 v42, v58;
	v59 =	vperm.xlane v16, v12;
	v61 =	vmul.f32 v40, v40  }
0x10b: {  	v57 =	vadd.f32 v57, v60;
	v63 =	vperm.xlane v51, v13;
	v17 =	vadd.f32 v62, v17  }
0x10c: {  	v18 =	vadd.f32 v18, v24;
	v60 =	vperm.xlane v56, v12;
	v62 =	vperm.xlane v58, v12  }
0x10d: {  	v57 =	vadd.f32 v57, v61;
	v51 =	vadd.f32 v63, v51;
	v61 =	vperm.xlane v17, v13  }
0x10e: {  	v24 =	vperm.xlane v19, v12;
	v56 =	vadd.f32 v60, v56;
	v58 =	vadd.f32 v62, v58  }
0x10f: {  	v62 =	vperm.xlane v18, v14;
	v17 =	vadd.f32 v61, v17;
	v51 =	vmul.f32 $1.562500000e-02, v51  }
0x110: {  	v16 =	vadd.f32 v59, v16;
	v60 =	vperm.xlane v57, v12;
	v61 =	vperm.xlane v56, v14  }
0x111: {  	v19 =	vadd.f32 v24, v19;
	v17 =	vmul.f32 $1.562500000e-02, v17;
	v59 =	vmul.f32 v51, v51  }
0x112: {  	v18 =	vadd.f32 v62, v18;
	v57 =	vadd.f32 v60, v57;
	v60 =	vperm.xlane v16, v14  }
0x113: {  	v24 =	vadd.f32 v61, v56;
	v56 =	vperm.xlane v58, v14;
	v17 =	vsub.f32 v17, v59  }
0x114: {  	v16 =	vadd.f32 v60, v16;
	v60 =	vperm.xlane v18, v15  }
0x115: {  	v59 =	vperm.xlane v19, v14;
	v56 =	vadd.f32 v56, v58;
	v17 =	vadd.f32 $9.999999740e-06, v17  }
0x116: {  	v58 =	vperm.xlane v57, v14;
	v61 =	vperm.xlane v24, v15;
	v18 =	vadd.f32 v60, v18  }
0x117: {  	v19 =	vadd.f32 v59, v19;
	v62 =	vshrl.u32 v17, $0x1;
	v17 =	vmul.f32 $5.000000000e-01, v17  }
0x118: {  	v59 =	vperm.xlane v56, v15;
	v57 =	vadd.f32 v58, v57;
	v58 =	vsub.s32 $0x5F3759DF, v62  }
0x119: {  	v24 =	vadd.f32 v61, v24;
	v61 =	vperm.xlane v16, v15;
	v60 =	vmul.f32 v58, v17  }
0x11a: {  	v56 =	vadd.f32 v59, v56;
	v59 =	vperm.xlane v57, v15  }
0x11b: {  	v63 =	vperm.xlane v24, v13;
	v16 =	vadd.f32 v61, v16;
	v60 =	vmul.f32 v58, v60  }
0x11c: {  	v61 =	vperm.xlane v18, v13;
	v62 =	vperm.xlane v19, v15;
	v57 =	vadd.f32 v59, v57  }
0x11d: {  	v59 =	vperm.xlane v16, v13;
	v24 =	vadd.f32 v63, v24;
	v60 =	vsub.f32 $1.500000000e+00, v60  }
0x11e: {  	v18 =	vadd.f32 v61, v18;
	v19 =	vadd.f32 v62, v19;
	v62 =	vperm.xlane v56, v13  }
0x11f: {  	v16 =	vadd.f32 v59, v16;
	v24 =	vmul.f32 $1.562500000e-02, v24;
	v58 =	vmul.f32 v58, v60  }
0x120: {  	v18 =	vmul.f32 $1.562500000e-02, v18;
	v61 =	vperm.xlane v19, v13  }
0x121: {  	v55 =	vadd.f32 v55, v4;
	v16 =	vmul.f32 $1.562500000e-02, v16;
	v17 =	vmul.f32 v58, v17  }
0x122: {  	v56 =	vadd.f32 v62, v56;
	v59 =	vmul.f32 v24, v24;
	v60 =	vperm.xlane v57, v13  }
0x123: {  	v19 =	vadd.f32 v61, v19;
	v61 =	vmul.f32 v18, v18;
	v17 =	vmul.f32 v17, v58  }
0x124: {  	v57 =	vadd.f32 v60, v57;
	v60 =	vadd.f32 v54, v0;
	v54 =	vmul.f32 $1.562500000e-02, v56  }
0x125: {  	v16 =	vsub.f32 v16, v59;
	v19 =	vmul.f32 $1.562500000e-02, v19;
	v17 =	vsub.f32 $1.500000000e+00, v17  }
0x126: {  	v53 =	vadd.f32 v53, v2;
	[tilespmem:v37+s17+$0x0] =	vst.idx.msk $0xffff, v49;
	v57 =	vmul.f32 $1.562500000e-02, v57;
	v62 =	vmul.f32 v54, v54  }
0x127: {  	s28 =	sadd.s32 $0x3, s23;
	[tilespmem:v36+s17+$0x0] =	vst.idx.msk $0xffff, v47;
	v51 =	vsub.f32 $0.0e+00, v51;
	v16 =	vadd.f32 $9.999999740e-06, v16;
	v17 =	vmul.f32 v17, v58  }
0x128: {  	[tilespmem:v30+s17+$0x0] =	vst.idx.msk $0xffff, v46;
	v19 =	vsub.f32 v19, v61;
	v61 =	vmov s28;
	v56 =	vsub.f32 v57, v62  }
0x129: {  	[tilespmem:v29+s17+$0x0] =	vst.idx.msk $0xffff, v55;
	v63 =	vshrl.u32 v16, $0x1;
	v37 =	vmul.f32 v17, v51;
	v57 =	vmul.f32 v17, v33  }
0x12a: {  	[tilespmem:v31+s17+$0x0] =	vst.idx.msk $0xffff, v60;
	v49 =	vsub.s32 $0x5F3759DF, v63;
	v36 =	vadd.f32 $9.999999740e-06, v56;
	v62 =	vmul.f32 v17, v34  }
0x12b: {  	[tilespmem:v28+s17+$0x0] =	vst.idx.msk $0xffff, v53;
	v51 =	vand.u32 $0xFF, v61;
	v56 =	vmul.f32 v17, v32;
	v63 =	vadd.f32 v37, v57  }
0x12c: {  	v17 =	vmul.f32 v17, v35;
	v57 =	vadd.s32 v1, v51;
	v34 =	vadd.f32 v37, v62  }
0x12d: {  	v61 =	vadd.s32 v5, v51;
	v31 =	vadd.f32 v37, v56;
	v29 =	vmul.f32 v63, v8;
	v63 =	vld [tilespmem:$0x1FF40]  }
0x12e: {  	v17 =	vadd.f32 v37, v17;
	v62 =	vadd.s32 v6, v51;
	v34 =	vmul.f32 v34, v9  }
0x12f: {  	v33 =	vadd.s32 v7, v51;
	v31 =	vmul.f32 v31, v10;
	v29 =	vadd.f32 v29, v0  }
0x130: {  	v17 =	vmul.f32 v17, v11;
	v34 =	vadd.f32 v34, v2  }
0x131: {  	v31 =	vadd.f32 v31, v3;
	[tilespmem:v57+s17+$0x0] =	vst.idx.msk $0xffff, v29  }
0x132: {  	v17 =	vadd.f32 v17, v4;
	[tilespmem:v61+s17+$0x0] =	vst.idx.msk $0xffff, v34  }
0x133: {  	v52 =	vadd.f32 v52, v3;
	[tilespmem:v62+s17+$0x0] =	vst.idx.msk $0xffff, v31  }
0x134: {  	[tilespmem:v33+s17+$0x0] =	vst.idx.msk $0xffff, v17  }
0x135: {  	[tilespmem:v63+s17+$0x0] =	vst.idx.msk $0xffff, v52  }
0x136: {  	v33 =	vld [tilespmem:$0x1FF50];
	_ =	sdelay $0x5  }
0x137: {  	v25 =	vadd.f32 v25, v4  }
0x138: {  	v16 =	vmul.f32 $5.000000000e-01, v16  }
0x139: {  	[tilespmem:v33+s17+$0x0] =	vst.idx.msk $0xffff, v25  }
0x13a: {  	v19 =	vadd.f32 $9.999999740e-06, v19;
	v58 =	vmul.f32 v49, v16;
	v33 =	vld [tilespmem:$0x1FF60];
	_ =	sdelay $0x1  }
0x13b: {  	v59 =	vshrl.u32 v19, $0x1;
	v19 =	vmul.f32 $5.000000000e-01, v19;
	v55 =	vmul.f32 v49, v58  }
0x13c: {  	v58 =	vsub.s32 $0x5F3759DF, v59  }
0x13d: {  	v60 =	vmul.f32 v58, v19;
	v59 =	vsub.f32 $1.500000000e+00, v55;
	_ =	sdelay $0x1  }
0x13e: {  	v27 =	vadd.f32 v27, v0;
	v35 =	vmul.f32 v58, v60;
	v30 =	vmul.f32 v49, v59;
	_ =	sdelay $0x1  }
0x13f: {  	v35 =	vsub.f32 $1.500000000e+00, v35;
	v16 =	vmul.f32 v30, v16;
	[tilespmem:v33+s17+$0x0] =	vst.idx.msk $0xffff, v27  }
0x140: {  	v47 =	vshrl.u32 v36, $0x1;
	v49 =	vmul.f32 $5.000000000e-01, v36;
	v33 =	vld [tilespmem:$0x1FF70]  }
0x141: {  	v28 =	vmul.f32 v58, v35;
	v16 =	vmul.f32 v16, v30;
	v29 =	vsub.s32 $0x5F3759DF, v47  }
0x142: {  	v23 =	vadd.s32 v7, v23;
	v53 =	vmul.f32 v29, v49  }
0x143: {  	v26 =	vadd.f32 v26, v2;
	v19 =	vmul.f32 v28, v19;
	v16 =	vsub.f32 $1.500000000e+00, v16  }
0x144: {  	v51 =	vmul.f32 v48, v10;
	v17 =	vsub.f32 $0.0e+00, v24;
	v24 =	vmul.f32 v29, v53  }
0x145: {  	v18 =	vsub.f32 $0.0e+00, v18;
	v19 =	vmul.f32 v19, v28;
	v16 =	vmul.f32 v16, v30  }
0x146: {  	v55 =	vadd.f32 v51, v3;
	v52 =	vmul.f32 v50, v11;
	v24 =	vsub.f32 $1.500000000e+00, v24  }
0x147: {  	v19 =	vsub.f32 $1.500000000e+00, v19;
	v17 =	vmul.f32 v16, v17;
	v56 =	vmul.f32 v16, v38  }
0x148: {  	v57 =	vmov s23;
	v61 =	vmul.f32 v16, v21;
	v35 =	vmul.f32 v16, v20;
	[tilespmem:v33+s17+$0x0] =	vst.idx.msk $0xffff, v26  }
0x149: {  	v58 =	vadd.f32 v52, v4;
	v24 =	vmul.f32 v29, v24;
	v19 =	vmul.f32 v19, v28;
	v60 =	vld [tilespmem:$0x1FF80]  }
0x14a: {  	v16 =	vmul.f32 v16, v22;
	v31 =	vadd.f32 v17, v56;
	v21 =	vadd.f32 v17, v61  }
0x14b: {  	v20 =	vadd.f32 v17, v35;
	v34 =	vmul.f32 v24, v49;
	v18 =	vmul.f32 v19, v18  }
0x14c: {  	v16 =	vadd.f32 v17, v16;
	v38 =	vmul.f32 v19, v44;
	v46 =	vmul.f32 v19, v43  }
0x14d: {  	v47 =	vmul.f32 v19, v45;
	v62 =	vmul.f32 v31, v8;
	v25 =	vand.u32 $0xFC, v57  }
0x14e: {  	v21 =	vmul.f32 v21, v9;
	v20 =	vmul.f32 v20, v10;
	v59 =	vadd.s32 v1, v25  }
0x14f: {  	v16 =	vmul.f32 v16, v11;
	v28 =	vadd.f32 v18, v38;
	v33 =	vadd.s32 v5, v25  }
0x150: {  	s29 =	sadd.s32 $0x1, s23;
	v37 =	vmul.f32 v34, v24;
	v48 =	vadd.f32 v18, v46;
	v49 =	vadd.f32 v18, v47  }
0x151: {  	v63 =	vmov s29;
	v29 =	vadd.f32 v62, v0;
	v36 =	vadd.s32 v6, v25;
	[tilespmem:v60+s17+$0x0] =	vst.idx.msk $0xffff, v55  }
0x152: {  	v17 =	vadd.f32 v21, v2;
	v25 =	vadd.s32 v7, v25;
	[tilespmem:v23+s17+$0x0] =	vst.idx.msk $0xffff, v58;
	v23 =	vand.u32 $0xFD, v63  }
0x153: {  	v20 =	vadd.f32 v20, v3;
	[tilespmem:v59+s17+$0x0] =	vst.idx.msk $0xffff, v29;
	v44 =	vadd.s32 v1, v23  }
0x154: {  	v28 =	vmul.f32 v28, v8;
	[tilespmem:v33+s17+$0x0] =	vst.idx.msk $0xffff, v17;
	v17 =	vadd.s32 v5, v23  }
0x155: {  	v16 =	vadd.f32 v16, v4;
	v27 =	vmul.f32 v48, v9;
	v50 =	vadd.s32 v6, v23  }
0x156: {  	v51 =	vmul.f32 v49, v10;
	v52 =	vadd.f32 v28, v0;
	[tilespmem:v36+s17+$0x0] =	vst.idx.msk $0xffff, v20  }
0x157: {  	v53 =	vadd.f32 v27, v2;
	[tilespmem:v25+s17+$0x0] =	vst.idx.msk $0xffff, v16  }
0x158: {  	v20 =	vadd.f32 v51, v3;
	v16 =	vsub.f32 $1.500000000e+00, v37;
	[tilespmem:v44+s17+$0x0] =	vst.idx.msk $0xffff, v52  }
0x159: {  	[tilespmem:v17+s17+$0x0] =	vst.idx.msk $0xffff, v53  }
0x15a: {  	s30 =	sadd.s32 $0x2, s23;
	v16 =	vmul.f32 v16, v24;
	v17 =	vsub.f32 $0.0e+00, v54;
	[tilespmem:v50+s17+$0x0] =	vst.idx.msk $0xffff, v20  }
0x15b: {  	v55 =	vmov s30;
	v20 =	vld [tilespmem:$0x1FF20]  }
0x15c: {  	v56 =	vand.u32 $0xFE, v55;
	v58 =	vmul.f32 v16, v40;
	v17 =	vmul.f32 v16, v17  }
0x15d: {  	v57 =	vadd.s32 v7, v23;
	v60 =	vmul.f32 v16, v39;
	v24 =	vmul.f32 v16, v41  }
0x15e: {  	v59 =	vadd.s32 v1, v56;
	v16 =	vmul.f32 v16, v42;
	v22 =	vadd.f32 v17, v58  }
0x15f: {  	v61 =	vadd.s32 v5, v56;
	v23 =	vadd.f32 v17, v60;
	v24 =	vadd.f32 v17, v24  }
0x160: {  	v16 =	vadd.f32 v17, v16;
	v17 =	vmul.f32 v22, v8;
	v19 =	vmul.f32 v19, v20  }
0x161: {  	v62 =	vadd.s32 v6, v56;
	v23 =	vmul.f32 v23, v9;
	v24 =	vmul.f32 v24, v10  }
0x162: {  	v20 =	vadd.s32 v7, v56;
	v17 =	vadd.f32 v17, v0;
	v18 =	vadd.f32 v18, v19  }
0x163: {  	v16 =	vmul.f32 v16, v11;
	v63 =	vadd.f32 v23, v2  }
0x164: {  	[tilespmem:v59+s17+$0x0] =	vst.idx.msk $0xffff, v17;
	v17 =	vadd.f32 v24, v3;
	v18 =	vmul.f32 v18, v11  }
0x165: {  	v16 =	vadd.f32 v16, v4;
	[tilespmem:v61+s17+$0x0] =	vst.idx.msk $0xffff, v63  }
0x166: {  	[tilespmem:v62+s17+$0x0] =	vst.idx.msk $0xffff, v17;
	v18 =	vadd.f32 v18, v4  }
0x167: {  	s31 =	simm.s32 $0xE400;
	[tilespmem:v20+s17+$0x0] =	vst.idx.msk $0xffff, v16  }
0x168: {  	s25 =	smov.u32 s7;
	s24 =	simm.s32 $0x460;
	s23 =	simm.s32 $0x0;
	[tilespmem:v57+s17+$0x0] =	vst.idx.msk $0xffff, v18  }
0x169: {  	[hbm4b:s7+s23] =	stream.linear.scatter [tilespmem:s31], [sflag:$0x3], $0x100, $0x38;
	[tilespmem:$0x17080] =	vst v63  }
.LBB2_4:
0x16a: {  	p0 =	sne.s32 s24, $0x113A0  }
.Ltmp3:
0x16b: {  	_ = 	snop;
	(pc) =	sbr.rel @p0 .LBB2_4-.Ltmp3, $4  }
0x16c: {  	_ = 	snop  }
0x16d: {  	s26 =	sshra.s32 s24, $0x2;
	s24 =	sadd.s32 $0x460, s24  }
0x16e: {  	s25 =	sadd.s32 $0x800, s25;
	s26 =	sadd.s32 $0xE400, s26  }
0x16f: {  	[hbm4b:s25+s23] =	stream.linear.scatter [tilespmem:s26], [sflag:$0x3], $0x100, $0x38;
	[tilespmem:$0x17080] =	vst v63  }
0x170: {  	[tilespmem:$0x1FEA0] =	vst v11  }
0x171: {  	[tilespmem:$0x1FEB0] =	vst v9  }
0x172: {  	[tilespmem:$0x1FEC0] =	vst v8  }
.Ltmp4:
0x173: {  	[tilespmem:$0x1FED0] =	vst v10;
	(pc) =	sbr.rel .LBB2_6-.Ltmp4, $4  }
0x174: {  	[tilespmem:$0x1FEE0] =	vst v4  }
0x175: {  	[tilespmem:$0x1FEF0] =	vst v3  }
0x176: {  	[tilespmem:$0x1FF00] =	vst v2  }
0x177: {  	[tilespmem:$0x1FF10] =	vst v0  }
.LBB2_16:
0x178: {  	v1 =	vld [tilespmem:$0x1FF90]  }
0x179: {  	v11 =	vld [tilespmem:$0x1FEA0]  }
0x17a: {  	v12 =	vld [tilespmem:$0x1FFA0]  }
0x17b: {  	v14 =	vld [tilespmem:$0x1FFB0]  }
0x17c: {  	v0 =	vmovc v20;
	v2 =	vmovc v21;
	v3 =	vmov v17;
	v4 =	vmov v18;
	v15 =	vld [tilespmem:$0x1FFC0];
	v13 =	vmov v61  }
.LBB2_17:
0x17d: {  	p0 =	sne.s32 s23, $0x63  }
.Ltmp5:
0x17e: {  	_ = 	snop;
	(pc) =	sbr.rel @!p0 .LBB2_18-.Ltmp5, $1  }
0x17f: {  	_ =	sdelay $0x3  }
.LBB2_6:
0x180: {  	s24 =	smov.u32 s23;
	s23 =	sadd.s32 $0x1, s23  }
0x181: {  	s25 =	sand.u32 $0x1, s23  }
0x182: {  	p1 =	seq.s32 s25, $0x0  }
.Ltmp6:
0x183: {  	_ = 	snop;
	(pc) =	sbr.rel @p1 .LBB2_12-.Ltmp6, $3  }
0x184: {  	_ =	sdelay $0x1  }
0x185: {  	p0 =	seq.s32 s24, $0x62  }
0x186: {  	s24 =	sshll.u32 @!p0 s24, $0x8  }
0x187: {  	_ =	swait.ge [sflag:s18], $0x4000;
	s25 =	sadd.s32 @!p0 $0x200, s24;
	s24 =	sand.u32 @!p0 $0x100, s24  }
0x188: {  	s26 =	simm.s32 @!p0 $0x6400;
	[sflag:s18] =	ssyncset.done $0x0;
	s25 =	sand.u32 @!p0 $0xFE00, s25  }
0x189: {  	[sflag:s18] =	ssyncadd.s32 $0xFFFFC000;
	s24 =	sor.u32 @!p0 s24, s25;
	s25 =	simm.s32 @!p0 $0x100  }
0x18a: {  	[tilespmem:s26], [sflag:$0x1] =	stream.indirect.gather @!p0 [hbm4b:s5+s25], $0x40, s24, s25, $0xb8;
	[tilespmem:$0x17080] =	vst v63  }
0x18b: {  	_ =	swait.ge [sflag:s19], $0x4000  }
0x18c: {  	[sflag:s19] =	ssyncset.done $0x0  }
0x18d: {  	s26 =	simm.s32 $0xA480;
	[sflag:s19] =	ssyncadd.s32 $0xFFFFC000  }
0x18e: {  	v24 =	vld [tilespmem:s26+$0x40]  }
0x18f: {  	v23 =	vld [tilespmem:s26+$0x50]  }
0x190: {  	v19 =	vld [tilespmem:s26+$0x60]  }
0x191: {  	v18 =	vld [tilespmem:s26+$0x70]  }
0x192: {  	v16 =	vld [tilespmem:s26+$0xFFFFFFA0]  }
0x193: {  	v21 =	vld [tilespmem:s26+$0xFFFFFFB0]  }
0x194: {  	v20 =	vld [tilespmem:s26+$0xFFFFFFC0]  }
0x195: {  	v34 =	vld [tilespmem:s26+$0x20]  }
0x196: {  	v35 =	vld [tilespmem:s26+$0x30]  }
0x197: {  	v25 =	vld [tilespmem:s26+$0xFFFFFFD0]  }
0x198: {  	v33 =	vld [tilespmem:s26+$0x10]  }
0x199: {  	v26 =	vmul.f32 v19, v19;
	v27 =	vmul.f32 v18, v18  }
0x19a: {  	v32 =	vld [tilespmem:s26+$0xFFFFFF90];
	v17 =	vadd.f32 v23, v24;
	v28 =	vmul.f32 v23, v23;
	v30 =	vmul.f32 v16, v16  }
0x19b: {  	v22 =	vld [tilespmem:s26+$0xFFFFFFE0];
	v42 =	vmul.f32 v34, v34;
	v43 =	vmul.f32 v35, v35  }
0x19c: {  	v31 =	vmul.f32 v21, v21;
	v17 =	vadd.f32 v19, v17;
	v29 =	vadd.f32 v27, v26;
	v26 =	vld [tilespmem:s26+$0xFFFFFFF0]  }
0x19d: {  	v37 =	vadd.f32 v25, v20;
	v41 =	vmul.f32 v33, v33;
	v27 =	vld [tilespmem:s26+$0x0];
	v42 =	vadd.f32 v43, v42  }
0x19e: {  	v36 =	vadd.f32 v18, v17;
	v17 =	vmul.f32 v24, v24;
	v28 =	vadd.f32 v29, v28  }
0x19f: {  	v38 =	vmul.f32 v25, v25;
	v30 =	vadd.f32 v31, v30;
	v29 =	vmul.f32 v32, v32  }
0x1a0: {  	v39 =	vmul.f32 v22, v22;
	v41 =	vadd.f32 v42, v41;
	v28 =	vadd.f32 v28, v17  }
0x1a1: {  	v31 =	vperm.xlane v36, v12;
	v17 =	vld [tilespmem:s26+$0xFFFFFF80];
	v29 =	vadd.f32 v30, v29;
	v30 =	vadd.f32 v22, v37  }
0x1a2: {  	v40 =	vmul.f32 v26, v26;
	v49 =	vadd.f32 v33, v27;
	v55 =	vmul.f32 v27, v27  }
0x1a3: {  	v31 =	vadd.f32 v31, v36;
	v62 =	vperm.xlane v28, v12;
	v30 =	vadd.f32 v26, v30  }
0x1a4: {  	v63 =	vmul.f32 v20, v20;
	v39 =	vadd.f32 v40, v39;
	v36 =	vadd.f32 v34, v49  }
0x1a5: {  	v41 =	vadd.f32 v41, v55;
	v48 =	vperm.xlane v31, v14;
	v28 =	vadd.f32 v62, v28  }
0x1a6: {  	v58 =	vperm.xlane v30, v12;
	v44 =	vadd.f32 v32, v17;
	v38 =	vadd.f32 v39, v38  }
0x1a7: {  	v52 =	vmul.f32 v17, v17;
	v36 =	vadd.f32 v35, v36;
	v31 =	vadd.f32 v48, v31  }
0x1a8: {  	v50 =	vperm.xlane v28, v14;
	v30 =	vadd.f32 v58, v30;
	v53 =	vadd.f32 v16, v44  }
0x1a9: {  	v29 =	vadd.f32 v29, v52;
	v37 =	vadd.f32 v38, v63;
	v45 =	vperm.xlane v36, v12  }
0x1aa: {  	v63 =	vperm.xlane v41, v12;
	v51 =	vperm.xlane v31, v15;
	v28 =	vadd.f32 v50, v28  }
0x1ab: {  	v50 =	vperm.xlane v30, v14;
	v56 =	vadd.f32 v21, v53;
	v60 =	vperm.xlane v29, v12  }
0x1ac: {  	v62 =	vperm.xlane v37, v12;
	v36 =	vadd.f32 v45, v36;
	v39 =	vadd.f32 v63, v41  }
0x1ad: {  	v31 =	vadd.f32 v51, v31;
	v54 =	vperm.xlane v28, v15;
	v30 =	vadd.f32 v50, v30  }
0x1ae: {  	v59 =	vperm.xlane v56, v12;
	v29 =	vadd.f32 v60, v29;
	v37 =	vadd.f32 v62, v37  }
0x1af: {  	v51 =	vperm.xlane v36, v14;
	v57 =	vperm.xlane v31, v13;
	v28 =	vadd.f32 v54, v28  }
0x1b0: {  	v53 =	vperm.xlane v39, v14;
	v55 =	vperm.xlane v30, v15;
	v38 =	vadd.f32 v59, v56  }
0x1b1: {  	v52 =	vperm.xlane v29, v14;
	v31 =	vadd.f32 v57, v31;
	v61 =	vperm.xlane v28, v13  }
0x1b2: {  	v42 =	vperm.xlane v37, v14;
	v36 =	vadd.f32 v51, v36;
	v39 =	vadd.f32 v53, v39  }
0x1b3: {  	s28 =	simm.s32 $0x3;
	v30 =	vadd.f32 v55, v30;
	v28 =	vadd.f32 v61, v28;
	v31 =	vmul.f32 $1.562500000e-02, v31  }
0x1b4: {  	v55 =	vmov s28;
	v48 =	vperm.xlane v38, v14;
	v29 =	vadd.f32 v52, v29  }
0x1b5: {  	v37 =	vadd.f32 v42, v37;
	v28 =	vmul.f32 $1.562500000e-02, v28;
	v49 =	vmul.f32 v31, v31  }
0x1b6: {  	v57 =	vperm.xlane v36, v15;
	v63 =	vperm.xlane v30, v13;
	v38 =	vadd.f32 v48, v38  }
0x1b7: {  	v59 =	vperm.xlane v29, v15;
	v60 =	vperm.xlane v37, v15;
	v28 =	vsub.f32 v28, v49  }
0x1b8: {  	v36 =	vadd.f32 v57, v36;
	v30 =	vadd.f32 v63, v30;
	v54 =	vperm.xlane v38, v15  }
0x1b9: {  	v62 =	vperm.xlane v39, v15;
	v37 =	vadd.f32 v60, v37;
	v28 =	vadd.f32 $9.999999740e-06, v28  }
0x1ba: {  	v42 =	vand.u32 $0xFF, v55;
	v29 =	vadd.f32 v59, v29;
	v38 =	vadd.f32 v54, v38  }
0x1bb: {  	v48 =	vperm.xlane v37, v13;
	v56 =	vshrl.u32 v28, $0x1;
	v28 =	vmul.f32 $5.000000000e-01, v28  }
0x1bc: {  	v30 =	vmul.f32 $1.562500000e-02, v30;
	v61 =	vperm.xlane v38, v13;
	v44 =	vsub.s32 $0x5F3759DF, v56  }
0x1bd: {  	v47 =	vperm.xlane v29, v13;
	v37 =	vadd.f32 v48, v37;
	v58 =	vmul.f32 v44, v28  }
0x1be: {  	v41 =	vsub.f32 $0.0e+00, v30;
	v30 =	vmul.f32 v30, v30;
	v38 =	vadd.f32 v61, v38  }
0x1bf: {  	v39 =	vadd.f32 v62, v39;
	v37 =	vmul.f32 $1.562500000e-02, v37;
	v40 =	vmul.f32 v44, v58  }
0x1c0: {  	v46 =	vperm.xlane v36, v13;
	v29 =	vadd.f32 v47, v29;
	v38 =	vmul.f32 $1.562500000e-02, v38  }
0x1c1: {  	v49 =	vperm.xlane v39, v13;
	v30 =	vsub.f32 v37, v30;
	v40 =	vsub.f32 $1.500000000e+00, v40  }
0x1c2: {  	v31 =	vsub.f32 $0.0e+00, v31;
	v29 =	vmul.f32 $1.562500000e-02, v29;
	v50 =	vmul.f32 v38, v38  }
0x1c3: {  	s29 =	simm.s32 $0x0;
	v36 =	vadd.f32 v46, v36;
	v30 =	vadd.f32 $9.999999740e-06, v30;
	v40 =	vmul.f32 v44, v40  }
0x1c4: {  	v62 =	vmov s29;
	v39 =	vadd.f32 v49, v39;
	v29 =	vsub.f32 v29, v50  }
0x1c5: {  	v54 =	vshrl.u32 v30, $0x1;
	v30 =	vmul.f32 $5.000000000e-01, v30;
	v28 =	vmul.f32 v40, v28  }
0x1c6: {  	s30 =	simm.s32 $0x1;
	v36 =	vmul.f32 $1.562500000e-02, v36;
	v59 =	vsub.s32 $0x5F3759DF, v54;
	v29 =	vadd.f32 $9.999999740e-06, v29  }
0x1c7: {  	v49 =	vmov s30;
	v61 =	vmul.f32 v59, v30;
	v28 =	vmul.f32 v28, v40  }
0x1c8: {  	v39 =	vmul.f32 $1.562500000e-02, v39;
	v53 =	vshrl.u32 v29, $0x1;
	v29 =	vmul.f32 $5.000000000e-01, v29  }
0x1c9: {  	v45 =	vmul.f32 v59, v61;
	v58 =	vsub.s32 $0x5F3759DF, v53;
	v28 =	vsub.f32 $1.500000000e+00, v28  }
0x1ca: {  	v47 =	vadd.s32 v6, v42;
	v51 =	vmul.f32 v36, v36;
	v60 =	vmul.f32 v58, v29  }
0x1cb: {  	v48 =	vand.u32 $0xFC, v62;
	v45 =	vsub.f32 $1.500000000e+00, v45;
	v28 =	vmul.f32 v28, v40  }
0x1cc: {  	v56 =	vadd.s32 v1, v42;
	v52 =	vsub.f32 v39, v51;
	v39 =	vmul.f32 v58, v60  }
0x1cd: {  	v45 =	vmul.f32 v59, v45;
	v40 =	vsub.f32 $0.0e+00, v36;
	v31 =	vmul.f32 v28, v31  }
0x1ce: {  	v36 =	vadd.f32 $9.999999740e-06, v52;
	v24 =	vmul.f32 v28, v24;
	v23 =	vmul.f32 v28, v23  }
0x1cf: {  	v37 =	vadd.s32 v1, v48;
	v19 =	vmul.f32 v28, v19;
	v18 =	vmul.f32 v28, v18  }
0x1d0: {  	v57 =	vmul.f32 $5.000000000e-01, v36;
	v24 =	vadd.f32 v31, v24;
	v23 =	vadd.f32 v31, v23  }
0x1d1: {  	v19 =	vadd.f32 v31, v19;
	v18 =	vadd.f32 v31, v18;
	v31 =	vshrl.u32 v36, $0x1  }
0x1d2: {  	v39 =	vsub.f32 $1.500000000e+00, v39;
	v31 =	vsub.s32 $0x5F3759DF, v31;
	v24 =	vmul.f32 v24, v8  }
0x1d3: {  	v28 =	vadd.s32 v5, v42;
	v42 =	vadd.s32 v7, v42;
	v46 =	vmul.f32 v31, v57  }
0x1d4: {  	v39 =	vmul.f32 v58, v39;
	v23 =	vmul.f32 v23, v9;
	v24 =	vadd.f32 v24, v0  }
0x1d5: {  	v36 =	vadd.s32 v5, v48;
	v19 =	vmul.f32 v19, v10;
	v46 =	vmul.f32 v31, v46  }
0x1d6: {  	v38 =	vsub.f32 $0.0e+00, v38;
	v18 =	vmul.f32 v18, v11;
	[tilespmem:v56+s20+$0x0] =	vst.idx.msk $0xffff, v24;
	v24 =	vmul.f32 v39, v29  }
0x1d7: {  	v23 =	vadd.f32 v23, v2;
	v46 =	vsub.f32 $1.500000000e+00, v46;
	v29 =	vmul.f32 v45, v30  }
0x1d8: {  	v19 =	vadd.f32 v19, v3;
	v18 =	vadd.f32 v18, v4;
	v24 =	vmul.f32 v24, v39  }
0x1d9: {  	v53 =	vand.u32 $0xFD, v49;
	[tilespmem:v28+s20+$0x0] =	vst.idx.msk $0xffff, v23;
	v46 =	vmul.f32 v31, v46;
	v52 =	vmul.f32 v29, v45  }
0x1da: {  	s31 =	simm.s32 $0x2;
	v30 =	vadd.s32 v6, v48;
	v28 =	vadd.s32 v5, v53;
	[tilespmem:v47+s20+$0x0] =	vst.idx.msk $0xffff, v19;
	v19 =	vsub.f32 $1.500000000e+00, v24  }
0x1db: {  	v31 =	vmov s31;
	v63 =	vmul.f32 v46, v57;
	v24 =	vsub.f32 $1.500000000e+00, v52  }
0x1dc: {  	v29 =	vadd.s32 v7, v48;
	v23 =	vand.u32 $0xFE, v31;
	v39 =	vmul.f32 v19, v39  }
0x1dd: {  	v31 =	vadd.s32 v1, v53;
	v43 =	vmul.f32 v63, v46;
	v54 =	vmul.f32 v24, v45  }
0x1de: {  	v24 =	vadd.s32 v6, v53;
	v38 =	vmul.f32 v39, v38;
	v55 =	vmul.f32 v39, v17  }
0x1df: {  	v19 =	vadd.s32 v7, v53;
	v32 =	vmul.f32 v39, v32;
	v56 =	vmul.f32 v39, v16  }
0x1e0: {  	[tilespmem:v42+s20+$0x0] =	vst.idx.msk $0xffff, v18;
	v18 =	vsub.f32 $1.500000000e+00, v43;
	v21 =	vmul.f32 v39, v21;
	v57 =	vmul.f32 v54, v41  }
0x1e1: {  	v17 =	vadd.s32 v5, v23;
	v20 =	vmul.f32 v54, v20;
	v25 =	vmul.f32 v54, v25  }
0x1e2: {  	v16 =	vadd.s32 v6, v23;
	v22 =	vmul.f32 v54, v22;
	v26 =	vmul.f32 v54, v26  }
0x1e3: {  	v43 =	vmul.f32 v18, v46;
	v44 =	vadd.f32 v38, v55;
	v58 =	vadd.f32 v38, v32  }
0x1e4: {  	v18 =	vadd.s32 v1, v23;
	v45 =	vadd.f32 v38, v56;
	v21 =	vadd.f32 v38, v21  }
0x1e5: {  	v20 =	vadd.f32 v57, v20;
	v59 =	vmul.f32 v43, v40;
	v27 =	vmul.f32 v43, v27  }
0x1e6: {  	s25 =	simm.s32 $0xA580;
	v25 =	vadd.f32 v57, v25;
	v60 =	vmul.f32 v43, v33;
	v61 =	vmul.f32 v43, v34  }
0x1e7: {  	v22 =	vadd.f32 v57, v22;
	v32 =	vld [tilespmem:s25+$0x60];
	v43 =	vmul.f32 v43, v35;
	v44 =	vmul.f32 v44, v8  }
0x1e8: {  	v26 =	vadd.f32 v57, v26;
	v33 =	vld [tilespmem:s25+$0x40];
	v62 =	vmul.f32 v58, v9;
	v63 =	vmul.f32 v45, v10  }
0x1e9: {  	v34 =	vld [tilespmem:s25+$0x50];
	v55 =	vmul.f32 v21, v11;
	v54 =	vmul.f32 v20, v8;
	v27 =	vadd.f32 v59, v27  }
0x1ea: {  	v35 =	vld [tilespmem:s25+$0x70];
	v53 =	vmul.f32 v25, v9;
	v40 =	vadd.f32 v59, v60;
	v48 =	vadd.f32 v59, v61  }
0x1eb: {  	v21 =	vld [tilespmem:s25+$0xFFFFFF90];
	v52 =	vmul.f32 v22, v10;
	v50 =	vadd.f32 v59, v43;
	v49 =	vadd.f32 v44, v0  }
0x1ec: {  	v4 =	vmovc v13;
	v20 =	vld [tilespmem:s25+$0xFFFFFFA0];
	v25 =	vmul.f32 v26, v11;
	v47 =	vadd.f32 v62, v2;
	v46 =	vadd.f32 v63, v3  }
0x1ed: {  	s24 =	simm.s32 $0x4;
	s26 =	simm.s32 $0x8;
	v22 =	vld [tilespmem:s25+$0xFFFFFFB0];
	v0 =	vmovc v12;
	v2 =	vmovc v14;
	v3 =	vmov v15;
	v27 =	vmul.f32 v27, v8;
	v26 =	vmul.f32 v40, v9  }
.LBB2_8:
0x1ee: {  	v38 =	vld [tilespmem:s25+$0xFFFFFFC0]  }
0x1ef: {  	v10 =	vld [tilespmem:$0x1FEE0]  }
0x1f0: {  	v15 =	vld [tilespmem:$0x1FF10]  }
0x1f1: {  	v14 =	vld [tilespmem:$0x1FF00]  }
0x1f2: {  	v13 =	vld [tilespmem:$0x1FEF0]  }
0x1f3: {  	v12 =	vld [tilespmem:$0x1FED0]  }
0x1f4: {  	v39 =	vld [tilespmem:s25+$0xFFFFFFD0];
	v43 =	vmul.f32 v32, v32;
	v44 =	vmul.f32 v35, v35  }
0x1f5: {  	v40 =	vld [tilespmem:s25+$0xFFFFFFE0];
	v42 =	vadd.f32 v34, v33;
	v56 =	vmul.f32 v21, v21;
	v8 =	vmul.f32 v34, v34  }
0x1f6: {  	v41 =	vld [tilespmem:s25+$0xFFFFFFF0];
	v57 =	vmul.f32 v20, v20;
	v55 =	vadd.f32 v55, v10;
	v54 =	vadd.f32 v54, v15  }
0x1f7: {  	v58 =	vmul.f32 v22, v22;
	v53 =	vadd.f32 v53, v14;
	v52 =	vadd.f32 v52, v13  }
0x1f8: {  	v60 =	vmul.f32 v33, v33;
	v45 =	vadd.f32 v32, v42;
	v44 =	vadd.f32 v44, v43;
	v42 =	vld [tilespmem:s25+$0x0]  }
0x1f9: {  	v51 =	vmul.f32 v48, v12;
	v9 =	vadd.f32 v39, v38;
	v43 =	vld [tilespmem:s25+$0x10];
	v57 =	vadd.f32 v58, v57  }
0x1fa: {  	v62 =	vmul.f32 v40, v40;
	v59 =	vadd.f32 v35, v45;
	v48 =	vadd.f32 v44, v8  }
0x1fb: {  	v45 =	vld [tilespmem:s25+$0x20];
	v56 =	vadd.f32 v57, v56;
	v57 =	vadd.f32 v40, v9;
	v8 =	vmul.f32 v41, v41  }
0x1fc: {  	v61 =	vmul.f32 v39, v39;
	v1 =	vmul.f32 v38, v38;
	v44 =	vld [tilespmem:s25+$0x30];
	v60 =	vadd.f32 v48, v60  }
0x1fd: {  	v63 =	vperm.xlane v59, v0;
	v48 =	vld [tilespmem:s25+$0xFFFFFF80];
	v58 =	vadd.f32 v8, v62;
	v57 =	vadd.f32 v41, v57  }
0x1fe: {  	[tilespmem:v37+s20+$0x0] =	vst.idx.msk $0xffff, v49;
	v9 =	vadd.f32 v43, v42;
	v5 =	vmul.f32 v43, v43  }
0x1ff: {  	[tilespmem:v36+s20+$0x0] =	vst.idx.msk $0xffff, v47;
	v59 =	vadd.f32 v63, v59;
	v63 =	vperm.xlane v60, v0  }
0x200: {  	v58 =	vadd.f32 v58, v61;
	v6 =	vmul.f32 v45, v45;
	v62 =	vadd.f32 v45, v9  }
0x201: {  	v7 =	vperm.xlane v59, v2;
	v60 =	vadd.f32 v63, v60;
	v63 =	vmul.f32 v44, v44  }
0x202: {  	v1 =	vadd.f32 v58, v1;
	v8 =	vadd.f32 v21, v48;
	v9 =	vmul.f32 v48, v48  }
0x203: {  	v7 =	vadd.f32 v7, v59;
	v59 =	vperm.xlane v60, v2;
	v6 =	vadd.f32 v63, v6  }
0x204: {  	v8 =	vadd.f32 v20, v8;
	v9 =	vadd.f32 v56, v9;
	v56 =	vperm.xlane v57, v0  }
0x205: {  	v61 =	vperm.xlane v7, v3;
	v59 =	vadd.f32 v59, v60;
	v60 =	vadd.f32 v44, v62  }
0x206: {  	v62 =	vmul.f32 v42, v42;
	v5 =	vadd.f32 v6, v5;
	v6 =	vadd.f32 v22, v8  }
0x207: {  	v56 =	vadd.f32 v56, v57;
	v7 =	vadd.f32 v61, v7;
	v8 =	vperm.xlane v59, v3  }
0x208: {  	v57 =	vperm.xlane v1, v0;
	v63 =	vperm.xlane v60, v0;
	v5 =	vadd.f32 v5, v62  }
0x209: {  	v58 =	vperm.xlane v6, v0;
	v61 =	vperm.xlane v7, v4;
	v8 =	vadd.f32 v8, v59  }
0x20a: {  	v62 =	vperm.xlane v56, v2;
	v1 =	vadd.f32 v57, v1;
	v59 =	vperm.xlane v9, v0  }
0x20b: {  	v6 =	vadd.f32 v58, v6;
	v7 =	vadd.f32 v61, v7;
	v58 =	vperm.xlane v8, v4  }
0x20c: {  	v60 =	vadd.f32 v63, v60;
	v47 =	vadd.f32 v62, v56;
	v62 =	vperm.xlane v1, v2  }
0x20d: {  	v61 =	vperm.xlane v5, v0;
	v8 =	vadd.f32 v58, v8;
	v7 =	vmul.f32 $1.562500000e-02, v7  }
0x20e: {  	v9 =	vadd.f32 v59, v9;
	v59 =	vperm.xlane v60, v2;
	v37 =	vperm.xlane v6, v2  }
0x20f: {  	[tilespmem:v31+s20+$0x0] =	vst.idx.msk $0xffff, v54;
	v1 =	vadd.f32 v62, v1;
	v8 =	vmul.f32 $1.562500000e-02, v8;
	v63 =	vmul.f32 v7, v7  }
0x210: {  	v5 =	vadd.f32 v61, v5;
	v61 =	vperm.xlane v9, v2;
	v36 =	vadd.f32 v59, v60  }
0x211: {  	[tilespmem:v30+s20+$0x0] =	vst.idx.msk $0xffff, v46;
	v6 =	vadd.f32 v37, v6;
	v8 =	vsub.f32 v8, v63  }
0x212: {  	v30 =	vperm.xlane v47, v3;
	v31 =	vperm.xlane v1, v3;
	v9 =	vadd.f32 v61, v9  }
0x213: {  	[tilespmem:v29+s20+$0x0] =	vst.idx.msk $0xffff, v55;
	v61 =	vperm.xlane v36, v3;
	v60 =	vperm.xlane v6, v3;
	v8 =	vadd.f32 $9.999999740e-06, v8  }
0x214: {  	v30 =	vadd.f32 v30, v47;
	v63 =	vperm.xlane v5, v2;
	v29 =	vperm.xlane v9, v3  }
0x215: {  	v36 =	vadd.f32 v61, v36;
	v62 =	vshrl.u32 v8, $0x1;
	v8 =	vmul.f32 $5.000000000e-01, v8  }
0x216: {  	[tilespmem:v28+s20+$0x0] =	vst.idx.msk $0xffff, v53;
	v6 =	vadd.f32 v60, v6;
	v5 =	vadd.f32 v63, v5;
	v46 =	vsub.s32 $0x5F3759DF, v62  }
0x217: {  	v9 =	vadd.f32 v29, v9;
	v29 =	vperm.xlane v30, v4;
	v63 =	vmul.f32 v46, v8  }
0x218: {  	v1 =	vadd.f32 v31, v1;
	v31 =	vperm.xlane v36, v4;
	v54 =	vperm.xlane v6, v4  }
0x219: {  	v55 =	vperm.xlane v5, v3;
	v28 =	vadd.f32 v29, v30;
	v47 =	vmul.f32 v46, v63  }
0x21a: {  	v29 =	vperm.xlane v1, v4;
	v30 =	vadd.f32 v31, v36;
	v6 =	vadd.f32 v54, v6  }
0x21b: {  	v56 =	vperm.xlane v9, v4;
	v5 =	vadd.f32 v55, v5;
	v47 =	vsub.f32 $1.500000000e+00, v47  }
0x21c: {  	[tilespmem:v24+s20+$0x0] =	vst.idx.msk $0xffff, v52;
	v1 =	vadd.f32 v29, v1;
	v28 =	vmul.f32 $1.562500000e-02, v28;
	v24 =	vmul.f32 $1.562500000e-02, v30  }
0x21d: {  	v52 =	vld [tilespmem:$0x1FFE0];
	v6 =	vmul.f32 $1.562500000e-02, v6;
	v57 =	vmul.f32 v46, v47  }
0x21e: {  	v9 =	vadd.f32 v56, v9;
	v31 =	vperm.xlane v5, v4;
	v1 =	vmul.f32 $1.562500000e-02, v1  }
0x21f: {  	v7 =	vsub.f32 $0.0e+00, v7;
	v61 =	vld [tilespmem:$0x1FFD0];
	v59 =	vmul.f32 v28, v28;
	v8 =	vmul.f32 v57, v8  }
0x220: {  	v54 =	vld [tilespmem:$0x1FF90];
	v9 =	vmul.f32 $1.562500000e-02, v9;
	v29 =	vmul.f32 v6, v6;
	v49 =	vsub.f32 $0.0e+00, v6  }
0x221: {  	s28 =	sadd.s32 $0x3, s24;
	v63 =	vld [tilespmem:$0x1FFF0];
	v5 =	vadd.f32 v31, v5;
	v1 =	vsub.f32 v1, v59;
	v6 =	vmul.f32 v8, v57  }
0x222: {  	v58 =	vsub.f32 v9, v29;
	v9 =	vadd.s32 v52, v23;
	v29 =	vmov s28  }
0x223: {  	v47 =	vsub.f32 $0.0e+00, v28;
	v5 =	vmul.f32 $1.562500000e-02, v5;
	v6 =	vsub.f32 $1.500000000e+00, v6  }
0x224: {  	v28 =	vmul.f32 v24, v24;
	v46 =	vsub.f32 $0.0e+00, v24;
	v29 =	vand.u32 $0xFF, v29  }
0x225: {  	v1 =	vadd.f32 $9.999999740e-06, v1;
	v60 =	vadd.s32 v54, v29;
	v6 =	vmul.f32 v6, v57  }
0x226: {  	v62 =	vadd.s32 v61, v29;
	v37 =	vadd.s32 v63, v29;
	v29 =	vadd.s32 v52, v29;
	v57 =	vld [tilespmem:$0x1FEC0]  }
0x227: {  	v56 =	vld [tilespmem:$0x1FEB0];
	v5 =	vsub.f32 v5, v28;
	v7 =	vmul.f32 v6, v7;
	v24 =	vmul.f32 v6, v33  }
0x228: {  	v11 =	vld [tilespmem:$0x1FEA0];
	v28 =	vshrl.u32 v1, $0x1;
	v8 =	vadd.f32 $9.999999740e-06, v58;
	v30 =	vmul.f32 v6, v34  }
0x229: {  	v31 =	vmul.f32 v6, v32;
	v6 =	vmul.f32 v6, v35;
	v24 =	vadd.f32 v7, v24  }
0x22a: {  	v1 =	vmul.f32 $5.000000000e-01, v1;
	v5 =	vadd.f32 $9.999999740e-06, v5;
	v30 =	vadd.f32 v7, v30  }
0x22b: {  	v31 =	vadd.f32 v7, v31;
	v6 =	vadd.f32 v7, v6;
	v24 =	vmul.f32 v24, v57  }
0x22c: {  	v23 =	vshrl.u32 v8, $0x1;
	v8 =	vmul.f32 $5.000000000e-01, v8;
	v30 =	vmul.f32 v30, v56  }
0x22d: {  	v6 =	vmul.f32 v6, v11;
	v7 =	vadd.f32 v24, v15;
	v24 =	vmul.f32 v31, v12  }
0x22e: {  	v23 =	vsub.s32 $0x5F3759DF, v23;
	v30 =	vadd.f32 v30, v14;
	v31 =	vshrl.u32 v5, $0x1  }
0x22f: {  	v5 =	vmul.f32 $5.000000000e-01, v5;
	v6 =	vadd.f32 v6, v10;
	[tilespmem:v60+s20+$0x0] =	vst.idx.msk $0xffff, v7;
	v7 =	vadd.f32 v24, v13  }
0x230: {  	v31 =	vsub.s32 $0x5F3759DF, v31;
	v24 =	vsub.s32 $0x5F3759DF, v28;
	v28 =	vmul.f32 v23, v8;
	[tilespmem:v62+s20+$0x0] =	vst.idx.msk $0xffff, v30  }
0x231: {  	v30 =	vmul.f32 v24, v1;
	[tilespmem:v37+s20+$0x0] =	vst.idx.msk $0xffff, v7;
	v7 =	vmul.f32 v31, v5  }
0x232: {  	[tilespmem:v29+s20+$0x0] =	vst.idx.msk $0xffff, v6;
	v6 =	vadd.f32 v25, v10;
	v25 =	vmul.f32 v23, v28  }
0x233: {  	v27 =	vadd.f32 v27, v15;
	v28 =	vmul.f32 v24, v30;
	v7 =	vmul.f32 v31, v7  }
0x234: {  	v26 =	vadd.f32 v26, v14;
	v25 =	vsub.f32 $1.500000000e+00, v25  }
0x235: {  	v50 =	vmul.f32 v50, v11;
	v28 =	vsub.f32 $1.500000000e+00, v28;
	[tilespmem:v19+s20+$0x0] =	vst.idx.msk $0xffff, v6;
	v6 =	vsub.f32 $1.500000000e+00, v7  }
0x236: {  	[tilespmem:v18+s20+$0x0] =	vst.idx.msk $0xffff, v27;
	v29 =	vadd.f32 v51, v13;
	v18 =	vmul.f32 v23, v25  }
0x237: {  	s31 =	sadd.s32 $0x2, s24;
	[tilespmem:v17+s20+$0x0] =	vst.idx.msk $0xffff, v26;
	v19 =	vmov s24;
	v24 =	vmul.f32 v24, v28;
	v6 =	vmul.f32 v31, v6  }
0x238: {  	[tilespmem:v16+s20+$0x0] =	vst.idx.msk $0xffff, v29;
	v16 =	vmov s31;
	v7 =	vadd.f32 v50, v10;
	v8 =	vmul.f32 v18, v8  }
0x239: {  	s30 =	sadd.s32 $0x1, s24;
	v17 =	vand.u32 $0xFC, v19;
	v1 =	vmul.f32 v24, v1;
	v5 =	vmul.f32 v6, v5  }
0x23a: {  	v19 =	vmov s30;
	v37 =	vadd.s32 v54, v17;
	[tilespmem:v9+s20+$0x0] =	vst.idx.msk $0xffff, v7;
	v7 =	vmul.f32 v8, v18  }
0x23b: {  	v36 =	vadd.s32 v61, v17;
	v1 =	vmul.f32 v1, v24;
	v5 =	vmul.f32 v5, v6  }
0x23c: {  	v30 =	vadd.s32 v63, v17;
	v29 =	vadd.s32 v52, v17;
	v7 =	vsub.f32 $1.500000000e+00, v7  }
0x23d: {  	v55 =	vand.u32 $0xFD, v19;
	v1 =	vsub.f32 $1.500000000e+00, v1;
	v5 =	vsub.f32 $1.500000000e+00, v5  }
0x23e: {  	v23 =	vand.u32 $0xFE, v16;
	v31 =	vadd.s32 v54, v55;
	v7 =	vmul.f32 v7, v18  }
0x23f: {  	v28 =	vadd.s32 v61, v55;
	v1 =	vmul.f32 v1, v24;
	v5 =	vmul.f32 v5, v6  }
0x240: {  	v19 =	vadd.s32 v52, v55;
	v6 =	vmul.f32 v7, v49;
	v58 =	vmul.f32 v7, v48  }
0x241: {  	v17 =	vadd.s32 v61, v23;
	v59 =	vmul.f32 v7, v21;
	v20 =	vmul.f32 v7, v20  }
0x242: {  	v16 =	vadd.s32 v63, v23;
	v7 =	vmul.f32 v7, v22;
	v21 =	vmul.f32 v1, v47  }
0x243: {  	v24 =	vadd.s32 v63, v55;
	v22 =	vmul.f32 v1, v38;
	v25 =	vmul.f32 v1, v39  }
0x244: {  	v18 =	vadd.s32 v54, v23;
	v26 =	vmul.f32 v1, v40;
	v1 =	vmul.f32 v1, v41  }
0x245: {  	v27 =	vmul.f32 v5, v42;
	v60 =	vmul.f32 v5, v43;
	v8 =	vadd.f32 v6, v58  }
0x246: {  	v61 =	vmul.f32 v5, v45;
	v9 =	vadd.f32 v6, v59;
	v20 =	vadd.f32 v6, v20  }
0x247: {  	s25 =	sadd.s32 $0x100, s25;
	v6 =	vadd.f32 v6, v7;
	v7 =	vmul.f32 v5, v46;
	v22 =	vadd.f32 v21, v22  }
0x248: {  	v33 =	vld [tilespmem:s25+$0x40];
	v25 =	vadd.f32 v21, v25;
	v26 =	vadd.f32 v21, v26;
	v5 =	vmul.f32 v5, v44  }
0x249: {  	p0 =	slt.u32 s26, $0xFC;
	v34 =	vld [tilespmem:s25+$0x50];
	v1 =	vadd.f32 v21, v1;
	v8 =	vmul.f32 v8, v57;
	v27 =	vadd.f32 v7, v27  }
.Ltmp7:
0x24a: {  	v32 =	vld [tilespmem:s25+$0x60];
	v9 =	vmul.f32 v9, v56;
	v62 =	vadd.f32 v7, v60;
	v63 =	vmul.f32 v20, v12;
	(pc) =	sbr.rel @p0 .LBB2_8-.Ltmp7, $4  }
0x24b: {  	v35 =	vld [tilespmem:s25+$0x70];
	v48 =	vadd.f32 v7, v61;
	v55 =	vmul.f32 v6, v11;
	v54 =	vmul.f32 v22, v57  }
0x24c: {  	v21 =	vld [tilespmem:s25+$0xFFFFFF90];
	v50 =	vadd.f32 v7, v5;
	v53 =	vmul.f32 v25, v56;
	v52 =	vmul.f32 v26, v12  }
0x24d: {  	v20 =	vld [tilespmem:s25+$0xFFFFFFA0];
	v25 =	vmul.f32 v1, v11;
	v49 =	vadd.f32 v8, v15;
	v47 =	vadd.f32 v9, v14  }
0x24e: {  	s24 =	smov.u32 s26;
	s26 =	sadd.s32 $0x4, s26;
	v22 =	vld [tilespmem:s25+$0xFFFFFFB0];
	v46 =	vadd.f32 v63, v13;
	v27 =	vmul.f32 v27, v57;
	v26 =	vmul.f32 v62, v56  }
0x24f: {  	v44 =	vld [tilespmem:s25+$0xFFFFFFC0]  }
0x250: {  	v43 =	vld [tilespmem:s25+$0xFFFFFFD0]  }
0x251: {  	v41 =	vld [tilespmem:s25+$0x20]  }
0x252: {  	v1 =	vadd.f32 v34, v33;
	v5 =	vmul.f32 v32, v32;
	v51 =	vld [tilespmem:s25+$0xFFFFFF80];
	v6 =	vmul.f32 v35, v35  }
0x253: {  	v7 =	vmul.f32 v34, v34;
	v42 =	vld [tilespmem:s25+$0x30]  }
0x254: {  	v45 =	vld [tilespmem:s25+$0xFFFFFFE0];
	v9 =	vmul.f32 v33, v33;
	v1 =	vadd.f32 v32, v1;
	v5 =	vadd.f32 v6, v5  }
0x255: {  	v38 =	vld [tilespmem:s25+$0xFFFFFFF0];
	v6 =	vmul.f32 v20, v20;
	v8 =	vmul.f32 v22, v22  }
0x256: {  	v39 =	vld [tilespmem:s25+$0x10];
	v1 =	vadd.f32 v35, v1;
	v5 =	vadd.f32 v5, v7;
	v7 =	vmul.f32 v21, v21  }
0x257: {  	v56 =	vmul.f32 v43, v43;
	v12 =	vmul.f32 v41, v41;
	v61 =	vadd.f32 v21, v51  }
0x258: {  	v40 =	vld [tilespmem:s25+$0x0];
	v62 =	vmul.f32 v42, v42;
	v6 =	vadd.f32 v8, v6;
	v8 =	vadd.f32 v43, v44  }
0x259: {  	v57 =	vperm.xlane v1, v0;
	v5 =	vadd.f32 v5, v9;
	v9 =	vmul.f32 v45, v45  }
0x25a: {  	v14 =	vadd.f32 v20, v61;
	v6 =	vadd.f32 v6, v7;
	v7 =	vmul.f32 v38, v38  }
0x25b: {  	v59 =	vmul.f32 v39, v39;
	v8 =	vadd.f32 v45, v8;
	v1 =	vadd.f32 v57, v1  }
0x25c: {  	v63 =	vmul.f32 v51, v51;
	v57 =	vadd.f32 v62, v12;
	v7 =	vadd.f32 v7, v9  }
0x25d: {  	v15 =	vperm.xlane v5, v0;
	v9 =	vadd.f32 v39, v40;
	v8 =	vadd.f32 v38, v8  }
0x25e: {  	v60 =	vperm.xlane v1, v2;
	v57 =	vadd.f32 v57, v59;
	v6 =	vadd.f32 v6, v63  }
0x25f: {  	v58 =	vmul.f32 v44, v44;
	v5 =	vadd.f32 v15, v5;
	v9 =	vadd.f32 v41, v9  }
0x260: {  	v1 =	vadd.f32 v60, v1;
	v7 =	vadd.f32 v7, v56;
	v60 =	vmul.f32 v40, v40  }
0x261: {  	v56 =	vadd.f32 v22, v14;
	v59 =	vperm.xlane v8, v0;
	v13 =	vperm.xlane v5, v2  }
0x262: {  	v15 =	vperm.xlane v1, v3;
	v9 =	vadd.f32 v42, v9;
	v7 =	vadd.f32 v7, v58  }
0x263: {  	v58 =	vperm.xlane v6, v0;
	v57 =	vadd.f32 v57, v60;
	v5 =	vadd.f32 v13, v5  }
0x264: {  	v13 =	vperm.xlane v56, v0;
	v1 =	vadd.f32 v15, v1;
	v15 =	vperm.xlane v9, v0  }
0x265: {  	v8 =	vadd.f32 v59, v8;
	v62 =	vperm.xlane v57, v0;
	v12 =	vperm.xlane v5, v3  }
0x266: {  	v6 =	vadd.f32 v58, v6;
	v56 =	vadd.f32 v13, v56;
	v14 =	vperm.xlane v1, v4  }
0x267: {  	v13 =	vperm.xlane v7, v0;
	v9 =	vadd.f32 v15, v9;
	v5 =	vadd.f32 v12, v5  }
0x268: {  	v0 =	vld [tilespmem:$0x1FF10];
	v15 =	vperm.xlane v8, v2;
	v1 =	vadd.f32 v14, v1;
	v14 =	vperm.xlane v56, v2  }
0x269: {  	v57 =	vadd.f32 v62, v57;
	v7 =	vadd.f32 v13, v7;
	v12 =	vperm.xlane v5, v4  }
0x26a: {  	v13 =	vperm.xlane v9, v2;
	v8 =	vadd.f32 v15, v8;
	v56 =	vadd.f32 v14, v56  }
0x26b: {  	v15 =	vperm.xlane v7, v2;
	v1 =	vmul.f32 $1.562500000e-02, v1;
	v5 =	vadd.f32 v12, v5  }
0x26c: {  	v14 =	vperm.xlane v6, v2;
	v9 =	vadd.f32 v13, v9;
	v13 =	vperm.xlane v56, v3  }
0x26d: {  	v27 =	vadd.f32 v27, v0;
	v12 =	vmul.f32 v1, v1;
	v5 =	vmul.f32 $1.562500000e-02, v5  }
0x26e: {  	v6 =	vadd.f32 v14, v6;
	v14 =	vperm.xlane v8, v3;
	v56 =	vadd.f32 v13, v56  }
0x26f: {  	v7 =	vadd.f32 v15, v7;
	v5 =	vsub.f32 v5, v12;
	v12 =	vperm.xlane v57, v2  }
0x270: {  	v58 =	vperm.xlane v9, v3;
	v8 =	vadd.f32 v14, v8;
	v63 =	vperm.xlane v56, v4  }
0x271: {  	v5 =	vadd.f32 $9.999999740e-06, v5;
	v57 =	vadd.f32 v12, v57;
	v12 =	vperm.xlane v6, v3  }
0x272: {  	v14 =	vperm.xlane v7, v3;
	v9 =	vadd.f32 v58, v9;
	v56 =	vadd.f32 v63, v56  }
0x273: {  	v15 =	vshrl.u32 v5, $0x1;
	v5 =	vmul.f32 $5.000000000e-01, v5;
	v6 =	vadd.f32 v12, v6  }
0x274: {  	v12 =	vperm.xlane v8, v4;
	v59 =	vsub.s32 $0x5F3759DF, v15;
	v15 =	vperm.xlane v57, v3  }
0x275: {  	v7 =	vadd.f32 v14, v7;
	v13 =	vmul.f32 v59, v5;
	v14 =	vperm.xlane v6, v4  }
0x276: {  	v56 =	vmul.f32 $1.562500000e-02, v56;
	v8 =	vadd.f32 v12, v8;
	v57 =	vadd.f32 v15, v57  }
0x277: {  	v12 =	vld [tilespmem:$0x1FEF0];
	v60 =	vmul.f32 v59, v13;
	v13 =	vperm.xlane v9, v4;
	v6 =	vadd.f32 v14, v6  }
0x278: {  	v1 =	vsub.f32 $0.0e+00, v1;
	v15 =	vperm.xlane v7, v4;
	v63 =	vperm.xlane v57, v4  }
0x279: {  	v14 =	vld [tilespmem:$0x1FEE0];
	v9 =	vadd.f32 v13, v9;
	v6 =	vmul.f32 $1.562500000e-02, v6;
	v13 =	vmul.f32 v56, v56  }
0x27a: {  	v7 =	vadd.f32 v15, v7;
	v60 =	vsub.f32 $1.500000000e+00, v60  }
0x27b: {  	v8 =	vmul.f32 $1.562500000e-02, v8;
	v57 =	vadd.f32 v63, v57;
	v6 =	vsub.f32 v6, v13;
	v13 =	vld [tilespmem:$0x1FF00]  }
0x27c: {  	v7 =	vmul.f32 $1.562500000e-02, v7;
	v52 =	vadd.f32 v52, v12;
	v58 =	vmul.f32 v59, v60  }
0x27d: {  	v60 =	vadd.f32 v54, v0;
	v54 =	vmul.f32 $1.562500000e-02, v9;
	v9 =	vmul.f32 v8, v8;
	[tilespmem:v37+s20+$0x0] =	vst.idx.msk $0xffff, v49  }
0x27e: {  	v8 =	vsub.f32 $0.0e+00, v8;
	v55 =	vadd.f32 v55, v14;
	[tilespmem:v36+s20+$0x0] =	vst.idx.msk $0xffff, v47;
	v5 =	vmul.f32 v58, v5  }
0x27f: {  	v7 =	vsub.f32 v7, v9;
	v9 =	vmul.f32 v54, v54;
	v6 =	vadd.f32 $9.999999740e-06, v6;
	[tilespmem:v30+s20+$0x0] =	vst.idx.msk $0xffff, v46  }
0x280: {  	v57 =	vmul.f32 $1.562500000e-02, v57;
	[tilespmem:v31+s20+$0x0] =	vst.idx.msk $0xffff, v60;
	v5 =	vmul.f32 v5, v58;
	v53 =	vadd.f32 v53, v13  }
0x281: {  	v25 =	vadd.f32 v25, v14;
	[tilespmem:v29+s20+$0x0] =	vst.idx.msk $0xffff, v55;
	v15 =	vshrl.u32 v6, $0x1;
	v6 =	vmul.f32 $5.000000000e-01, v6  }
0x282: {  	s26 =	sadd.s32 $0x3, s24;
	v9 =	vsub.f32 v57, v9;
	v11 =	vld [tilespmem:$0x1FF90];
	v37 =	vsub.s32 $0x5F3759DF, v15;
	v5 =	vsub.f32 $1.500000000e+00, v5;
	[tilespmem:v28+s20+$0x0] =	vst.idx.msk $0xffff, v53  }
0x283: {  	v7 =	vadd.f32 $9.999999740e-06, v7;
	v15 =	vmov s26;
	v62 =	vmul.f32 v37, v6;
	v46 =	vld [tilespmem:$0x1FEC0]  }
0x284: {  	v26 =	vadd.f32 v26, v13;
	v9 =	vadd.f32 $9.999999740e-06, v9;
	v5 =	vmul.f32 v5, v58;
	v2 =	vld [tilespmem:$0x1FFD0]  }
0x285: {  	v61 =	vmovc v4;
	v63 =	vshrl.u32 v7, $0x1;
	v7 =	vmul.f32 $5.000000000e-01, v7;
	v36 =	vmul.f32 v37, v62;
	v4 =	vld [tilespmem:$0x1FEB0]  }
0x286: {  	v55 =	vand.u32 $0xFF, v15;
	v15 =	vld [tilespmem:$0x1FFF0];
	[tilespmem:v24+s20+$0x0] =	vst.idx.msk $0xffff, v52;
	v1 =	vmul.f32 v5, v1;
	v59 =	vmul.f32 v5, v33  }
0x287: {  	v58 =	vadd.s32 v11, v55;
	v3 =	vld [tilespmem:$0x1FFE0];
	v47 =	vmul.f32 v5, v34;
	v60 =	vsub.f32 $1.500000000e+00, v36  }
0x288: {  	v10 =	vld [tilespmem:$0x1FEA0];
	v57 =	vmul.f32 v5, v32;
	v5 =	vmul.f32 v5, v35;
	v49 =	vadd.f32 v1, v59  }
0x289: {  	v59 =	vsub.s32 $0x5F3759DF, v63;
	v34 =	vadd.f32 v1, v47;
	v30 =	vmul.f32 v37, v60  }
0x28a: {  	v31 =	vadd.f32 v1, v57;
	v1 =	vadd.f32 v1, v5;
	v37 =	vld [tilespmem:$0x1FED0];
	v62 =	vmul.f32 v59, v7  }
0x28b: {  	v63 =	vadd.s32 v2, v55;
	v47 =	vadd.s32 v15, v55;
	v29 =	vmul.f32 v49, v46  }
0x28c: {  	v34 =	vmul.f32 v34, v4;
	v6 =	vmul.f32 v30, v6;
	v52 =	vadd.s32 v3, v55  }
0x28d: {  	v1 =	vmul.f32 v1, v10;
	v55 =	vshrl.u32 v9, $0x1;
	v9 =	vmul.f32 $5.000000000e-01, v9  }
0x28e: {  	v23 =	vadd.s32 v3, v23;
	v5 =	vmul.f32 v59, v62;
	v29 =	vadd.f32 v29, v0  }
0x28f: {  	v53 =	vadd.f32 v34, v13;
	v6 =	vmul.f32 v6, v30;
	v49 =	vmul.f32 v31, v37  }
0x290: {  	[tilespmem:v19+s20+$0x0] =	vst.idx.msk $0xffff, v25;
	v28 =	vsub.s32 $0x5F3759DF, v55;
	v1 =	vadd.f32 v1, v14;
	v5 =	vsub.f32 $1.500000000e+00, v5  }
0x291: {  	v57 =	vmul.f32 v48, v37;
	[tilespmem:v58+s20+$0x0] =	vst.idx.msk $0xffff, v29;
	v6 =	vsub.f32 $1.500000000e+00, v6;
	v24 =	vadd.f32 v49, v12  }
0x292: {  	v5 =	vmul.f32 v59, v5;
	[tilespmem:v63+s20+$0x0] =	vst.idx.msk $0xffff, v53;
	v59 =	vmul.f32 v28, v9;
	v63 =	vmov s24  }
0x293: {  	v58 =	vmul.f32 v50, v10;
	v6 =	vmul.f32 v6, v30;
	v25 =	vand.u32 $0xFC, v63;
	[tilespmem:v47+s20+$0x0] =	vst.idx.msk $0xffff, v24  }
0x294: {  	s28 =	sadd.s32 $0x1, s24;
	v30 =	vmul.f32 v28, v59;
	v7 =	vmul.f32 v5, v7;
	v24 =	vadd.f32 v57, v12  }
0x295: {  	[tilespmem:v18+s20+$0x0] =	vst.idx.msk $0xffff, v27;
	v34 =	vadd.s32 v11, v25;
	v47 =	vmov s28;
	v49 =	vadd.s32 v15, v25  }
0x296: {  	[tilespmem:v52+s20+$0x0] =	vst.idx.msk $0xffff, v1;
	v1 =	vsub.f32 $0.0e+00, v56;
	v60 =	vmul.f32 v6, v51;
	v35 =	vmul.f32 v6, v21  }
0x297: {  	v50 =	vadd.s32 v3, v25;
	v48 =	vmul.f32 v6, v20;
	v7 =	vmul.f32 v7, v5  }
0x298: {  	[tilespmem:v17+s20+$0x0] =	vst.idx.msk $0xffff, v26;
	v18 =	vand.u32 $0xFD, v47;
	v62 =	vsub.f32 $1.500000000e+00, v30;
	v1 =	vmul.f32 v6, v1  }
0x299: {  	v30 =	vadd.f32 v58, v14;
	[tilespmem:v16+s20+$0x0] =	vst.idx.msk $0xffff, v24;
	v52 =	vadd.s32 v11, v18;
	v7 =	vsub.f32 $1.500000000e+00, v7  }
0x29a: {  	v6 =	vmul.f32 v6, v22;
	v33 =	vmul.f32 v28, v62;
	v32 =	vadd.f32 v1, v60  }
0x29b: {  	v16 =	vadd.f32 v1, v35;
	v20 =	vadd.f32 v1, v48;
	v5 =	vmul.f32 v7, v5  }
0x29c: {  	v7 =	vadd.s32 v2, v25;
	v9 =	vmul.f32 v33, v9;
	v36 =	vmul.f32 v32, v46  }
0x29d: {  	v1 =	vadd.f32 v1, v6;
	v16 =	vmul.f32 v16, v4;
	v20 =	vmul.f32 v20, v37  }
0x29e: {  	v8 =	vmul.f32 v5, v8;
	v51 =	vmul.f32 v5, v44;
	v21 =	vadd.f32 v36, v0  }
0x29f: {  	v1 =	vmul.f32 v1, v10;
	v53 =	vmul.f32 v5, v43;
	v6 =	vadd.f32 v16, v13  }
0x2a0: {  	v9 =	vmul.f32 v9, v33;
	[tilespmem:v34+s20+$0x0] =	vst.idx.msk $0xffff, v21;
	v21 =	vadd.f32 v8, v51  }
0x2a1: {  	v55 =	vmul.f32 v5, v45;
	[tilespmem:v7+s20+$0x0] =	vst.idx.msk $0xffff, v6;
	v7 =	vadd.f32 v8, v53  }
0x2a2: {  	v20 =	vadd.f32 v20, v12;
	v6 =	vadd.s32 v2, v18;
	v21 =	vmul.f32 v21, v46  }
0x2a3: {  	v5 =	vmul.f32 v5, v38;
	v1 =	vadd.f32 v1, v14;
	v7 =	vmul.f32 v7, v4  }
0x2a4: {  	v56 =	vadd.f32 v8, v55;
	[tilespmem:v49+s20+$0x0] =	vst.idx.msk $0xffff, v20;
	v21 =	vadd.f32 v21, v0  }
0x2a5: {  	v57 =	vadd.s32 v15, v18;
	[tilespmem:v50+s20+$0x0] =	vst.idx.msk $0xffff, v1;
	v1 =	vsub.f32 $1.500000000e+00, v9;
	v7 =	vadd.f32 v7, v13  }
0x2a6: {  	v5 =	vadd.f32 v8, v5;
	v58 =	vmul.f32 v56, v37;
	[tilespmem:v52+s20+$0x0] =	vst.idx.msk $0xffff, v21  }
0x2a7: {  	v1 =	vmul.f32 v1, v33;
	[tilespmem:v6+s20+$0x0] =	vst.idx.msk $0xffff, v7;
	v6 =	vsub.f32 $0.0e+00, v54  }
0x2a8: {  	s29 =	sadd.s32 $0x2, s24;
	v5 =	vmul.f32 v5, v10;
	v9 =	vadd.f32 v58, v12  }
0x2a9: {  	[tilespmem:v23+s20+$0x0] =	vst.idx.msk $0xffff, v30;
	v7 =	vmov s29;
	v59 =	vmul.f32 v1, v40;
	v6 =	vmul.f32 v1, v6  }
0x2aa: {  	v17 =	vmul.f32 v1, v39;
	v60 =	vmul.f32 v1, v41;
	[tilespmem:v57+s20+$0x0] =	vst.idx.msk $0xffff, v9;
	v7 =	vand.u32 $0xFE, v7  }
0x2ab: {  	v9 =	vadd.s32 v3, v18;
	v1 =	vmul.f32 v1, v42;
	v16 =	vadd.f32 v6, v59  }
0x2ac: {  	v8 =	vadd.s32 v11, v7;
	v62 =	vadd.s32 v2, v7;
	v17 =	vadd.f32 v6, v17  }
0x2ad: {  	v18 =	vadd.f32 v6, v60;
	v1 =	vadd.f32 v6, v1;
	v6 =	vmul.f32 v16, v46  }
0x2ae: {  	v5 =	vadd.f32 v5, v14;
	v63 =	vadd.s32 v15, v7;
	v17 =	vmul.f32 v17, v4  }
0x2af: {  	v7 =	vadd.s32 v3, v7;
	v18 =	vmul.f32 v18, v37;
	v6 =	vadd.f32 v6, v0  }
0x2b0: {  	[tilespmem:v9+s20+$0x0] =	vst.idx.msk $0xffff, v5;
	v1 =	vmul.f32 v1, v10;
	v5 =	vadd.f32 v17, v13  }
0x2b1: {  	[tilespmem:v8+s20+$0x0] =	vst.idx.msk $0xffff, v6;
	v6 =	vadd.f32 v18, v12  }
0x2b2: {  	s30 =	sshll.u32 s23, $0x10;
	v1 =	vadd.f32 v1, v14;
	[tilespmem:v62+s20+$0x0] =	vst.idx.msk $0xffff, v5  }
0x2b3: {  	s24 =	sand.u32 $0xFE0000, s30;
	[tilespmem:v63+s20+$0x0] =	vst.idx.msk $0xffff, v6  }
0x2b4: {  	s31 =	simm.s32 $0x12A00;
	s25 =	simm.s32 $0x460;
	s24 =	sadd.s32 s24, s8;
	v9 =	vmovc v4;
	v10 =	vmov v37;
	v4 =	vmov v14;
	v8 =	vmov v46;
	[tilespmem:v7+s20+$0x0] =	vst.idx.msk $0xffff, v1  }
0x2b5: {  	v5 =	vmovc v2;
	v2 =	vmovc v13;
	v7 =	vmov v3;
	v3 =	vmov v12;
	[hbm4b:s24+s4] =	stream.linear.scatter [tilespmem:s31], [sflag:$0x4], $0x100, $0x38;
	v6 =	vmov v15;
	[tilespmem:$0x17080] =	vst v63  }
.LBB2_10:
0x2b6: {  	p0 =	seq.s32 s25, $0x113A0  }
.Ltmp8:
0x2b7: {  	_ = 	snop;
	(pc) =	sbr.rel @!p0 .LBB2_10-.Ltmp8, $4  }
0x2b8: {  	_ = 	snop  }
0x2b9: {  	s26 =	sshra.s32 s25, $0x2;
	s25 =	sadd.s32 $0x460, s25  }
0x2ba: {  	s24 =	sadd.s32 $0x800, s24;
	s26 =	sadd.s32 $0x12A00, s26  }
0x2bb: {  	[hbm4b:s24+s4] =	stream.linear.scatter [tilespmem:s26], [sflag:$0x4], $0x100, $0x38;
	[tilespmem:$0x17080] =	vst v63  }
.Ltmp9:
0x2bc: {  	v1 =	vld [tilespmem:$0x1FF90];
	(pc) =	sbr.rel .LBB2_17-.Ltmp9, $4  }
0x2bd: {  	v12 =	vld [tilespmem:$0x1FFA0]  }
0x2be: {  	v14 =	vld [tilespmem:$0x1FFB0]  }
0x2bf: {  	v15 =	vld [tilespmem:$0x1FFC0]  }
0x2c0: {  	v13 =	vmov v61;
	v11 =	vld [tilespmem:$0x1FEA0]  }
.LBB2_12:
0x2c1: {  	_ =	swait.ge [sflag:s21], $0x4000;
	s25 =	sadd.s32 @!p0 $0x200, s24;
	s24 =	sand.u32 @!p0 $0x100, s24  }
0x2c2: {  	s26 =	simm.s32 @!p0 $0xA400;
	[sflag:s21] =	ssyncset.done $0x0;
	s25 =	sand.u32 @!p0 $0xFE00, s25  }
0x2c3: {  	[sflag:s21] =	ssyncadd.s32 $0xFFFFC000;
	s24 =	sor.u32 @!p0 s24, s25;
	s25 =	simm.s32 @!p0 $0x100  }
0x2c4: {  	[tilespmem:s26], [sflag:$0x2] =	stream.indirect.gather @!p0 [hbm4b:s5+s25], $0x40, s24, s25, $0xb8;
	[tilespmem:$0x17080] =	vst v63  }
0x2c5: {  	_ =	swait.ge [sflag:s16], $0x4000  }
0x2c6: {  	[sflag:s16] =	ssyncset.done $0x0  }
0x2c7: {  	s26 =	simm.s32 $0x6480;
	[sflag:s16] =	ssyncadd.s32 $0xFFFFC000  }
0x2c8: {  	v24 =	vld [tilespmem:s26+$0x40]  }
0x2c9: {  	v23 =	vld [tilespmem:s26+$0x50]  }
0x2ca: {  	v19 =	vld [tilespmem:s26+$0x60]  }
0x2cb: {  	v18 =	vld [tilespmem:s26+$0x70]  }
0x2cc: {  	v16 =	vld [tilespmem:s26+$0xFFFFFFA0]  }
0x2cd: {  	v21 =	vld [tilespmem:s26+$0xFFFFFFB0]  }
0x2ce: {  	v32 =	vld [tilespmem:s26+$0xFFFFFF90]  }
0x2cf: {  	v20 =	vld [tilespmem:s26+$0xFFFFFFC0]  }
0x2d0: {  	v25 =	vld [tilespmem:s26+$0xFFFFFFD0]  }
0x2d1: {  	v22 =	vld [tilespmem:s26+$0xFFFFFFE0]  }
0x2d2: {  	v26 =	vld [tilespmem:s26+$0xFFFFFFF0]  }
0x2d3: {  	v27 =	vld [tilespmem:s26+$0x0]  }
0x2d4: {  	v33 =	vld [tilespmem:s26+$0x10]  }
0x2d5: {  	v34 =	vld [tilespmem:s26+$0x20];
	v42 =	vmul.f32 v19, v19;
	v43 =	vmul.f32 v18, v18  }
0x2d6: {  	v17 =	vld [tilespmem:s26+$0xFFFFFF80];
	v41 =	vadd.f32 v23, v24;
	v44 =	vmul.f32 v23, v23;
	v48 =	vmul.f32 v16, v16  }
0x2d7: {  	v45 =	vmovc v5;
	v52 =	vmov v10;
	v49 =	vmul.f32 v21, v21;
	v50 =	vmul.f32 v24, v24  }
0x2d8: {  	v10 =	vmovc v1;
	v35 =	vld [tilespmem:s26+$0x30];
	v53 =	vmul.f32 v32, v32;
	v1 =	vadd.f32 v19, v41;
	v5 =	vadd.f32 v43, v42  }
0x2d9: {  	v55 =	vadd.f32 v25, v20;
	v28 =	vmul.f32 v25, v25;
	v29 =	vmul.f32 v22, v22  }
0x2da: {  	v30 =	vmul.f32 v26, v26;
	v1 =	vadd.f32 v18, v1;
	v5 =	vadd.f32 v5, v44  }
0x2db: {  	v60 =	vadd.f32 v33, v27;
	v36 =	vmul.f32 v34, v34;
	v38 =	vadd.f32 v32, v17  }
0x2dc: {  	v47 =	vmovc v6;
	v6 =	vadd.f32 v49, v48;
	v54 =	vperm.xlane v1, v12;
	v5 =	vadd.f32 v5, v50  }
0x2dd: {  	v37 =	vmul.f32 v35, v35;
	v58 =	vadd.f32 v22, v55;
	v29 =	vadd.f32 v30, v29  }
0x2de: {  	v56 =	vmovc v8;
	v8 =	vadd.f32 v34, v60;
	v1 =	vadd.f32 v54, v1;
	v57 =	vperm.xlane v5, v12  }
0x2df: {  	v59 =	vmul.f32 v20, v20;
	v36 =	vadd.f32 v37, v36;
	v61 =	vadd.f32 v16, v38  }
0x2e0: {  	v6 =	vadd.f32 v6, v53;
	v30 =	vperm.xlane v1, v14;
	v5 =	vadd.f32 v57, v5  }
0x2e1: {  	v46 =	vmovc v7;
	v31 =	vmul.f32 v33, v33;
	v7 =	vadd.f32 v26, v58;
	v28 =	vadd.f32 v29, v28  }
0x2e2: {  	v8 =	vadd.f32 v35, v8;
	v1 =	vadd.f32 v30, v1;
	v30 =	vperm.xlane v5, v14  }
0x2e3: {  	v62 =	vmul.f32 v27, v27;
	v31 =	vadd.f32 v36, v31;
	v63 =	vadd.f32 v21, v61  }
0x2e4: {  	v51 =	vmovc v9;
	v9 =	vadd.f32 v28, v59;
	v29 =	vperm.xlane v1, v15;
	v5 =	vadd.f32 v30, v5  }
0x2e5: {  	v28 =	vperm.xlane v63, v12;
	v31 =	vadd.f32 v31, v62;
	v30 =	vmul.f32 v17, v17  }
0x2e6: {  	v43 =	vperm.xlane v9, v12;
	v1 =	vadd.f32 v29, v1;
	v29 =	vperm.xlane v5, v15  }
0x2e7: {  	v39 =	vperm.xlane v8, v12;
	v28 =	vadd.f32 v28, v63;
	v6 =	vadd.f32 v6, v30  }
0x2e8: {  	v9 =	vadd.f32 v43, v9;
	v30 =	vperm.xlane v1, v13;
	v5 =	vadd.f32 v29, v5  }
0x2e9: {  	v8 =	vadd.f32 v39, v8;
	v29 =	vperm.xlane v7, v12;
	v42 =	vperm.xlane v6, v12  }
0x2ea: {  	v36 =	vperm.xlane v9, v14;
	v1 =	vadd.f32 v30, v1;
	v30 =	vperm.xlane v5, v13  }
0x2eb: {  	v7 =	vadd.f32 v29, v7;
	v29 =	vperm.xlane v31, v12;
	v6 =	vadd.f32 v42, v6  }
0x2ec: {  	v5 =	vadd.f32 v30, v5;
	v1 =	vmul.f32 $1.562500000e-02, v1;
	v30 =	vperm.xlane v28, v14  }
0x2ed: {  	v48 =	vperm.xlane v7, v14;
	v29 =	vadd.f32 v29, v31;
	v31 =	vperm.xlane v6, v14  }
0x2ee: {  	v9 =	vadd.f32 v36, v9;
	v5 =	vmul.f32 $1.562500000e-02, v5;
	v44 =	vmul.f32 v1, v1  }
0x2ef: {  	v28 =	vadd.f32 v30, v28;
	v30 =	vperm.xlane v8, v14;
	v7 =	vadd.f32 v48, v7  }
0x2f0: {  	v6 =	vadd.f32 v31, v6;
	v5 =	vsub.f32 v5, v44  }
0x2f1: {  	v8 =	vadd.f32 v30, v8;
	v30 =	vperm.xlane v29, v14;
	v49 =	vperm.xlane v28, v15  }
0x2f2: {  	v31 =	vperm.xlane v7, v15;
	v54 =	vperm.xlane v6, v15;
	v5 =	vadd.f32 $9.999999740e-06, v5  }
0x2f3: {  	v53 =	vperm.xlane v8, v15;
	v29 =	vadd.f32 v30, v29;
	v28 =	vadd.f32 v49, v28  }
0x2f4: {  	v7 =	vadd.f32 v31, v7;
	v31 =	vperm.xlane v9, v15;
	v6 =	vadd.f32 v54, v6  }
0x2f5: {  	v50 =	vshrl.u32 v5, $0x1;
	v5 =	vmul.f32 $5.000000000e-01, v5;
	v55 =	vperm.xlane v28, v13  }
0x2f6: {  	v8 =	vadd.f32 v53, v8;
	v57 =	vperm.xlane v29, v15;
	v58 =	vperm.xlane v7, v13  }
0x2f7: {  	v9 =	vadd.f32 v31, v9;
	v59 =	vperm.xlane v6, v13;
	v38 =	vsub.s32 $0x5F3759DF, v50  }
0x2f8: {  	v30 =	vmul.f32 v38, v5;
	v31 =	vperm.xlane v8, v13;
	v29 =	vadd.f32 v57, v29  }
0x2f9: {  	v28 =	vadd.f32 v55, v28;
	v7 =	vadd.f32 v58, v7;
	v60 =	vperm.xlane v9, v13  }
0x2fa: {  	v6 =	vadd.f32 v59, v6;
	v30 =	vmul.f32 v38, v30;
	v61 =	vperm.xlane v29, v13  }
0x2fb: {  	v28 =	vmul.f32 $1.562500000e-02, v28;
	v8 =	vadd.f32 v31, v8;
	v7 =	vmul.f32 $1.562500000e-02, v7  }
0x2fc: {  	v9 =	vadd.f32 v60, v9;
	v6 =	vmul.f32 $1.562500000e-02, v6;
	v30 =	vsub.f32 $1.500000000e+00, v30  }
0x2fd: {  	v31 =	vmul.f32 v28, v28;
	v29 =	vadd.f32 v61, v29;
	v8 =	vmul.f32 $1.562500000e-02, v8  }
0x2fe: {  	v9 =	vmul.f32 $1.562500000e-02, v9;
	v63 =	vsub.f32 $0.0e+00, v7;
	v7 =	vmul.f32 v7, v7  }
0x2ff: {  	v62 =	vsub.f32 $0.0e+00, v28;
	v30 =	vmul.f32 v38, v30;
	v6 =	vsub.f32 v6, v31  }
0x300: {  	v28 =	vmul.f32 $1.562500000e-02, v29;
	v29 =	vmul.f32 v8, v8;
	v7 =	vsub.f32 v9, v7  }
0x301: {  	s30 =	simm.s32 $0x1;
	v1 =	vsub.f32 $0.0e+00, v1;
	v5 =	vmul.f32 v30, v5;
	v6 =	vadd.f32 $9.999999740e-06, v6  }
0x302: {  	v44 =	vmov s30;
	v48 =	vsub.f32 v28, v29;
	v7 =	vadd.f32 $9.999999740e-06, v7  }
0x303: {  	v44 =	vand.u32 $0xFD, v44;
	v5 =	vmul.f32 v5, v30;
	v28 =	vshrl.u32 v6, $0x1  }
0x304: {  	v6 =	vmul.f32 $5.000000000e-01, v6;
	v9 =	vadd.f32 $9.999999740e-06, v48;
	v29 =	vshrl.u32 v7, $0x1  }
0x305: {  	v49 =	vmul.f32 $5.000000000e-01, v7;
	v28 =	vsub.s32 $0x5F3759DF, v28;
	v29 =	vsub.s32 $0x5F3759DF, v29  }
0x306: {  	v5 =	vsub.f32 $1.500000000e+00, v5;
	v50 =	vshrl.u32 v9, $0x1;
	v9 =	vmul.f32 $5.000000000e-01, v9  }
0x307: {  	v53 =	vmul.f32 v28, v6;
	v54 =	vmul.f32 v29, v49;
	v7 =	vsub.s32 $0x5F3759DF, v50  }
0x308: {  	s28 =	simm.s32 $0x3;
	v8 =	vsub.f32 $0.0e+00, v8;
	v5 =	vmul.f32 v5, v30;
	v40 =	vmul.f32 v7, v9  }
0x309: {  	v30 =	vmov s28;
	v36 =	vmul.f32 v28, v53;
	v37 =	vmul.f32 v29, v54  }
0x30a: {  	v30 =	vand.u32 $0xFF, v30;
	v1 =	vmul.f32 v5, v1;
	v24 =	vmul.f32 v5, v24  }
0x30b: {  	v23 =	vmul.f32 v5, v23;
	v19 =	vmul.f32 v5, v19;
	v31 =	vadd.s32 v10, v30  }
0x30c: {  	v5 =	vmul.f32 v5, v18;
	v40 =	vmul.f32 v7, v40;
	v36 =	vsub.f32 $1.500000000e+00, v36  }
0x30d: {  	v41 =	vadd.s32 v47, v30;
	v37 =	vsub.f32 $1.500000000e+00, v37;
	v24 =	vadd.f32 v1, v24  }
0x30e: {  	s29 =	simm.s32 $0x0;
	v42 =	vadd.s32 v46, v30;
	v23 =	vadd.f32 v1, v23;
	v19 =	vadd.f32 v1, v19  }
0x30f: {  	v1 =	vadd.f32 v1, v5;
	v55 =	vmul.f32 v28, v36;
	v28 =	vmov s29  }
0x310: {  	v43 =	vmul.f32 v29, v37;
	v28 =	vand.u32 $0xFC, v28;
	v18 =	vmul.f32 v24, v56  }
0x311: {  	v24 =	vadd.s32 v45, v30;
	v23 =	vmul.f32 v23, v51;
	v19 =	vmul.f32 v19, v52  }
0x312: {  	v1 =	vmul.f32 v1, v11;
	v30 =	vsub.f32 $1.500000000e+00, v40;
	v6 =	vmul.f32 v55, v6  }
0x313: {  	v5 =	vmul.f32 v43, v49;
	v37 =	vadd.s32 v10, v28;
	v36 =	vadd.s32 v45, v28  }
0x314: {  	v29 =	vadd.s32 v46, v28;
	v18 =	vadd.f32 v18, v0;
	v23 =	vadd.f32 v23, v2  }
0x315: {  	v19 =	vadd.f32 v19, v3;
	v7 =	vmul.f32 v7, v30;
	v6 =	vmul.f32 v6, v55  }
0x316: {  	v1 =	vadd.f32 v1, v4;
	v30 =	vadd.s32 v47, v28;
	v5 =	vmul.f32 v5, v43  }
0x317: {  	s31 =	simm.s32 $0x2;
	v28 =	vadd.s32 v45, v44;
	[tilespmem:v31+s17+$0x0] =	vst.idx.msk $0xffff, v18;
	v9 =	vmul.f32 v7, v9;
	v6 =	vsub.f32 $1.500000000e+00, v6  }
0x318: {  	v18 =	vmov s31;
	v5 =	vsub.f32 $1.500000000e+00, v5;
	v31 =	vadd.s32 v10, v44;
	[tilespmem:v24+s17+$0x0] =	vst.idx.msk $0xffff, v23  }
0x319: {  	v24 =	vadd.s32 v47, v44;
	v9 =	vmul.f32 v9, v7;
	v6 =	vmul.f32 v6, v55  }
0x31a: {  	v23 =	vand.u32 $0xFE, v18;
	[tilespmem:v41+s17+$0x0] =	vst.idx.msk $0xffff, v19;
	v5 =	vmul.f32 v5, v43;
	v19 =	vadd.s32 v46, v44  }
0x31b: {  	v18 =	vadd.s32 v10, v23;
	v58 =	vmul.f32 v6, v62;
	v59 =	vmul.f32 v6, v17  }
0x31c: {  	[tilespmem:v42+s17+$0x0] =	vst.idx.msk $0xffff, v1;
	v57 =	vsub.f32 $1.500000000e+00, v9;
	v32 =	vmul.f32 v6, v32;
	v60 =	vmul.f32 v6, v16  }
0x31d: {  	v17 =	vadd.s32 v45, v23;
	v6 =	vmul.f32 v6, v21;
	v21 =	vmul.f32 v5, v63  }
0x31e: {  	v16 =	vadd.s32 v47, v23;
	v20 =	vmul.f32 v5, v20;
	v25 =	vmul.f32 v5, v25  }
0x31f: {  	v22 =	vmul.f32 v5, v22;
	v1 =	vmul.f32 v57, v7;
	v9 =	vadd.f32 v58, v59  }
0x320: {  	v5 =	vmul.f32 v5, v26;
	v61 =	vadd.f32 v58, v32;
	v6 =	vadd.f32 v58, v6  }
0x321: {  	v20 =	vadd.f32 v21, v20;
	v62 =	vmul.f32 v1, v8;
	v63 =	vmul.f32 v1, v27  }
0x322: {  	s25 =	simm.s32 $0x6580;
	v25 =	vadd.f32 v21, v25;
	v26 =	vmul.f32 v1, v33;
	v27 =	vmul.f32 v1, v34  }
0x323: {  	v22 =	vadd.f32 v21, v22;
	v32 =	vld [tilespmem:s25+$0x60];
	v1 =	vmul.f32 v1, v35;
	v9 =	vmul.f32 v9, v56  }
0x324: {  	v5 =	vadd.f32 v21, v5;
	v21 =	vld [tilespmem:s25+$0xFFFFFF90];
	v39 =	vmul.f32 v61, v51;
	v55 =	vmul.f32 v6, v11  }
0x325: {  	v38 =	vadd.f32 v58, v60;
	v33 =	vld [tilespmem:s25+$0x40];
	v54 =	vmul.f32 v20, v56;
	v53 =	vmul.f32 v25, v51  }
0x326: {  	v34 =	vld [tilespmem:s25+$0x50];
	v25 =	vmul.f32 v5, v11;
	v8 =	vadd.f32 v62, v63;
	v26 =	vadd.f32 v62, v26  }
0x327: {  	v35 =	vld [tilespmem:s25+$0x70];
	v48 =	vadd.f32 v62, v27;
	v27 =	vmul.f32 v38, v52;
	v50 =	vadd.f32 v62, v1  }
0x328: {  	v20 =	vld [tilespmem:s25+$0xFFFFFFA0];
	v49 =	vadd.f32 v9, v0;
	v47 =	vadd.f32 v39, v2;
	v52 =	vmul.f32 v22, v52  }
0x329: {  	s24 =	simm.s32 $0x4;
	s26 =	simm.s32 $0x8;
	v22 =	vld [tilespmem:s25+$0xFFFFFFB0];
	v46 =	vadd.f32 v27, v3;
	v27 =	vmul.f32 v8, v56;
	v26 =	vmul.f32 v26, v51  }
.LBB2_13:
0x32a: {  	v38 =	vld [tilespmem:s25+$0xFFFFFFC0]  }
0x32b: {  	v3 =	vld [tilespmem:$0x1FEE0]  }
0x32c: {  	v4 =	vld [tilespmem:$0x1FED0]  }
0x32d: {  	v39 =	vld [tilespmem:s25+$0xFFFFFFD0]  }
0x32e: {  	v10 =	vld [tilespmem:$0x1FF10]  }
0x32f: {  	v0 =	vld [tilespmem:$0x1FF00]  }
0x330: {  	v2 =	vld [tilespmem:$0x1FEF0];
	v1 =	vadd.f32 v34, v33;
	v5 =	vmul.f32 v32, v32;
	v6 =	vmul.f32 v35, v35  }
0x331: {  	v40 =	vld [tilespmem:s25+$0xFFFFFFE0];
	v7 =	vmul.f32 v21, v21;
	v8 =	vmul.f32 v34, v34  }
0x332: {  	v41 =	vld [tilespmem:s25+$0xFFFFFFF0];
	v62 =	vmul.f32 v20, v20;
	v1 =	vadd.f32 v32, v1;
	v5 =	vadd.f32 v6, v5  }
0x333: {  	v42 =	vld [tilespmem:s25+$0x0];
	v9 =	vmul.f32 v22, v22;
	v55 =	vadd.f32 v55, v3;
	v54 =	vadd.f32 v54, v10  }
0x334: {  	v43 =	vld [tilespmem:s25+$0x10];
	v63 =	vmul.f32 v33, v33;
	v1 =	vadd.f32 v35, v1;
	v5 =	vadd.f32 v5, v8  }
0x335: {  	v45 =	vld [tilespmem:s25+$0x20];
	v51 =	vmul.f32 v48, v4;
	v53 =	vadd.f32 v53, v0;
	v52 =	vadd.f32 v52, v2  }
0x336: {  	v44 =	vld [tilespmem:s25+$0x30];
	v60 =	vadd.f32 v39, v38;
	v57 =	vperm.xlane v1, v12;
	v5 =	vadd.f32 v5, v63  }
0x337: {  	v56 =	vmul.f32 v40, v40;
	v48 =	vld [tilespmem:s25+$0xFFFFFF80];
	v61 =	vmul.f32 v41, v41;
	v6 =	vadd.f32 v9, v62  }
0x338: {  	v27 =	vadd.f32 v27, v10;
	v1 =	vadd.f32 v57, v1;
	v57 =	vperm.xlane v5, v12  }
0x339: {  	v9 =	vmul.f32 v39, v39;
	v6 =	vadd.f32 v6, v7;
	v7 =	vadd.f32 v40, v60  }
0x33a: {  	v8 =	vadd.f32 v61, v56;
	v61 =	vperm.xlane v1, v14;
	v5 =	vadd.f32 v57, v5  }
0x33b: {  	v56 =	vadd.f32 v43, v42;
	v60 =	vmul.f32 v45, v45;
	v57 =	vmul.f32 v44, v44  }
0x33c: {  	v62 =	vadd.f32 v21, v48;
	v1 =	vadd.f32 v61, v1;
	v61 =	vperm.xlane v5, v14  }
0x33d: {  	v59 =	vmul.f32 v43, v43;
	v8 =	vadd.f32 v8, v9;
	v9 =	vadd.f32 v57, v60  }
0x33e: {  	v57 =	vadd.f32 v20, v62;
	v60 =	vperm.xlane v1, v15;
	v5 =	vadd.f32 v61, v5  }
0x33f: {  	v58 =	vmul.f32 v38, v38;
	v7 =	vadd.f32 v41, v7;
	v9 =	vadd.f32 v9, v59  }
0x340: {  	v57 =	vadd.f32 v22, v57;
	v1 =	vadd.f32 v60, v1;
	v59 =	vperm.xlane v5, v15  }
0x341: {  	v56 =	vadd.f32 v45, v56;
	v8 =	vadd.f32 v8, v58  }
0x342: {  	v58 =	vperm.xlane v57, v12;
	v62 =	vperm.xlane v1, v13;
	v5 =	vadd.f32 v59, v5  }
0x343: {  	v63 =	vmul.f32 v48, v48;
	v56 =	vadd.f32 v44, v56;
	v61 =	vmul.f32 v42, v42  }
0x344: {  	v57 =	vadd.f32 v58, v57;
	v1 =	vadd.f32 v62, v1;
	v58 =	vperm.xlane v5, v13  }
0x345: {  	v6 =	vadd.f32 v6, v63;
	v63 =	vperm.xlane v56, v12;
	v60 =	vperm.xlane v7, v12  }
0x346: {  	v9 =	vadd.f32 v9, v61;
	v5 =	vadd.f32 v58, v5;
	v1 =	vmul.f32 $1.562500000e-02, v1  }
0x347: {  	v59 =	vperm.xlane v6, v12;
	v7 =	vadd.f32 v60, v7;
	v60 =	vperm.xlane v8, v12  }
0x348: {  	[tilespmem:v37+s17+$0x0] =	vst.idx.msk $0xffff, v49;
	v56 =	vadd.f32 v63, v56;
	v5 =	vmul.f32 $1.562500000e-02, v5;
	v63 =	vmul.f32 v1, v1  }
0x349: {  	v26 =	vadd.f32 v26, v0;
	v61 =	vperm.xlane v9, v12;
	v37 =	vperm.xlane v57, v14  }
0x34a: {  	v6 =	vadd.f32 v59, v6;
	v62 =	vperm.xlane v7, v14;
	v5 =	vsub.f32 v5, v63  }
0x34b: {  	v8 =	vadd.f32 v60, v8;
	v59 =	vperm.xlane v56, v14;
	v9 =	vadd.f32 v61, v9  }
0x34c: {  	[tilespmem:v36+s17+$0x0] =	vst.idx.msk $0xffff, v47;
	v36 =	vadd.f32 v37, v57;
	v60 =	vperm.xlane v6, v14;
	v5 =	vadd.f32 $9.999999740e-06, v5  }
0x34d: {  	v7 =	vadd.f32 v62, v7;
	v61 =	vperm.xlane v8, v14;
	v37 =	vadd.f32 v59, v56  }
0x34e: {  	[tilespmem:v30+s17+$0x0] =	vst.idx.msk $0xffff, v46;
	v62 =	vperm.xlane v9, v14;
	v56 =	vshrl.u32 v5, $0x1;
	v5 =	vmul.f32 $5.000000000e-01, v5  }
0x34f: {  	[tilespmem:v31+s17+$0x0] =	vst.idx.msk $0xffff, v54;
	v57 =	vperm.xlane v36, v15;
	v6 =	vadd.f32 v60, v6;
	v47 =	vsub.s32 $0x5F3759DF, v56  }
0x350: {  	v30 =	vperm.xlane v7, v15;
	v8 =	vadd.f32 v61, v8;
	v31 =	vmul.f32 v47, v5  }
0x351: {  	[tilespmem:v29+s17+$0x0] =	vst.idx.msk $0xffff, v55;
	v9 =	vadd.f32 v62, v9;
	v1 =	vsub.f32 $0.0e+00, v1;
	v63 =	vperm.xlane v37, v15  }
0x352: {  	v29 =	vadd.f32 v57, v36;
	v58 =	vperm.xlane v6, v15;
	v31 =	vmul.f32 v47, v31  }
0x353: {  	v7 =	vadd.f32 v30, v7;
	v30 =	vperm.xlane v8, v15;
	v60 =	vperm.xlane v9, v15  }
0x354: {  	[tilespmem:v28+s17+$0x0] =	vst.idx.msk $0xffff, v53;
	v59 =	vperm.xlane v29, v13;
	v37 =	vadd.f32 v63, v37;
	v31 =	vsub.f32 $1.500000000e+00, v31  }
0x355: {  	v6 =	vadd.f32 v58, v6;
	v61 =	vperm.xlane v7, v13;
	v8 =	vadd.f32 v30, v8  }
0x356: {  	v9 =	vadd.f32 v60, v9;
	v30 =	vperm.xlane v37, v13;
	v31 =	vmul.f32 v47, v31  }
0x357: {  	v29 =	vadd.f32 v59, v29;
	v62 =	vperm.xlane v6, v13;
	v28 =	vperm.xlane v8, v13  }
0x358: {  	v7 =	vadd.f32 v61, v7;
	v63 =	vperm.xlane v9, v13;
	v5 =	vmul.f32 v31, v5  }
0x359: {  	v30 =	vadd.f32 v30, v37;
	v6 =	vadd.f32 v62, v6;
	v29 =	vmul.f32 $1.562500000e-02, v29  }
0x35a: {  	v54 =	vld [tilespmem:$0x1FF90];
	v8 =	vadd.f32 v28, v8;
	v7 =	vmul.f32 $1.562500000e-02, v7;
	v5 =	vmul.f32 v5, v31  }
0x35b: {  	[tilespmem:v24+s17+$0x0] =	vst.idx.msk $0xffff, v52;
	v9 =	vadd.f32 v63, v9;
	v24 =	vmul.f32 $1.562500000e-02, v30;
	v6 =	vmul.f32 $1.562500000e-02, v6  }
0x35c: {  	s28 =	sadd.s32 $0x3, s24;
	v28 =	vmul.f32 v29, v29;
	v49 =	vsub.f32 $0.0e+00, v29;
	v5 =	vsub.f32 $1.500000000e+00, v5  }
0x35d: {  	v52 =	vld [tilespmem:$0x1FFE0];
	v8 =	vmul.f32 $1.562500000e-02, v8;
	v9 =	vmul.f32 $1.562500000e-02, v9;
	v29 =	vmov s28  }
0x35e: {  	v60 =	vld [tilespmem:$0x1FFF0];
	v29 =	vand.u32 $0xFF, v29;
	v6 =	vsub.f32 v6, v28;
	v5 =	vmul.f32 v5, v31  }
0x35f: {  	v28 =	vmul.f32 v24, v24;
	v46 =	vsub.f32 $0.0e+00, v24;
	v36 =	vadd.s32 v54, v29  }
0x360: {  	v47 =	vsub.f32 $0.0e+00, v7;
	v7 =	vmul.f32 v7, v7;
	v1 =	vmul.f32 v5, v1  }
0x361: {  	v57 =	vld [tilespmem:$0x1FEC0];
	v6 =	vadd.f32 $9.999999740e-06, v6;
	v24 =	vmul.f32 v5, v33;
	v30 =	vmul.f32 v5, v34  }
0x362: {  	v7 =	vsub.f32 v8, v7;
	v31 =	vmul.f32 v5, v32;
	v5 =	vmul.f32 v5, v35;
	v35 =	vld [tilespmem:$0x1FFD0]  }
0x363: {  	v56 =	vld [tilespmem:$0x1FEB0];
	v61 =	vadd.s32 v60, v29;
	v9 =	vsub.f32 v9, v28;
	v8 =	vadd.s32 v52, v23  }
0x364: {  	v23 =	vshrl.u32 v6, $0x1;
	v6 =	vmul.f32 $5.000000000e-01, v6;
	v7 =	vadd.f32 $9.999999740e-06, v7  }
0x365: {  	v9 =	vadd.f32 $9.999999740e-06, v9;
	v23 =	vsub.s32 $0x5F3759DF, v23;
	v24 =	vadd.f32 v1, v24  }
0x366: {  	v28 =	vshrl.u32 v7, $0x1;
	v7 =	vmul.f32 $5.000000000e-01, v7;
	v30 =	vadd.f32 v1, v30  }
0x367: {  	v31 =	vadd.f32 v1, v31;
	v24 =	vmul.f32 v24, v57;
	v37 =	vadd.s32 v35, v29  }
0x368: {  	v11 =	vld [tilespmem:$0x1FEA0];
	v34 =	vadd.f32 v25, v3;
	v1 =	vadd.f32 v1, v5;
	v30 =	vmul.f32 v30, v56  }
0x369: {  	v62 =	vadd.f32 v24, v10;
	v24 =	vmul.f32 v31, v4;
	v31 =	vshrl.u32 v9, $0x1  }
0x36a: {  	v30 =	vadd.f32 v30, v0;
	v9 =	vmul.f32 $5.000000000e-01, v9;
	v31 =	vsub.s32 $0x5F3759DF, v31  }
0x36b: {  	[tilespmem:v36+s17+$0x0] =	vst.idx.msk $0xffff, v62;
	v63 =	vadd.f32 v24, v2;
	v24 =	vsub.s32 $0x5F3759DF, v28;
	v28 =	vmul.f32 v23, v6  }
0x36c: {  	v33 =	vmul.f32 v31, v9;
	[tilespmem:v37+s17+$0x0] =	vst.idx.msk $0xffff, v30;
	v30 =	vmul.f32 v24, v7  }
0x36d: {  	v1 =	vmul.f32 v1, v11;
	v29 =	vadd.s32 v52, v29;
	v25 =	vmul.f32 v23, v28  }
0x36e: {  	[tilespmem:v18+s17+$0x0] =	vst.idx.msk $0xffff, v27;
	v5 =	vmul.f32 v31, v33;
	v28 =	vmul.f32 v24, v30  }
0x36f: {  	[tilespmem:v17+s17+$0x0] =	vst.idx.msk $0xffff, v26;
	v1 =	vadd.f32 v1, v3;
	v25 =	vsub.f32 $1.500000000e+00, v25  }
0x370: {  	[tilespmem:v19+s17+$0x0] =	vst.idx.msk $0xffff, v34;
	v36 =	vsub.f32 $1.500000000e+00, v5;
	v28 =	vsub.f32 $1.500000000e+00, v28  }
0x371: {  	v50 =	vmul.f32 v50, v11;
	v19 =	vmov s24;
	[tilespmem:v61+s17+$0x0] =	vst.idx.msk $0xffff, v63;
	v18 =	vmul.f32 v23, v25  }
0x372: {  	s30 =	sadd.s32 $0x1, s24;
	v17 =	vand.u32 $0xFC, v19;
	[tilespmem:v29+s17+$0x0] =	vst.idx.msk $0xffff, v1;
	v1 =	vmul.f32 v31, v36;
	v24 =	vmul.f32 v24, v28  }
0x373: {  	v19 =	vmov s30;
	v37 =	vadd.f32 v50, v3;
	v6 =	vmul.f32 v18, v6  }
0x374: {  	v29 =	vadd.f32 v51, v2;
	v50 =	vmul.f32 v1, v9;
	v7 =	vmul.f32 v24, v7  }
0x375: {  	v30 =	vadd.s32 v60, v17;
	v51 =	vand.u32 $0xFD, v19;
	v6 =	vmul.f32 v6, v18  }
0x376: {  	v19 =	vadd.s32 v52, v51;
	v5 =	vmul.f32 v50, v1;
	v7 =	vmul.f32 v7, v24  }
0x377: {  	[tilespmem:v16+s17+$0x0] =	vst.idx.msk $0xffff, v29;
	v36 =	vadd.s32 v35, v17;
	v29 =	vadd.s32 v52, v17;
	v6 =	vsub.f32 $1.500000000e+00, v6  }
0x378: {  	s31 =	sadd.s32 $0x2, s24;
	v31 =	vadd.s32 v54, v51;
	v5 =	vsub.f32 $1.500000000e+00, v5;
	v7 =	vsub.f32 $1.500000000e+00, v7  }
0x379: {  	v16 =	vmov s31;
	[tilespmem:v8+s17+$0x0] =	vst.idx.msk $0xffff, v37;
	v37 =	vadd.s32 v54, v17;
	v6 =	vmul.f32 v6, v18  }
0x37a: {  	v23 =	vand.u32 $0xFE, v16;
	v1 =	vmul.f32 v5, v1;
	v7 =	vmul.f32 v7, v24  }
0x37b: {  	v18 =	vadd.s32 v54, v23;
	v54 =	vmul.f32 v6, v49;
	v55 =	vmul.f32 v6, v48  }
0x37c: {  	v28 =	vadd.s32 v35, v51;
	v58 =	vmul.f32 v6, v21;
	v20 =	vmul.f32 v6, v20  }
0x37d: {  	v16 =	vadd.s32 v60, v23;
	v6 =	vmul.f32 v6, v22;
	v59 =	vmul.f32 v1, v46  }
0x37e: {  	v24 =	vadd.s32 v60, v51;
	v27 =	vmul.f32 v1, v42;
	v60 =	vmul.f32 v1, v43  }
0x37f: {  	v17 =	vadd.s32 v35, v23;
	v61 =	vmul.f32 v1, v45;
	v1 =	vmul.f32 v1, v44  }
0x380: {  	v8 =	vadd.f32 v54, v55;
	v21 =	vmul.f32 v7, v47;
	v9 =	vadd.f32 v54, v58  }
0x381: {  	v22 =	vmul.f32 v7, v38;
	v20 =	vadd.f32 v54, v20;
	v5 =	vadd.f32 v54, v6  }
0x382: {  	s25 =	sadd.s32 $0x100, s25;
	v25 =	vmul.f32 v7, v39;
	v27 =	vadd.f32 v59, v27;
	v62 =	vadd.f32 v59, v60  }
0x383: {  	v33 =	vld [tilespmem:s25+$0x40];
	v26 =	vmul.f32 v7, v40;
	v48 =	vadd.f32 v59, v61;
	v50 =	vadd.f32 v59, v1  }
0x384: {  	p0 =	slt.u32 s26, $0xFC;
	v34 =	vld [tilespmem:s25+$0x50];
	v7 =	vmul.f32 v7, v41;
	v22 =	vadd.f32 v21, v22;
	v25 =	vadd.f32 v21, v25  }
.Ltmp10:
0x385: {  	v32 =	vld [tilespmem:s25+$0x60];
	v26 =	vadd.f32 v21, v26;
	v8 =	vmul.f32 v8, v57;
	v9 =	vmul.f32 v9, v56;
	(pc) =	sbr.rel @p0 .LBB2_13-.Ltmp10, $4  }
0x386: {  	v35 =	vld [tilespmem:s25+$0x70];
	v7 =	vadd.f32 v21, v7;
	v63 =	vmul.f32 v20, v4;
	v55 =	vmul.f32 v5, v11  }
0x387: {  	v21 =	vld [tilespmem:s25+$0xFFFFFF90];
	v27 =	vmul.f32 v27, v57;
	v49 =	vadd.f32 v8, v10;
	v54 =	vmul.f32 v22, v57  }
0x388: {  	v20 =	vld [tilespmem:s25+$0xFFFFFFA0];
	v53 =	vmul.f32 v25, v56;
	v47 =	vadd.f32 v9, v0;
	v52 =	vmul.f32 v26, v4  }
0x389: {  	s24 =	smov.u32 s26;
	s26 =	sadd.s32 $0x4, s26;
	v25 =	vmul.f32 v7, v11;
	v22 =	vld [tilespmem:s25+$0xFFFFFFB0];
	v46 =	vadd.f32 v63, v2;
	v26 =	vmul.f32 v62, v56  }
0x38a: {  	v44 =	vld [tilespmem:s25+$0xFFFFFFC0]  }
0x38b: {  	v43 =	vld [tilespmem:s25+$0xFFFFFFD0]  }
0x38c: {  	v51 =	vld [tilespmem:s25+$0xFFFFFF80]  }
0x38d: {  	v1 =	vadd.f32 v34, v33;
	v5 =	vmul.f32 v32, v32;
	v42 =	vld [tilespmem:s25+$0x30];
	v6 =	vmul.f32 v35, v35  }
0x38e: {  	v45 =	vld [tilespmem:s25+$0xFFFFFFE0];
	v7 =	vmul.f32 v34, v34  }
0x38f: {  	v38 =	vld [tilespmem:s25+$0xFFFFFFF0];
	v9 =	vmul.f32 v33, v33;
	v1 =	vadd.f32 v32, v1;
	v5 =	vadd.f32 v6, v5  }
0x390: {  	v40 =	vld [tilespmem:s25+$0x0];
	v6 =	vmul.f32 v20, v20;
	v8 =	vmul.f32 v22, v22  }
0x391: {  	v41 =	vld [tilespmem:s25+$0x20];
	v1 =	vadd.f32 v35, v1;
	v5 =	vadd.f32 v5, v7;
	v7 =	vmul.f32 v21, v21  }
0x392: {  	v39 =	vld [tilespmem:s25+$0x10];
	v56 =	vmul.f32 v43, v43;
	v61 =	vadd.f32 v21, v51;
	v62 =	vmul.f32 v42, v42  }
0x393: {  	v63 =	vmul.f32 v51, v51;
	v6 =	vadd.f32 v8, v6;
	v8 =	vadd.f32 v43, v44  }
0x394: {  	v57 =	vperm.xlane v1, v12;
	v5 =	vadd.f32 v5, v9;
	v9 =	vmul.f32 v45, v45  }
0x395: {  	v0 =	vadd.f32 v20, v61;
	v6 =	vadd.f32 v6, v7;
	v7 =	vmul.f32 v38, v38  }
0x396: {  	v8 =	vadd.f32 v45, v8;
	v1 =	vadd.f32 v57, v1;
	v57 =	vmul.f32 v41, v41  }
0x397: {  	v2 =	vperm.xlane v5, v12;
	v7 =	vadd.f32 v7, v9;
	v9 =	vadd.f32 v39, v40  }
0x398: {  	v60 =	vperm.xlane v1, v14;
	v8 =	vadd.f32 v38, v8;
	v57 =	vadd.f32 v62, v57  }
0x399: {  	v58 =	vmul.f32 v44, v44;
	v6 =	vadd.f32 v6, v63;
	v5 =	vadd.f32 v2, v5  }
0x39a: {  	v59 =	vmul.f32 v39, v39;
	v9 =	vadd.f32 v41, v9;
	v1 =	vadd.f32 v60, v1  }
0x39b: {  	v7 =	vadd.f32 v7, v56;
	v56 =	vadd.f32 v22, v0;
	v60 =	vperm.xlane v5, v14  }
0x39c: {  	v57 =	vadd.f32 v57, v59;
	v59 =	vperm.xlane v8, v12;
	v2 =	vperm.xlane v1, v15  }
0x39d: {  	v9 =	vadd.f32 v42, v9;
	v62 =	vperm.xlane v56, v12;
	v5 =	vadd.f32 v60, v5  }
0x39e: {  	v7 =	vadd.f32 v7, v58;
	v58 =	vperm.xlane v6, v12;
	v1 =	vadd.f32 v2, v1  }
0x39f: {  	v8 =	vadd.f32 v59, v8;
	v60 =	vmul.f32 v40, v40;
	v0 =	vperm.xlane v5, v15  }
0x3a0: {  	v61 =	vperm.xlane v9, v12;
	v56 =	vadd.f32 v62, v56;
	v2 =	vperm.xlane v1, v13  }
0x3a1: {  	v59 =	vperm.xlane v7, v12;
	v57 =	vadd.f32 v57, v60;
	v5 =	vadd.f32 v0, v5  }
0x3a2: {  	v9 =	vadd.f32 v61, v9;
	v61 =	vperm.xlane v8, v14;
	v1 =	vadd.f32 v2, v1  }
0x3a3: {  	v6 =	vadd.f32 v58, v6;
	v2 =	vperm.xlane v56, v14;
	v0 =	vperm.xlane v5, v13  }
0x3a4: {  	v7 =	vadd.f32 v59, v7;
	v62 =	vperm.xlane v57, v12;
	v1 =	vmul.f32 $1.562500000e-02, v1  }
0x3a5: {  	v56 =	vadd.f32 v2, v56;
	v2 =	vperm.xlane v6, v14;
	v5 =	vadd.f32 v0, v5  }
0x3a6: {  	v8 =	vadd.f32 v61, v8;
	v57 =	vadd.f32 v62, v57;
	v0 =	vperm.xlane v9, v14  }
0x3a7: {  	v12 =	vmul.f32 v1, v1;
	v6 =	vadd.f32 v2, v6;
	v5 =	vmul.f32 $1.562500000e-02, v5  }
0x3a8: {  	v2 =	vperm.xlane v8, v15;
	v9 =	vadd.f32 v0, v9;
	v0 =	vperm.xlane v56, v15  }
0x3a9: {  	v5 =	vsub.f32 v5, v12;
	v12 =	vperm.xlane v7, v14  }
0x3aa: {  	v8 =	vadd.f32 v2, v8;
	v14 =	vperm.xlane v57, v14;
	v56 =	vadd.f32 v0, v56  }
0x3ab: {  	v58 =	vperm.xlane v9, v15;
	v5 =	vadd.f32 $9.999999740e-06, v5;
	v7 =	vadd.f32 v12, v7  }
0x3ac: {  	v57 =	vadd.f32 v14, v57;
	v14 =	vperm.xlane v6, v15;
	v63 =	vperm.xlane v56, v13  }
0x3ad: {  	v12 =	vshrl.u32 v5, $0x1;
	v5 =	vmul.f32 $5.000000000e-01, v5;
	v2 =	vperm.xlane v7, v15  }
0x3ae: {  	v6 =	vadd.f32 v14, v6;
	v56 =	vadd.f32 v63, v56;
	v59 =	vsub.s32 $0x5F3759DF, v12  }
0x3af: {  	v9 =	vadd.f32 v58, v9;
	v12 =	vperm.xlane v57, v15;
	v0 =	vmul.f32 v59, v5  }
0x3b0: {  	v4 =	vld [tilespmem:$0x1FEE0];
	v7 =	vadd.f32 v2, v7;
	v2 =	vperm.xlane v6, v13;
	v56 =	vmul.f32 $1.562500000e-02, v56  }
0x3b1: {  	v11 =	vld [tilespmem:$0x1FF00];
	v60 =	vmul.f32 v59, v0;
	v0 =	vperm.xlane v9, v13  }
0x3b2: {  	v3 =	vld [tilespmem:$0x1FEF0];
	v57 =	vadd.f32 v12, v57;
	v12 =	vperm.xlane v7, v13;
	v6 =	vadd.f32 v2, v6  }
0x3b3: {  	v14 =	vperm.xlane v8, v13;
	v60 =	vsub.f32 $1.500000000e+00, v60;
	v9 =	vadd.f32 v0, v9  }
0x3b4: {  	v7 =	vadd.f32 v12, v7;
	v6 =	vmul.f32 $1.562500000e-02, v6;
	v12 =	vmul.f32 v56, v56;
	v0 =	vld [tilespmem:$0x1FF10]  }
0x3b5: {  	v55 =	vadd.f32 v55, v4;
	v8 =	vadd.f32 v14, v8;
	v2 =	vperm.xlane v57, v13  }
0x3b6: {  	v53 =	vadd.f32 v53, v11;
	v14 =	vmul.f32 v59, v60;
	v6 =	vsub.f32 v6, v12  }
0x3b7: {  	v52 =	vadd.f32 v52, v3;
	v8 =	vmul.f32 $1.562500000e-02, v8;
	v57 =	vadd.f32 v2, v57  }
0x3b8: {  	v61 =	vmovc v13;
	v7 =	vmul.f32 $1.562500000e-02, v7;
	v5 =	vmul.f32 v14, v5;
	v6 =	vadd.f32 $9.999999740e-06, v6  }
0x3b9: {  	[tilespmem:v37+s17+$0x0] =	vst.idx.msk $0xffff, v49;
	v13 =	vadd.f32 v54, v0;
	v54 =	vmul.f32 $1.562500000e-02, v9;
	v9 =	vmul.f32 v8, v8  }
0x3ba: {  	v25 =	vadd.f32 v25, v4;
	[tilespmem:v36+s17+$0x0] =	vst.idx.msk $0xffff, v47;
	v57 =	vmul.f32 $1.562500000e-02, v57;
	v5 =	vmul.f32 v5, v14  }
0x3bb: {  	[tilespmem:v30+s17+$0x0] =	vst.idx.msk $0xffff, v46;
	v63 =	vshrl.u32 v6, $0x1;
	v6 =	vmul.f32 $5.000000000e-01, v6;
	v7 =	vsub.f32 v7, v9  }
0x3bc: {  	[tilespmem:v29+s17+$0x0] =	vst.idx.msk $0xffff, v55;
	v9 =	vmul.f32 v54, v54;
	v2 =	vsub.s32 $0x5F3759DF, v63;
	v5 =	vsub.f32 $1.500000000e+00, v5  }
0x3bd: {  	v26 =	vadd.f32 v26, v11;
	[tilespmem:v31+s17+$0x0] =	vst.idx.msk $0xffff, v13;
	v49 =	vmul.f32 v2, v6;
	v7 =	vadd.f32 $9.999999740e-06, v7  }
0x3be: {  	v1 =	vsub.f32 $0.0e+00, v1;
	v10 =	vld [tilespmem:$0x1FF90];
	[tilespmem:v28+s17+$0x0] =	vst.idx.msk $0xffff, v53;
	v9 =	vsub.f32 v57, v9;
	v5 =	vmul.f32 v5, v14  }
0x3bf: {  	s26 =	sadd.s32 $0x3, s24;
	v15 =	vld [tilespmem:$0x1FEC0];
	v36 =	vmul.f32 v2, v49;
	v57 =	vshrl.u32 v7, $0x1;
	v7 =	vmul.f32 $5.000000000e-01, v7  }
0x3c0: {  	v58 =	vmov s26;
	v12 =	vld [tilespmem:$0x1FFD0];
	v1 =	vmul.f32 v5, v1;
	v14 =	vmul.f32 v5, v33  }
0x3c1: {  	v27 =	vadd.f32 v27, v0;
	v37 =	vld [tilespmem:$0x1FFF0];
	v59 =	vmul.f32 v5, v34;
	v47 =	vmul.f32 v5, v32  }
0x3c2: {  	v55 =	vsub.s32 $0x5F3759DF, v57;
	v57 =	vsub.f32 $1.500000000e+00, v36;
	v62 =	vadd.f32 v1, v14;
	v14 =	vld [tilespmem:$0x1FEB0];
	[tilespmem:v24+s17+$0x0] =	vst.idx.msk $0xffff, v52  }
0x3c3: {  	v63 =	vand.u32 $0xFF, v58;
	v5 =	vmul.f32 v5, v35;
	v58 =	vmul.f32 v55, v7;
	v46 =	vld [tilespmem:$0x1FED0]  }
0x3c4: {  	v49 =	vadd.s32 v10, v63;
	v34 =	vadd.f32 v1, v59;
	v30 =	vmul.f32 v2, v57;
	v13 =	vld [tilespmem:$0x1FFE0]  }
0x3c5: {  	v31 =	vadd.f32 v1, v47;
	v1 =	vadd.f32 v1, v5;
	v5 =	vmul.f32 v55, v58;
	v2 =	vld [tilespmem:$0x1FEA0]  }
0x3c6: {  	v9 =	vadd.f32 $9.999999740e-06, v9;
	v29 =	vmul.f32 v62, v15;
	v6 =	vmul.f32 v30, v6  }
0x3c7: {  	v59 =	vadd.s32 v12, v63;
	v60 =	vadd.s32 v37, v63;
	v5 =	vsub.f32 $1.500000000e+00, v5  }
0x3c8: {  	v29 =	vadd.f32 v29, v0;
	v6 =	vmul.f32 v6, v30;
	v34 =	vmul.f32 v34, v14  }
0x3c9: {  	[tilespmem:v19+s17+$0x0] =	vst.idx.msk $0xffff, v25;
	v5 =	vmul.f32 v55, v5;
	v55 =	vsub.f32 $0.0e+00, v56;
	v62 =	vmul.f32 v31, v46  }
0x3ca: {  	v63 =	vadd.s32 v13, v63;
	v1 =	vmul.f32 v1, v2;
	[tilespmem:v49+s17+$0x0] =	vst.idx.msk $0xffff, v29;
	v49 =	vshrl.u32 v9, $0x1  }
0x3cb: {  	[tilespmem:v18+s17+$0x0] =	vst.idx.msk $0xffff, v27;
	v9 =	vmul.f32 $5.000000000e-01, v9;
	v6 =	vsub.f32 $1.500000000e+00, v6;
	v52 =	vmul.f32 v48, v46  }
0x3cc: {  	v53 =	vmul.f32 v50, v2;
	v23 =	vadd.s32 v13, v23;
	v47 =	vadd.f32 v34, v11  }
0x3cd: {  	[tilespmem:v17+s17+$0x0] =	vst.idx.msk $0xffff, v26;
	v28 =	vsub.s32 $0x5F3759DF, v49;
	v7 =	vmul.f32 v5, v7;
	v24 =	vadd.f32 v62, v3  }
0x3ce: {  	v1 =	vadd.f32 v1, v4;
	v6 =	vmul.f32 v6, v30;
	v56 =	vmul.f32 v28, v9  }
0x3cf: {  	v8 =	vsub.f32 $0.0e+00, v8;
	v18 =	vadd.f32 v53, v4;
	[tilespmem:v59+s17+$0x0] =	vst.idx.msk $0xffff, v47;
	v7 =	vmul.f32 v7, v5  }
0x3d0: {  	v58 =	vmov s24;
	[tilespmem:v60+s17+$0x0] =	vst.idx.msk $0xffff, v24;
	v30 =	vmul.f32 v28, v56;
	v24 =	vadd.f32 v52, v3  }
0x3d1: {  	v25 =	vand.u32 $0xFC, v58;
	v57 =	vmul.f32 v6, v51;
	[tilespmem:v63+s17+$0x0] =	vst.idx.msk $0xffff, v1;
	v1 =	vmul.f32 v6, v55  }
0x3d2: {  	v20 =	vmul.f32 v6, v20;
	v7 =	vsub.f32 $1.500000000e+00, v7;
	v19 =	vsub.f32 $1.500000000e+00, v30;
	[tilespmem:v16+s17+$0x0] =	vst.idx.msk $0xffff, v24  }
0x3d3: {  	v16 =	vmul.f32 v6, v21;
	v6 =	vmul.f32 v6, v22;
	v59 =	vadd.f32 v1, v57  }
0x3d4: {  	s28 =	sadd.s32 $0x1, s24;
	v22 =	vadd.s32 v37, v25;
	v17 =	vmul.f32 v28, v19;
	v19 =	vadd.s32 v10, v25  }
0x3d5: {  	[tilespmem:v23+s17+$0x0] =	vst.idx.msk $0xffff, v18;
	v18 =	vmov s28;
	v5 =	vmul.f32 v7, v5;
	v21 =	vmul.f32 v59, v15  }
0x3d6: {  	v7 =	vadd.s32 v12, v25;
	v20 =	vadd.f32 v1, v20;
	v16 =	vadd.f32 v1, v16  }
0x3d7: {  	v8 =	vmul.f32 v5, v8;
	v23 =	vmul.f32 v5, v43;
	v21 =	vadd.f32 v21, v0  }
0x3d8: {  	v1 =	vadd.f32 v1, v6;
	v60 =	vmul.f32 v5, v45;
	v16 =	vmul.f32 v16, v14  }
0x3d9: {  	v18 =	vand.u32 $0xFD, v18;
	v20 =	vmul.f32 v20, v46;
	[tilespmem:v19+s17+$0x0] =	vst.idx.msk $0xffff, v21;
	v21 =	vmul.f32 v5, v44  }
0x3da: {  	v9 =	vmul.f32 v17, v9;
	v1 =	vmul.f32 v1, v2;
	v6 =	vadd.f32 v16, v11  }
0x3db: {  	v20 =	vadd.f32 v20, v3;
	v19 =	vadd.s32 v13, v25;
	v21 =	vadd.f32 v8, v21  }
0x3dc: {  	v16 =	vadd.s32 v10, v18;
	[tilespmem:v7+s17+$0x0] =	vst.idx.msk $0xffff, v6;
	v7 =	vadd.f32 v8, v23  }
0x3dd: {  	v9 =	vmul.f32 v9, v17;
	v6 =	vadd.s32 v12, v18;
	v21 =	vmul.f32 v21, v15  }
0x3de: {  	v1 =	vadd.f32 v1, v4;
	v5 =	vmul.f32 v5, v38;
	v7 =	vmul.f32 v7, v14  }
0x3df: {  	v23 =	vadd.f32 v8, v60;
	[tilespmem:v22+s17+$0x0] =	vst.idx.msk $0xffff, v20;
	v21 =	vadd.f32 v21, v0  }
0x3e0: {  	v62 =	vadd.s32 v37, v18;
	v63 =	vsub.f32 $1.500000000e+00, v9;
	[tilespmem:v19+s17+$0x0] =	vst.idx.msk $0xffff, v1;
	v7 =	vadd.f32 v7, v11  }
0x3e1: {  	v5 =	vadd.f32 v8, v5;
	v20 =	vmul.f32 v23, v46;
	[tilespmem:v16+s17+$0x0] =	vst.idx.msk $0xffff, v21  }
0x3e2: {  	v1 =	vmul.f32 v63, v17;
	[tilespmem:v6+s17+$0x0] =	vst.idx.msk $0xffff, v7;
	v6 =	vsub.f32 $0.0e+00, v54  }
0x3e3: {  	s29 =	sadd.s32 $0x2, s24;
	v5 =	vmul.f32 v5, v2;
	v9 =	vadd.f32 v20, v3  }
0x3e4: {  	v16 =	vmul.f32 v1, v40;
	v7 =	vmov s29;
	v6 =	vmul.f32 v1, v6  }
0x3e5: {  	v17 =	vmul.f32 v1, v39;
	[tilespmem:v62+s17+$0x0] =	vst.idx.msk $0xffff, v9;
	v7 =	vand.u32 $0xFE, v7;
	v9 =	vadd.s32 v13, v18  }
0x3e6: {  	v18 =	vmul.f32 v1, v41;
	v1 =	vmul.f32 v1, v42;
	v16 =	vadd.f32 v6, v16  }
0x3e7: {  	v8 =	vadd.s32 v10, v7;
	v19 =	vadd.s32 v12, v7;
	v17 =	vadd.f32 v6, v17  }
0x3e8: {  	v18 =	vadd.f32 v6, v18;
	v1 =	vadd.f32 v6, v1;
	v6 =	vmul.f32 v16, v15  }
0x3e9: {  	v5 =	vadd.f32 v5, v4;
	v16 =	vadd.s32 v37, v7;
	v17 =	vmul.f32 v17, v14  }
0x3ea: {  	v18 =	vmul.f32 v18, v46;
	v7 =	vadd.s32 v13, v7;
	v6 =	vadd.f32 v6, v0  }
0x3eb: {  	[tilespmem:v9+s17+$0x0] =	vst.idx.msk $0xffff, v5;
	v1 =	vmul.f32 v1, v2;
	v5 =	vadd.f32 v17, v11  }
0x3ec: {  	[tilespmem:v8+s17+$0x0] =	vst.idx.msk $0xffff, v6;
	v6 =	vadd.f32 v18, v3  }
0x3ed: {  	s30 =	sshll.u32 s23, $0x10;
	v1 =	vadd.f32 v1, v4;
	[tilespmem:v19+s17+$0x0] =	vst.idx.msk $0xffff, v5  }
0x3ee: {  	s24 =	sand.u32 $0xFE0000, s30;
	[tilespmem:v16+s17+$0x0] =	vst.idx.msk $0xffff, v6  }
0x3ef: {  	s31 =	simm.s32 $0xE400;
	s25 =	simm.s32 $0x460;
	s24 =	sadd.s32 s24, s7;
	v20 =	vmovc v0;
	v21 =	vmovc v11;
	v10 =	vmov v46;
	v9 =	vmov v14;
	v17 =	vmov v3;
	[tilespmem:v7+s17+$0x0] =	vst.idx.msk $0xffff, v1  }
0x3f0: {  	v18 =	vmovc v4;
	v8 =	vmovc v15;
	v5 =	vmov v12;
	v7 =	vmov v13;
	[hbm4b:s24+s4] =	stream.linear.scatter [tilespmem:s31], [sflag:$0x3], $0x100, $0x38;
	v6 =	vmov v37;
	[tilespmem:$0x17080] =	vst v63  }
.LBB2_15:
0x3f1: {  	p0 =	sne.s32 s25, $0x113A0  }
.Ltmp11:
0x3f2: {  	_ = 	snop;
	(pc) =	sbr.rel @p0 .LBB2_15-.Ltmp11, $4  }
0x3f3: {  	_ = 	snop  }
0x3f4: {  	s26 =	sshra.s32 s25, $0x2;
	s25 =	sadd.s32 $0x460, s25  }
0x3f5: {  	s24 =	sadd.s32 $0x800, s24;
	s26 =	sadd.s32 $0xE400, s26  }
0x3f6: {  	[hbm4b:s24+s4] =	stream.linear.scatter [tilespmem:s26], [sflag:$0x3], $0x100, $0x38;
	[tilespmem:$0x17080] =	vst v63  }
.Ltmp12:
0x3f7: {  	_ = 	snop;
	(pc) =	sbr.rel .LBB2_16-.Ltmp12, $1  }
0x3f8: {  	_ =	sdelay $0x3  }
.LBB2_19:
0x3f9: {  	_ =	sfence.sel $0x180000  }
0x3fa: {  	[bflag:$0x0] =	sbarrier.arrive $0xFFFF  }
0x3fb: {  	p0 =	sne.s32 s3, $0x0;
	_ =	strace $0x90000047  }
0x3fc: {  	s0 =	sadd.s32 @!p0 $0x100000, s0;
	[bflag:$0x2] =	sbarrier.arrive $0xFFFF  }
0x3fd: {  	[sflag:s0] =	ssyncadd.tile.s32 @!p0 $0x1;
	_ =	shalt  }
.Lfunc_end2:
_tile_overlayer_lowered:
.L_overlay_start_2:
0x3fe: {  	(tag) =	ssettag $0x2  }
0x3ff: {  	s0 =	rddreg [dreg:$0x0];
	s2 =	stileid.u32  }
0x400: {  	s1 =	rddreg [dreg:$0x1];
	p0 =	sne.s32 s2, $0x0  }
0x401: {  	s3 =	rddreg [dreg:$0x2];
	[bflag:$0x3] =	sbarrier.arrive $0xFFFF;
	s2 =	simm.s32 @!p0 $0x1C05  }
0x402: {  	[timem:s3], [sflag:s2] =	dma.local @!p0 [hbm:s0], s1  }
0x403: {  	s0 =	simm.s32 @!p0 $0x5  }
0x404: {  	_ =	swait.ge @!p0 [sflag:s0], s1  }
0x405: {  	s1 =	ssub.s32 @!p0 $0x0, s1;
	[sflag:s0] =	ssyncset.done @!p0 $0x0  }
0x406: {  	[sflag:s0] =	ssyncadd.s32 @!p0 s1  }
0x407: {  	[bflag:$0x3] =	sbarrier.arrive $0xFFFF  }
0x408: {  	_ =	shalt  }

</sc_bundles>
